<compile_context>
chip_gen: v7x
topology: tpu7x:2x2x1
jax: 0.10.2.dev20260603
libtpu: 0.0.44.dev20260713+nightly
codegen_flags: <defaults>
</compile_context>

<pallas_src>
import functools

import numpy as np

import jax
import jax.numpy as jnp
from jax import lax
from jax.experimental import pallas as pl
from jax.experimental.pallas import tpu as pltpu
from jax.experimental.pallas import tpu_sc as plsc

N = 10000
E = 160000
D = 256
DO = 64
DH = D // 2
NC, NS, L = 2, 16, 16

BLK = 1000
CH = 125
NCHT = E // (NS * CH)
NCHD = E // (NC * NS * CH)
NCH2 = NCHT // 2
NP = 10240
RPT = NP // NS



_ONES_D = np.ones((CH, DH), np.float32)
_ZERO_D = np.zeros((NP // NS, DH), np.float32)



def _gru1(w, wi, wh, bi, bh):
    def body(w_ref, wit_ref, wht_ref, bi_ref, bh_ref, o_ref):
        wv = w_ref[...]
        gi = jnp.dot(wv, wit_ref[...], preferred_element_type=jnp.float32) + bi_ref[...]
        gh = jnp.dot(wv, wht_ref[...], preferred_element_type=jnp.float32) + bh_ref[...]
        r = jax.nn.sigmoid(gi[:, :D] + gh[:, :D])
        z = jax.nn.sigmoid(gi[:, D:2 * D] + gh[:, D:2 * D])
        n = jnp.tanh(gi[:, 2 * D:] + r * gh[:, 2 * D:])
        o_ref[...] = (1.0 - z) * n + z * wv
    return pl.pallas_call(
        body,
        out_shape=jax.ShapeDtypeStruct((D, D), jnp.float32),
    )(w, wi.T, wh.T, bi.reshape(1, -1), bh.reshape(1, -1))


def _mm1s_body(x_ref, w_ref, d_ref, h_ref, hs_ref, dinv_ref):
    h = jnp.dot(x_ref[...], w_ref[...], preferred_element_type=jnp.float32)
    h_ref[...] = h
    deg = 1.0 + d_ref[0, :, :L] + d_ref[1, :, :L]
    dinv = 1.0 / jnp.sqrt(deg)
    dinv_ref[...] = dinv
    hs = dinv[:, :1] * h
    hs_ref[0] = hs[:, :DH]
    hs_ref[1] = hs[:, DH:]


def _mm1s(x, w, degp):
    return pl.pallas_call(
        _mm1s_body,
        grid=(N // BLK,),
        in_specs=[
            pl.BlockSpec((BLK, D), lambda i: (i, 0)),
            pl.BlockSpec((D, D), lambda i: (0, 0)),
            pl.BlockSpec((NC, BLK, DH), lambda i: (0, i, 0)),
        ],
        out_specs=[
            pl.BlockSpec((BLK, D), lambda i: (i, 0)),
            pl.BlockSpec((NC, BLK, DH), lambda i: (0, i, 0)),
            pl.BlockSpec((BLK, L), lambda i: (i, 0)),
        ],
        out_shape=[
            jax.ShapeDtypeStruct((N, D), jnp.float32),
            jax.ShapeDtypeStruct((NC, NP, DH), jnp.float32),
            jax.ShapeDtypeStruct((N, L), jnp.float32),
        ],
    )(x, w, degp)


def _ep1mm2_body(acc_ref, h_ref, dinv_ref, w0_ref, b0_ref, w2_ref,
                 g_ref, hs_ref):
    dinv = dinv_ref[:, :1]
    acc = jnp.concatenate([acc_ref[0], acc_ref[1]], axis=1)
    t = dinv * acc + (dinv * dinv) * h_ref[...]
    t = jnp.maximum(t, 0.0)
    h2 = jnp.dot(t, w0_ref[...], preferred_element_type=jnp.float32) + b0_ref[...]
    g = jnp.dot(h2, w2_ref[...], preferred_element_type=jnp.float32)
    g_ref[...] = g
    hs = dinv * g
    hs_ref[0] = hs[:, :DH]
    hs_ref[1] = hs[:, DH:]


def _ep1mm2(acc, h, dinv, w0, b0, w2):
    return pl.pallas_call(
        _ep1mm2_body,
        grid=(N // BLK,),
        in_specs=[
            pl.BlockSpec((NC, BLK, DH), lambda i: (0, i, 0)),
            pl.BlockSpec((BLK, D), lambda i: (i, 0)),
            pl.BlockSpec((BLK, L), lambda i: (i, 0)),
            pl.BlockSpec((D, D), lambda i: (0, 0)),
            pl.BlockSpec((1, D), lambda i: (0, 0)),
            pl.BlockSpec((D, D), lambda i: (0, 0)),
        ],
        out_specs=[
            pl.BlockSpec((BLK, D), lambda i: (i, 0)),
            pl.BlockSpec((NC, BLK, DH), lambda i: (0, i, 0)),
        ],
        out_shape=[
            jax.ShapeDtypeStruct((N, D), jnp.float32),
            jax.ShapeDtypeStruct((NC, NP, DH), jnp.float32),
        ],
    )(acc, h, dinv, w0.T, b0.reshape(1, -1), w2)


def _ep2_body(acc_ref, g_ref, dinv_ref, w_ref, b_ref, o_ref):
    dinv = dinv_ref[:, :1]
    acc = jnp.concatenate([acc_ref[0], acc_ref[1]], axis=1)
    t = dinv * acc + (dinv * dinv) * g_ref[...]
    o_ref[...] = jax.nn.sigmoid(
        jnp.dot(t, w_ref[...], preferred_element_type=jnp.float32) + b_ref[...])


def _ep2(acc, g, dinv, w, b):
    return pl.pallas_call(
        _ep2_body,
        grid=(N // BLK,),
        in_specs=[
            pl.BlockSpec((NC, BLK, DH), lambda i: (0, i, 0)),
            pl.BlockSpec((BLK, D), lambda i: (i, 0)),
            pl.BlockSpec((BLK, L), lambda i: (i, 0)),
            pl.BlockSpec((D, DO), lambda i: (0, 0)),
            pl.BlockSpec((1, DO), lambda i: (0, 0)),
        ],
        out_specs=pl.BlockSpec((BLK, DO), lambda i: (i, 0)),
        out_shape=jax.ShapeDtypeStruct((N, DO), jnp.float32),
    )(acc, g, dinv, w.T, b.reshape(1, -1))



@functools.lru_cache(maxsize=None)
def _sc_mesh():
    return plsc.VectorSubcoreMesh(core_axis_name="c", subcore_axis_name="s",
                                  num_cores=NC, num_subcores=NS)


@functools.lru_cache(maxsize=None)
def _deg_sc_kernel():
    return pl.kernel(
        _deg_sc_body,
        out_type=jax.ShapeDtypeStruct((NC, NP, DH), jnp.float32),
        mesh=_sc_mesh(),
        scratch_types=[
            pltpu.VMEM((NCHD, CH), jnp.int32),
            pltpu.VMEM((CH, DH), jnp.float32),
            pltpu.VMEM_SHARED((NP, DH), jnp.float32),
        ],
    )


def _deg_sc_body(ei_hbm, ones_hbm, zero_hbm, out_hbm, dsti, ones_v, acc):
    c = lax.axis_index("c")
    s = lax.axis_index("s")
    rbase = s * RPT

    pltpu.sync_copy(ei_hbm.at[1].at[pl.ds((c * NS + s) * NCHD, NCHD)], dsti)
    pltpu.sync_copy(ones_hbm, ones_v)
    pltpu.sync_copy(zero_hbm, acc.at[pl.ds(rbase, RPT)])

    plsc.subcore_barrier()

    @pl.loop(0, NCHD)
    def _(j):
        pltpu.sync_copy(ones_v, acc.at[dsti.at[j]], add=True)

    plsc.subcore_barrier()

    pltpu.sync_copy(acc.at[pl.ds(rbase, RPT)], out_hbm.at[c].at[pl.ds(rbase, RPT)])


@functools.lru_cache(maxsize=None)
def _scatter_sc_kernel():
    return pl.kernel(
        _scatter_sc_body,
        out_type=jax.ShapeDtypeStruct((NC, NP, DH), jnp.float32),
        mesh=_sc_mesh(),
        scratch_types=[
            pltpu.VMEM((NCH2, CH), jnp.int32),
            pltpu.VMEM((NCH2, CH), jnp.int32),
            pltpu.VMEM((CH, DH), jnp.float32),
            pltpu.VMEM((CH, DH), jnp.float32),
            pltpu.VMEM_SHARED((NP, DH), jnp.float32),
            pltpu.SemaphoreType.DMA,
            pltpu.SemaphoreType.DMA,
        ],
    )


def _scatter_sc_body(hs_hbm, ei_hbm, zero_hbm, out_hbm,
                     srci, dsti, rows0, rows1, acc, sem0, sem1):
    c = lax.axis_index("c")
    s = lax.axis_index("s")
    rbase = s * RPT

    pltpu.sync_copy(zero_hbm, acc.at[pl.ds(rbase, RPT)])

    plsc.subcore_barrier()

    hsc = hs_hbm.at[c]
    for h in range(2):
        cb = s * NCHT + h * NCH2
        pltpu.sync_copy(ei_hbm.at[0].at[pl.ds(cb, NCH2)], srci)
        pltpu.sync_copy(ei_hbm.at[1].at[pl.ds(cb, NCH2)], dsti)

        pltpu.async_copy(hsc.at[srci.at[0]], rows0, sem0)
        pltpu.async_copy(hsc.at[srci.at[1]], rows1, sem1)

        @pl.loop(0, NCH2 - 2, step=2)
        def _(j):
            pltpu.make_async_copy(hsc.at[srci.at[j]], rows0, sem0).wait()
            pltpu.sync_copy(rows0, acc.at[dsti.at[j]], add=True)
            pltpu.async_copy(hsc.at[srci.at[j + 2]], rows0, sem0)
            pltpu.make_async_copy(hsc.at[srci.at[j + 1]], rows1, sem1).wait()
            pltpu.sync_copy(rows1, acc.at[dsti.at[j + 1]], add=True)
            pltpu.async_copy(hsc.at[srci.at[j + 3]], rows1, sem1)

        pltpu.make_async_copy(hsc.at[srci.at[NCH2 - 2]], rows0, sem0).wait()
        pltpu.sync_copy(rows0, acc.at[dsti.at[NCH2 - 2]], add=True)
        pltpu.make_async_copy(hsc.at[srci.at[NCH2 - 1]], rows1, sem1).wait()
        pltpu.sync_copy(rows1, acc.at[dsti.at[NCH2 - 1]], add=True)

    plsc.subcore_barrier()

    pltpu.sync_copy(acc.at[pl.ds(rbase, RPT)], out_hbm.at[c].at[pl.ds(rbase, RPT)])



def kernel(x, edge_index, weight1, gru1_wi, gru1_wh, gru1_bi, gru1_bh,
           weight2, gru2_wi, gru2_wh, gru2_bi, gru2_bh,
           lin0_w, lin0_b, lin1_w, lin1_b):
    ei3 = edge_index.astype(jnp.int32).reshape(2, E // CH, CH)

    degp = _deg_sc_kernel()(ei3, _ONES_D, _ZERO_D)
    degp = jnp.maximum(degp, 0.0)
    wt1 = _gru1(weight1, gru1_wi, gru1_wh, gru1_bi, gru1_bh)
    wt2 = _gru1(weight2, gru2_wi, gru2_wh, gru2_bi, gru2_bh)
    h1, hs1, dinv = _mm1s(x, wt1, degp)
    acc1 = _scatter_sc_kernel()(hs1, ei3, _ZERO_D)
    g2, hs2 = _ep1mm2(acc1, h1, dinv, lin0_w, lin0_b, wt2)
    acc2 = _scatter_sc_kernel()(hs2, ei3, _ZERO_D)
    return _ep2(acc2, g2, dinv, lin1_w, lin1_b)

# --- scband reference (transcript-rebuilt; emitter-appended) ---
"""Pipeline reference for scband-evolve-gnn-15985868276253 (READ-ONLY COPY).

The authoritative reference and input builder live on the scoring server;
editing this copy changes nothing except your own understanding.
"""

import jax, jax.numpy as jnp
import numpy as np

N_NODES = 10000
E = 160000
D_IN = 256
D_HID = 256
D_OUT = 64


def gru_step(x, h, wi, wh, bi, bh):
    # Single-step torch.nn.GRU (num_layers=1): x is input [B, D], h is hidden [B, D]
    gi = x @ wi.T + bi
    gh = h @ wh.T + bh
    i_r, i_z, i_n = jnp.split(gi, 3, axis=1)
    h_r, h_z, h_n = jnp.split(gh, 3, axis=1)
    r = jax.nn.sigmoid(i_r + h_r)
    z = jax.nn.sigmoid(i_z + h_z)
    n = jnp.tanh(i_n + r * h_n)
    return (1.0 - z) * n + z * h


def evolve_gcn_o(x, edge_index, W, wi, wh, bi, bh):
    # EvolveGCNO: weight evolved by GRU (input=W, hidden=W), then GCN conv with fixed W
    Wt = gru_step(W, W, wi, wh, bi, bh)
    h = x @ Wt
    N = x.shape[0]
    src = edge_index[0]
    dst = edge_index[1]
    loop = jnp.arange(N, dtype=src.dtype)
    src_sl = jnp.concatenate([src, loop])
    dst_sl = jnp.concatenate([dst, loop])
    ew = jnp.ones(src_sl.shape[0], dtype=x.dtype)
    deg = jax.ops.segment_sum(ew, dst_sl, num_segments=N)
    dinv = jnp.where(deg > 0, 1.0 / jnp.sqrt(deg), 0.0)
    norm = dinv[src_sl] * dinv[dst_sl]
    msg = norm[:, None] * h[src_sl]
    out = jax.ops.segment_sum(msg, dst_sl, num_segments=N)
    return out


def setup_inputs(seed: int = 0) -> dict:
    key = jax.random.key(seed)
    ks = jax.random.split(key, 16)
    s_in = 1.0 / np.sqrt(D_IN)
    s_hid = 1.0 / np.sqrt(D_HID)
    x = jax.random.normal(ks[0], (N_NODES, D_IN), dtype=jnp.float32)
    edge_index = jax.random.randint(ks[1], (2, E), 0, N_NODES, dtype=jnp.int64)
    weight1 = jax.random.normal(ks[2], (D_IN, D_IN), dtype=jnp.float32) * s_in
    gru1_wi = jax.random.normal(ks[3], (3 * D_IN, D_IN), dtype=jnp.float32) * s_in
    gru1_wh = jax.random.normal(ks[4], (3 * D_IN, D_IN), dtype=jnp.float32) * s_in
    gru1_bi = jax.random.normal(ks[5], (3 * D_IN,), dtype=jnp.float32) * s_in
    gru1_bh = jax.random.normal(ks[6], (3 * D_IN,), dtype=jnp.float32) * s_in
    weight2 = jax.random.normal(ks[7], (D_HID, D_HID), dtype=jnp.float32) * s_hid
    gru2_wi = jax.random.normal(ks[8], (3 * D_HID, D_HID), dtype=jnp.float32) * s_hid
    gru2_wh = jax.random.normal(ks[9], (3 * D_HID, D_HID), dtype=jnp.float32) * s_hid
    gru2_bi = jax.random.normal(ks[10], (3 * D_HID,), dtype=jnp.float32) * s_hid
    gru2_bh = jax.random.normal(ks[11], (3 * D_HID,), dtype=jnp.float32) * s_hid
    lin0_w = jax.random.normal(ks[12], (D_HID, D_IN), dtype=jnp.float32) * s_in
    lin0_b = jax.random.normal(ks[13], (D_HID,), dtype=jnp.float32) * s_in
    lin1_w = jax.random.normal(ks[14], (D_OUT, D_HID), dtype=jnp.float32) * s_hid
    lin1_b = jax.random.normal(ks[15], (D_OUT,), dtype=jnp.float32) * s_hid
    return {
        'x': x, 'edge_index': edge_index,
        'weight1': weight1, 'gru1_wi': gru1_wi, 'gru1_wh': gru1_wh, 'gru1_bi': gru1_bi, 'gru1_bh': gru1_bh,
        'weight2': weight2, 'gru2_wi': gru2_wi, 'gru2_wh': gru2_wh, 'gru2_bi': gru2_bi, 'gru2_bh': gru2_bh,
        'lin0_w': lin0_w, 'lin0_b': lin0_b, 'lin1_w': lin1_w, 'lin1_b': lin1_b,
    }


def reference(x, edge_index, weight1, gru1_wi, gru1_wh, gru1_bi, gru1_bh,
              weight2, gru2_wi, gru2_wh, gru2_bi, gru2_bh,
              lin0_w, lin0_b, lin1_w, lin1_b):
    h = jax.nn.relu(evolve_gcn_o(x, edge_index, weight1, gru1_wi, gru1_wh, gru1_bi, gru1_bh))
    h = h @ lin0_w.T + lin0_b  # dropout(p=0.5) treated as identity for determinism
    h = evolve_gcn_o(h, edge_index, weight2, gru2_wi, gru2_wh, gru2_bi, gru2_bh)
    h = h @ lin1_w.T + lin1_b
    return jax.nn.sigmoid(h)  # multi_class=False -> sigmoid

if __name__ == "__main__":
    import jax
    _d = setup_inputs()
    print(jax.jit(kernel)(*tuple(_d.values())))

</pallas_src>

<mosaic_0001>
#map = affine_map<(d0, d1) -> (0, 0, 0)>
#map1 = affine_map<(d0, d1) -> (0, 0)>
module attributes {stable_mosaic.version = 14 : i64} {
  func.func @_scatter_sc_body(%arg0: i32, %arg1: i32, %arg2: memref<2x10240x128xf32, #tpu.memory_space<hbm>>, %arg3: memref<2x1280x125xi32, #tpu.memory_space<hbm>>, %arg4: memref<640x128xf32, #tpu.memory_space<hbm>>, %arg5: memref<2x10240x128xf32, #tpu.memory_space<hbm>>, %arg6: memref<40x125xi32, #tpu.memory_space<vmem>>, %arg7: memref<40x125xi32, #tpu.memory_space<vmem>>, %arg8: memref<125x128xf32, #tpu.memory_space<vmem>>, %arg9: memref<125x128xf32, #tpu.memory_space<vmem>>, %arg10: memref<10240x128xf32, #tpu.memory_space<vmem_shared>>, %arg11: memref<!tpu.dma_semaphore, #tpu.memory_space<semaphore_mem>>, %arg12: memref<!tpu.dma_semaphore, #tpu.memory_space<semaphore_mem>>) attributes {dimension_semantics = [#tpu.dimension_semantics<core_parallel>, #tpu.dimension_semantics<subcore_parallel>], iteration_bounds = array<i64: 2, 16>, scalar_prefetch = 0 : i64, scratch_operands = 7 : i64, tpu.core_type = #tpu.core_type<sc_vector_subcore>, window_params = [{transform_indices = #map}, {transform_indices = #map}, {transform_indices = #map1}, {transform_indices = #map}]} {
    %mul3A = arith.constant 640 : i32
    %mul3A_0 = arith.muli %arg1, %mul3A : i32
    "tpu.region"() ({
      %run_scoped3A_111 = tpu.sem_alloc : memref<!tpu.dma_semaphore, #tpu.memory_space<semaphore_mem>>
      %dma_start3A_112 = arith.constant 0 : i32
      %dma_start3A_113 = tpu.memref_slice %arg10[%mul3A_0, %dma_start3A_112] : memref<10240x128xf32, #tpu.memory_space<vmem_shared>> -> memref<640x128xf32, #tpu.memory_space<vmem_shared>>
      tpu.enqueue_dma source(%arg4 : memref<640x128xf32, #tpu.memory_space<hbm>>) target(%dma_start3A_113 : memref<640x128xf32, #tpu.memory_space<vmem_shared>>) target_semaphore(%run_scoped3A_111 : memref<!tpu.dma_semaphore, #tpu.memory_space<semaphore_mem>>)
      %dma_wait3A_114 = arith.constant 0 : i32
      %dma_wait3A_115 = tpu.memref_slice %arg10[%mul3A_0, %dma_wait3A_114] : memref<10240x128xf32, #tpu.memory_space<vmem_shared>> -> memref<640x128xf32, #tpu.memory_space<vmem_shared>>
      tpu.wait_dma2 semaphore(%run_scoped3A_111 : memref<!tpu.dma_semaphore, #tpu.memory_space<semaphore_mem>>) src(%arg4 : memref<640x128xf32, #tpu.memory_space<hbm>>) dst(%dma_wait3A_115 : memref<640x128xf32, #tpu.memory_space<vmem_shared>>)
      tpu.yield
    }) : () -> ()
    %barrier3A = arith.constant 0 : index
    tpu.barrier barrier_id(%barrier3A)
    %mul3A_1 = arith.constant 80 : i32
    %mul3A_2 = arith.muli %arg1, %mul3A_1 : i32
    %add3A = arith.constant 0 : i32
    %add3A_3 = arith.addi %mul3A_2, %add3A : i32
    %run_scoped3A = arith.constant 0 : i32
    "tpu.region"() ({
      %run_scoped3A_111 = tpu.sem_alloc : memref<!tpu.dma_semaphore, #tpu.memory_space<semaphore_mem>>
      %dma_start3A_112 = arith.constant 0 : i32
      %dma_start3A_113 = arith.constant 0 : i32
      %dma_start3A_114 = tpu.memref_slice %arg3[%run_scoped3A, %dma_start3A_112, %dma_start3A_113] : memref<2x1280x125xi32, #tpu.memory_space<hbm>> -> memref<1x1280x125xi32, #tpu.memory_space<hbm>>
      %dma_start3A_115 = tpu.memref_squeeze %dma_start3A_114 : memref<1x1280x125xi32, #tpu.memory_space<hbm>> -> memref<1280x125xi32, #tpu.memory_space<hbm>>
      %dma_start3A_116 = arith.constant 0 : i32
      %dma_start3A_117 = tpu.memref_slice %dma_start3A_115[%add3A_3, %dma_start3A_116] : memref<1280x125xi32, #tpu.memory_space<hbm>> -> memref<40x125xi32, #tpu.memory_space<hbm>>
      %dma_start3A_118 = arith.constant 0 : i32
      %dma_start3A_119 = arith.constant 0 : i32
      %dma_start3A_120 = tpu.memref_slice %arg3[%run_scoped3A, %dma_start3A_118, %dma_start3A_119] : memref<2x1280x125xi32, #tpu.memory_space<hbm>> -> memref<1x1280x125xi32, #tpu.memory_space<hbm>>
      %dma_start3A_121 = tpu.memref_squeeze %dma_start3A_120 : memref<1x1280x125xi32, #tpu.memory_space<hbm>> -> memref<1280x125xi32, #tpu.memory_space<hbm>>
      %dma_start3A_122 = arith.constant 0 : i32
      %dma_start3A_123 = tpu.memref_slice %dma_start3A_121[%add3A_3, %dma_start3A_122] : memref<1280x125xi32, #tpu.memory_space<hbm>> -> memref<40x125xi32, #tpu.memory_space<hbm>>
      tpu.enqueue_dma source(%dma_start3A_123 : memref<40x125xi32, #tpu.memory_space<hbm>>) target(%arg6 : memref<40x125xi32, #tpu.memory_space<vmem>>) target_semaphore(%run_scoped3A_111 : memref<!tpu.dma_semaphore, #tpu.memory_space<semaphore_mem>>)
      %dma_wait3A_124 = arith.constant 0 : i32
      %dma_wait3A_125 = arith.constant 0 : i32
      %dma_wait3A_126 = tpu.memref_slice %arg3[%run_scoped3A, %dma_wait3A_124, %dma_wait3A_125] : memref<2x1280x125xi32, #tpu.memory_space<hbm>> -> memref<1x1280x125xi32, #tpu.memory_space<hbm>>
      %dma_wait3A_127 = tpu.memref_squeeze %dma_wait3A_126 : memref<1x1280x125xi32, #tpu.memory_space<hbm>> -> memref<1280x125xi32, #tpu.memory_space<hbm>>
      %dma_wait3A_128 = arith.constant 0 : i32
      %dma_wait3A_129 = tpu.memref_slice %dma_wait3A_127[%add3A_3, %dma_wait3A_128] : memref<1280x125xi32, #tpu.memory_space<hbm>> -> memref<40x125xi32, #tpu.memory_space<hbm>>
      %dma_wait3A_130 = arith.constant 0 : i32
      %dma_wait3A_131 = arith.constant 0 : i32
      %dma_wait3A_132 = tpu.memref_slice %arg3[%run_scoped3A, %dma_wait3A_130, %dma_wait3A_131] : memref<2x1280x125xi32, #tpu.memory_space<hbm>> -> memref<1x1280x125xi32, #tpu.memory_space<hbm>>
      %dma_wait3A_133 = tpu.memref_squeeze %dma_wait3A_132 : memref<1x1280x125xi32, #tpu.memory_space<hbm>> -> memref<1280x125xi32, #tpu.memory_space<hbm>>
      %dma_wait3A_134 = arith.constant 0 : i32
      %dma_wait3A_135 = tpu.memref_slice %dma_wait3A_133[%add3A_3, %dma_wait3A_134] : memref<1280x125xi32, #tpu.memory_space<hbm>> -> memref<40x125xi32, #tpu.memory_space<hbm>>
      tpu.wait_dma2 semaphore(%run_scoped3A_111 : memref<!tpu.dma_semaphore, #tpu.memory_space<semaphore_mem>>) src(%dma_wait3A_135 : memref<40x125xi32, #tpu.memory_space<hbm>>) dst(%arg6 : memref<40x125xi32, #tpu.memory_space<vmem>>)
      tpu.yield
    }) : () -> ()
    %run_scoped3A_4 = arith.constant 1 : i32
    "tpu.region"() ({
      %run_scoped3A_111 = tpu.sem_alloc : memref<!tpu.dma_semaphore, #tpu.memory_space<semaphore_mem>>
      %dma_start3A_112 = arith.constant 0 : i32
      %dma_start3A_113 = arith.constant 0 : i32
      %dma_start3A_114 = tpu.memref_slice %arg3[%run_scoped3A_4, %dma_start3A_112, %dma_start3A_113] : memref<2x1280x125xi32, #tpu.memory_space<hbm>> -> memref<1x1280x125xi32, #tpu.memory_space<hbm>>
      %dma_start3A_115 = tpu.memref_squeeze %dma_start3A_114 : memref<1x1280x125xi32, #tpu.memory_space<hbm>> -> memref<1280x125xi32, #tpu.memory_space<hbm>>
      %dma_start3A_116 = arith.constant 0 : i32
      %dma_start3A_117 = tpu.memref_slice %dma_start3A_115[%add3A_3, %dma_start3A_116] : memref<1280x125xi32, #tpu.memory_space<hbm>> -> memref<40x125xi32, #tpu.memory_space<hbm>>
      %dma_start3A_118 = arith.constant 0 : i32
      %dma_start3A_119 = arith.constant 0 : i32
      %dma_start3A_120 = tpu.memref_slice %arg3[%run_scoped3A_4, %dma_start3A_118, %dma_start3A_119] : memref<2x1280x125xi32, #tpu.memory_space<hbm>> -> memref<1x1280x125xi32, #tpu.memory_space<hbm>>
      %dma_start3A_121 = tpu.memref_squeeze %dma_start3A_120 : memref<1x1280x125xi32, #tpu.memory_space<hbm>> -> memref<1280x125xi32, #tpu.memory_space<hbm>>
      %dma_start3A_122 = arith.constant 0 : i32
      %dma_start3A_123 = tpu.memref_slice %dma_start3A_121[%add3A_3, %dma_start3A_122] : memref<1280x125xi32, #tpu.memory_space<hbm>> -> memref<40x125xi32, #tpu.memory_space<hbm>>
      tpu.enqueue_dma source(%dma_start3A_123 : memref<40x125xi32, #tpu.memory_space<hbm>>) target(%arg7 : memref<40x125xi32, #tpu.memory_space<vmem>>) target_semaphore(%run_scoped3A_111 : memref<!tpu.dma_semaphore, #tpu.memory_space<semaphore_mem>>)
      %dma_wait3A_124 = arith.constant 0 : i32
      %dma_wait3A_125 = arith.constant 0 : i32
      %dma_wait3A_126 = tpu.memref_slice %arg3[%run_scoped3A_4, %dma_wait3A_124, %dma_wait3A_125] : memref<2x1280x125xi32, #tpu.memory_space<hbm>> -> memref<1x1280x125xi32, #tpu.memory_space<hbm>>
      %dma_wait3A_127 = tpu.memref_squeeze %dma_wait3A_126 : memref<1x1280x125xi32, #tpu.memory_space<hbm>> -> memref<1280x125xi32, #tpu.memory_space<hbm>>
      %dma_wait3A_128 = arith.constant 0 : i32
      %dma_wait3A_129 = tpu.memref_slice %dma_wait3A_127[%add3A_3, %dma_wait3A_128] : memref<1280x125xi32, #tpu.memory_space<hbm>> -> memref<40x125xi32, #tpu.memory_space<hbm>>
      %dma_wait3A_130 = arith.constant 0 : i32
      %dma_wait3A_131 = arith.constant 0 : i32
      %dma_wait3A_132 = tpu.memref_slice %arg3[%run_scoped3A_4, %dma_wait3A_130, %dma_wait3A_131] : memref<2x1280x125xi32, #tpu.memory_space<hbm>> -> memref<1x1280x125xi32, #tpu.memory_space<hbm>>
      %dma_wait3A_133 = tpu.memref_squeeze %dma_wait3A_132 : memref<1x1280x125xi32, #tpu.memory_space<hbm>> -> memref<1280x125xi32, #tpu.memory_space<hbm>>
      %dma_wait3A_134 = arith.constant 0 : i32
      %dma_wait3A_135 = tpu.memref_slice %dma_wait3A_133[%add3A_3, %dma_wait3A_134] : memref<1280x125xi32, #tpu.memory_space<hbm>> -> memref<40x125xi32, #tpu.memory_space<hbm>>
      tpu.wait_dma2 semaphore(%run_scoped3A_111 : memref<!tpu.dma_semaphore, #tpu.memory_space<semaphore_mem>>) src(%dma_wait3A_135 : memref<40x125xi32, #tpu.memory_space<hbm>>) dst(%arg7 : memref<40x125xi32, #tpu.memory_space<vmem>>)
      tpu.yield
    }) : () -> ()
    %dma_start3A = arith.constant 0 : i32
    %dma_start3A_5 = arith.constant 0 : i32
    %dma_start3A_6 = tpu.memref_slice %arg6[%dma_start3A, %dma_start3A_5] : memref<40x125xi32, #tpu.memory_space<vmem>> -> memref<1x125xi32, #tpu.memory_space<vmem>>
    %dma_start3A_7 = tpu.memref_squeeze %dma_start3A_6 : memref<1x125xi32, #tpu.memory_space<vmem>> -> memref<125xi32, #tpu.memory_space<vmem>>
    %dma_start3A_8 = arith.constant 0 : i32
    %dma_start3A_9 = arith.constant 0 : i32
    %dma_start3A_10 = tpu.memref_slice %arg2[%arg0, %dma_start3A_8, %dma_start3A_9] : memref<2x10240x128xf32, #tpu.memory_space<hbm>> -> memref<1x10240x128xf32, #tpu.memory_space<hbm>>
    %dma_start3A_11 = tpu.memref_squeeze %dma_start3A_10 : memref<1x10240x128xf32, #tpu.memory_space<hbm>> -> memref<10240x128xf32, #tpu.memory_space<hbm>>
    %dma_start3A_12 = arith.constant 0 : i32
    %dma_start3A_13 = arith.constant 0 : i32
    %dma_start3A_14 = tpu.memref_slice %dma_start3A_11[%dma_start3A_12, %dma_start3A_13] : memref<10240x128xf32, #tpu.memory_space<hbm>> -> memref<10240x128xf32, #tpu.memory_space<hbm>>
    tpu.enqueue_indirect_dma source(%dma_start3A_14 : memref<10240x128xf32, #tpu.memory_space<hbm>>) target(%arg8 : memref<125x128xf32, #tpu.memory_space<vmem>>) offsets(%dma_start3A_7 : memref<125xi32, #tpu.memory_space<vmem>>) semaphore(%arg11 : memref<!tpu.dma_semaphore, #tpu.memory_space<semaphore_mem>>)
    %dma_start3A_15 = arith.constant 1 : i32
    %dma_start3A_16 = arith.constant 0 : i32
    %dma_start3A_17 = tpu.memref_slice %arg6[%dma_start3A_15, %dma_start3A_16] : memref<40x125xi32, #tpu.memory_space<vmem>> -> memref<1x125xi32, #tpu.memory_space<vmem>>
    %dma_start3A_18 = tpu.memref_squeeze %dma_start3A_17 : memref<1x125xi32, #tpu.memory_space<vmem>> -> memref<125xi32, #tpu.memory_space<vmem>>
    %dma_start3A_19 = arith.constant 0 : i32
    %dma_start3A_20 = arith.constant 0 : i32
    %dma_start3A_21 = tpu.memref_slice %arg2[%arg0, %dma_start3A_19, %dma_start3A_20] : memref<2x10240x128xf32, #tpu.memory_space<hbm>> -> memref<1x10240x128xf32, #tpu.memory_space<hbm>>
    %dma_start3A_22 = tpu.memref_squeeze %dma_start3A_21 : memref<1x10240x128xf32, #tpu.memory_space<hbm>> -> memref<10240x128xf32, #tpu.memory_space<hbm>>
    %dma_start3A_23 = arith.constant 0 : i32
    %dma_start3A_24 = arith.constant 0 : i32
    %dma_start3A_25 = tpu.memref_slice %dma_start3A_22[%dma_start3A_23, %dma_start3A_24] : memref<10240x128xf32, #tpu.memory_space<hbm>> -> memref<10240x128xf32, #tpu.memory_space<hbm>>
    tpu.enqueue_indirect_dma source(%dma_start3A_25 : memref<10240x128xf32, #tpu.memory_space<hbm>>) target(%arg9 : memref<125x128xf32, #tpu.memory_space<vmem>>) offsets(%dma_start3A_18 : memref<125xi32, #tpu.memory_space<vmem>>) semaphore(%arg12 : memref<!tpu.dma_semaphore, #tpu.memory_space<semaphore_mem>>)
    %scan3A = arith.constant 0 : i32
    %scan3A_26 = arith.constant 19 : i32
    %scan3A_27 = arith.addi %scan3A, %scan3A_26 : i32
    %scan3A_28 = arith.constant 1 : i32
    scf.for %scan3A_111 = %scan3A to %scan3A_27 step %scan3A_28  : i32 {
      %mul3A_112 = arith.constant 2 : i32
      %mul3A_113 = arith.muli %scan3A_111, %mul3A_112 : i32
      %add3A_114 = arith.constant 0 : i32
      %add3A_115 = arith.addi %add3A_114, %mul3A_113 : i32
      %dma_wait3A_116 = arith.constant 0 : i32
      %dma_wait3A_117 = tpu.memref_slice %arg6[%add3A_115, %dma_wait3A_116] : memref<40x125xi32, #tpu.memory_space<vmem>> -> memref<1x125xi32, #tpu.memory_space<vmem>>
      %dma_wait3A_118 = tpu.memref_squeeze %dma_wait3A_117 : memref<1x125xi32, #tpu.memory_space<vmem>> -> memref<125xi32, #tpu.memory_space<vmem>>
      %dma_wait3A_119 = arith.constant 0 : i32
      %dma_wait3A_120 = arith.constant 0 : i32
      %dma_wait3A_121 = tpu.memref_slice %arg2[%arg0, %dma_wait3A_119, %dma_wait3A_120] : memref<2x10240x128xf32, #tpu.memory_space<hbm>> -> memref<1x10240x128xf32, #tpu.memory_space<hbm>>
      %dma_wait3A_122 = tpu.memref_squeeze %dma_wait3A_121 : memref<1x10240x128xf32, #tpu.memory_space<hbm>> -> memref<10240x128xf32, #tpu.memory_space<hbm>>
      %dma_wait3A_123 = arith.constant 0 : i32
      %dma_wait3A_124 = arith.constant 0 : i32
      %dma_wait3A_125 = tpu.memref_slice %dma_wait3A_122[%dma_wait3A_123, %dma_wait3A_124] : memref<10240x128xf32, #tpu.memory_space<hbm>> -> memref<10240x128xf32, #tpu.memory_space<hbm>>
      tpu.wait_indirect_dma semaphore(%arg11 : memref<!tpu.dma_semaphore, #tpu.memory_space<semaphore_mem>>) src(%dma_wait3A_125 : memref<10240x128xf32, #tpu.memory_space<hbm>>) dst(%arg8 : memref<125x128xf32, #tpu.memory_space<vmem>>)
      "tpu.region"() ({
        %run_scoped3A_164 = tpu.sem_alloc : memref<!tpu.dma_semaphore, #tpu.memory_space<semaphore_mem>>
        %dma_start3A_165 = arith.constant 0 : i32
        %dma_start3A_166 = tpu.memref_slice %arg7[%add3A_115, %dma_start3A_165] : memref<40x125xi32, #tpu.memory_space<vmem>> -> memref<1x125xi32, #tpu.memory_space<vmem>>
        %dma_start3A_167 = tpu.memref_squeeze %dma_start3A_166 : memref<1x125xi32, #tpu.memory_space<vmem>> -> memref<125xi32, #tpu.memory_space<vmem>>
        %dma_start3A_168 = arith.constant 0 : i32
        %dma_start3A_169 = arith.constant 0 : i32
        %dma_start3A_170 = tpu.memref_slice %arg10[%dma_start3A_168, %dma_start3A_169] : memref<10240x128xf32, #tpu.memory_space<vmem_shared>> -> memref<10240x128xf32, #tpu.memory_space<vmem_shared>>
        tpu.enqueue_indirect_dma source(%arg8 : memref<125x128xf32, #tpu.memory_space<vmem>>) target(%dma_start3A_170 : memref<10240x128xf32, #tpu.memory_space<vmem_shared>>) offsets(%dma_start3A_167 : memref<125xi32, #tpu.memory_space<vmem>>) semaphore(%run_scoped3A_164 : memref<!tpu.dma_semaphore, #tpu.memory_space<semaphore_mem>>) {add = true}
        %dma_wait3A_171 = arith.constant 0 : i32
        %dma_wait3A_172 = tpu.memref_slice %arg7[%add3A_115, %dma_wait3A_171] : memref<40x125xi32, #tpu.memory_space<vmem>> -> memref<1x125xi32, #tpu.memory_space<vmem>>
        %dma_wait3A_173 = tpu.memref_squeeze %dma_wait3A_172 : memref<1x125xi32, #tpu.memory_space<vmem>> -> memref<125xi32, #tpu.memory_space<vmem>>
        %dma_wait3A_174 = arith.constant 0 : i32
        %dma_wait3A_175 = arith.constant 0 : i32
        %dma_wait3A_176 = tpu.memref_slice %arg10[%dma_wait3A_174, %dma_wait3A_175] : memref<10240x128xf32, #tpu.memory_space<vmem_shared>> -> memref<10240x128xf32, #tpu.memory_space<vmem_shared>>
        tpu.wait_indirect_dma semaphore(%run_scoped3A_164 : memref<!tpu.dma_semaphore, #tpu.memory_space<semaphore_mem>>) src(%arg8 : memref<125x128xf32, #tpu.memory_space<vmem>>) dst(%dma_wait3A_176 : memref<10240x128xf32, #tpu.memory_space<vmem_shared>>)
        tpu.yield
      }) : () -> ()
      %add3A_126 = arith.constant 2 : i32
      %add3A_127 = arith.addi %add3A_115, %add3A_126 : i32
      %dma_start3A_128 = arith.constant 0 : i32
      %dma_start3A_129 = tpu.memref_slice %arg6[%add3A_127, %dma_start3A_128] : memref<40x125xi32, #tpu.memory_space<vmem>> -> memref<1x125xi32, #tpu.memory_space<vmem>>
      %dma_start3A_130 = tpu.memref_squeeze %dma_start3A_129 : memref<1x125xi32, #tpu.memory_space<vmem>> -> memref<125xi32, #tpu.memory_space<vmem>>
      %dma_start3A_131 = arith.constant 0 : i32
      %dma_start3A_132 = arith.constant 0 : i32
      %dma_start3A_133 = tpu.memref_slice %arg2[%arg0, %dma_start3A_131, %dma_start3A_132] : memref<2x10240x128xf32, #tpu.memory_space<hbm>> -> memref<1x10240x128xf32, #tpu.memory_space<hbm>>
      %dma_start3A_134 = tpu.memref_squeeze %dma_start3A_133 : memref<1x10240x128xf32, #tpu.memory_space<hbm>> -> memref<10240x128xf32, #tpu.memory_space<hbm>>
      %dma_start3A_135 = arith.constant 0 : i32
      %dma_start3A_136 = arith.constant 0 : i32
      %dma_start3A_137 = tpu.memref_slice %dma_start3A_134[%dma_start3A_135, %dma_start3A_136] : memref<10240x128xf32, #tpu.memory_space<hbm>> -> memref<10240x128xf32, #tpu.memory_space<hbm>>
      tpu.enqueue_indirect_dma source(%dma_start3A_137 : memref<10240x128xf32, #tpu.memory_space<hbm>>) target(%arg8 : memref<125x128xf32, #tpu.memory_space<vmem>>) offsets(%dma_start3A_130 : memref<125xi32, #tpu.memory_space<vmem>>) semaphore(%arg11 : memref<!tpu.dma_semaphore, #tpu.memory_space<semaphore_mem>>)
      %add3A_138 = arith.constant 1 : i32
      %add3A_139 = arith.addi %add3A_115, %add3A_138 : i32
      %dma_wait3A_140 = arith.constant 0 : i32
      %dma_wait3A_141 = tpu.memref_slice %arg6[%add3A_139, %dma_wait3A_140] : memref<40x125xi32, #tpu.memory_space<vmem>> -> memref<1x125xi32, #tpu.memory_space<vmem>>
      %dma_wait3A_142 = tpu.memref_squeeze %dma_wait3A_141 : memref<1x125xi32, #tpu.memory_space<vmem>> -> memref<125xi32, #tpu.memory_space<vmem>>
      %dma_wait3A_143 = arith.constant 0 : i32
      %dma_wait3A_144 = arith.constant 0 : i32
      %dma_wait3A_145 = tpu.memref_slice %arg2[%arg0, %dma_wait3A_143, %dma_wait3A_144] : memref<2x10240x128xf32, #tpu.memory_space<hbm>> -> memref<1x10240x128xf32, #tpu.memory_space<hbm>>
      %dma_wait3A_146 = tpu.memref_squeeze %dma_wait3A_145 : memref<1x10240x128xf32, #tpu.memory_space<hbm>> -> memref<10240x128xf32, #tpu.memory_space<hbm>>
      %dma_wait3A_147 = arith.constant 0 : i32
      %dma_wait3A_148 = arith.constant 0 : i32
      %dma_wait3A_149 = tpu.memref_slice %dma_wait3A_146[%dma_wait3A_147, %dma_wait3A_148] : memref<10240x128xf32, #tpu.memory_space<hbm>> -> memref<10240x128xf32, #tpu.memory_space<hbm>>
      tpu.wait_indirect_dma semaphore(%arg12 : memref<!tpu.dma_semaphore, #tpu.memory_space<semaphore_mem>>) src(%dma_wait3A_149 : memref<10240x128xf32, #tpu.memory_space<hbm>>) dst(%arg9 : memref<125x128xf32, #tpu.memory_space<vmem>>)
      %add3A_150 = arith.constant 1 : i32
      %add3A_151 = arith.addi %add3A_115, %add3A_150 : i32
      "tpu.region"() ({
        %run_scoped3A_164 = tpu.sem_alloc : memref<!tpu.dma_semaphore, #tpu.memory_space<semaphore_mem>>
        %dma_start3A_165 = arith.constant 0 : i32
        %dma_start3A_166 = tpu.memref_slice %arg7[%add3A_151, %dma_start3A_165] : memref<40x125xi32, #tpu.memory_space<vmem>> -> memref<1x125xi32, #tpu.memory_space<vmem>>
        %dma_start3A_167 = tpu.memref_squeeze %dma_start3A_166 : memref<1x125xi32, #tpu.memory_space<vmem>> -> memref<125xi32, #tpu.memory_space<vmem>>
        %dma_start3A_168 = arith.constant 0 : i32
        %dma_start3A_169 = arith.constant 0 : i32
        %dma_start3A_170 = tpu.memref_slice %arg10[%dma_start3A_168, %dma_start3A_169] : memref<10240x128xf32, #tpu.memory_space<vmem_shared>> -> memref<10240x128xf32, #tpu.memory_space<vmem_shared>>
        tpu.enqueue_indirect_dma source(%arg9 : memref<125x128xf32, #tpu.memory_space<vmem>>) target(%dma_start3A_170 : memref<10240x128xf32, #tpu.memory_space<vmem_shared>>) offsets(%dma_start3A_167 : memref<125xi32, #tpu.memory_space<vmem>>) semaphore(%run_scoped3A_164 : memref<!tpu.dma_semaphore, #tpu.memory_space<semaphore_mem>>) {add = true}
        %dma_wait3A_171 = arith.constant 0 : i32
        %dma_wait3A_172 = tpu.memref_slice %arg7[%add3A_151, %dma_wait3A_171] : memref<40x125xi32, #tpu.memory_space<vmem>> -> memref<1x125xi32, #tpu.memory_space<vmem>>
        %dma_wait3A_173 = tpu.memref_squeeze %dma_wait3A_172 : memref<1x125xi32, #tpu.memory_space<vmem>> -> memref<125xi32, #tpu.memory_space<vmem>>
        %dma_wait3A_174 = arith.constant 0 : i32
        %dma_wait3A_175 = arith.constant 0 : i32
        %dma_wait3A_176 = tpu.memref_slice %arg10[%dma_wait3A_174, %dma_wait3A_175] : memref<10240x128xf32, #tpu.memory_space<vmem_shared>> -> memref<10240x128xf32, #tpu.memory_space<vmem_shared>>
        tpu.wait_indirect_dma semaphore(%run_scoped3A_164 : memref<!tpu.dma_semaphore, #tpu.memory_space<semaphore_mem>>) src(%arg9 : memref<125x128xf32, #tpu.memory_space<vmem>>) dst(%dma_wait3A_176 : memref<10240x128xf32, #tpu.memory_space<vmem_shared>>)
        tpu.yield
      }) : () -> ()
      %add3A_152 = arith.constant 3 : i32
      %add3A_153 = arith.addi %add3A_115, %add3A_152 : i32
      %dma_start3A_154 = arith.constant 0 : i32
      %dma_start3A_155 = tpu.memref_slice %arg6[%add3A_153, %dma_start3A_154] : memref<40x125xi32, #tpu.memory_space<vmem>> -> memref<1x125xi32, #tpu.memory_space<vmem>>
      %dma_start3A_156 = tpu.memref_squeeze %dma_start3A_155 : memref<1x125xi32, #tpu.memory_space<vmem>> -> memref<125xi32, #tpu.memory_space<vmem>>
      %dma_start3A_157 = arith.constant 0 : i32
      %dma_start3A_158 = arith.constant 0 : i32
      %dma_start3A_159 = tpu.memref_slice %arg2[%arg0, %dma_start3A_157, %dma_start3A_158] : memref<2x10240x128xf32, #tpu.memory_space<hbm>> -> memref<1x10240x128xf32, #tpu.memory_space<hbm>>
      %dma_start3A_160 = tpu.memref_squeeze %dma_start3A_159 : memref<1x10240x128xf32, #tpu.memory_space<hbm>> -> memref<10240x128xf32, #tpu.memory_space<hbm>>
      %dma_start3A_161 = arith.constant 0 : i32
      %dma_start3A_162 = arith.constant 0 : i32
      %dma_start3A_163 = tpu.memref_slice %dma_start3A_160[%dma_start3A_161, %dma_start3A_162] : memref<10240x128xf32, #tpu.memory_space<hbm>> -> memref<10240x128xf32, #tpu.memory_space<hbm>>
      tpu.enqueue_indirect_dma source(%dma_start3A_163 : memref<10240x128xf32, #tpu.memory_space<hbm>>) target(%arg9 : memref<125x128xf32, #tpu.memory_space<vmem>>) offsets(%dma_start3A_156 : memref<125xi32, #tpu.memory_space<vmem>>) semaphore(%arg12 : memref<!tpu.dma_semaphore, #tpu.memory_space<semaphore_mem>>)
    }
    %scan3A_29 = arith.constant 19 : i32
    %dma_wait3A = arith.constant 38 : i32
    %dma_wait3A_30 = arith.constant 0 : i32
    %dma_wait3A_31 = tpu.memref_slice %arg6[%dma_wait3A, %dma_wait3A_30] : memref<40x125xi32, #tpu.memory_space<vmem>> -> memref<1x125xi32, #tpu.memory_space<vmem>>
    %dma_wait3A_32 = tpu.memref_squeeze %dma_wait3A_31 : memref<1x125xi32, #tpu.memory_space<vmem>> -> memref<125xi32, #tpu.memory_space<vmem>>
    %dma_wait3A_33 = arith.constant 0 : i32
    %dma_wait3A_34 = arith.constant 0 : i32
    %dma_wait3A_35 = tpu.memref_slice %arg2[%arg0, %dma_wait3A_33, %dma_wait3A_34] : memref<2x10240x128xf32, #tpu.memory_space<hbm>> -> memref<1x10240x128xf32, #tpu.memory_space<hbm>>
    %dma_wait3A_36 = tpu.memref_squeeze %dma_wait3A_35 : memref<1x10240x128xf32, #tpu.memory_space<hbm>> -> memref<10240x128xf32, #tpu.memory_space<hbm>>
    %dma_wait3A_37 = arith.constant 0 : i32
    %dma_wait3A_38 = arith.constant 0 : i32
    %dma_wait3A_39 = tpu.memref_slice %dma_wait3A_36[%dma_wait3A_37, %dma_wait3A_38] : memref<10240x128xf32, #tpu.memory_space<hbm>> -> memref<10240x128xf32, #tpu.memory_space<hbm>>
    tpu.wait_indirect_dma semaphore(%arg11 : memref<!tpu.dma_semaphore, #tpu.memory_space<semaphore_mem>>) src(%dma_wait3A_39 : memref<10240x128xf32, #tpu.memory_space<hbm>>) dst(%arg8 : memref<125x128xf32, #tpu.memory_space<vmem>>)
    %run_scoped3A_40 = arith.constant 38 : i32
    "tpu.region"() ({
      %run_scoped3A_111 = tpu.sem_alloc : memref<!tpu.dma_semaphore, #tpu.memory_space<semaphore_mem>>
      %dma_start3A_112 = arith.constant 0 : i32
      %dma_start3A_113 = tpu.memref_slice %arg7[%run_scoped3A_40, %dma_start3A_112] : memref<40x125xi32, #tpu.memory_space<vmem>> -> memref<1x125xi32, #tpu.memory_space<vmem>>
      %dma_start3A_114 = tpu.memref_squeeze %dma_start3A_113 : memref<1x125xi32, #tpu.memory_space<vmem>> -> memref<125xi32, #tpu.memory_space<vmem>>
      %dma_start3A_115 = arith.constant 0 : i32
      %dma_start3A_116 = arith.constant 0 : i32
      %dma_start3A_117 = tpu.memref_slice %arg10[%dma_start3A_115, %dma_start3A_116] : memref<10240x128xf32, #tpu.memory_space<vmem_shared>> -> memref<10240x128xf32, #tpu.memory_space<vmem_shared>>
      tpu.enqueue_indirect_dma source(%arg8 : memref<125x128xf32, #tpu.memory_space<vmem>>) target(%dma_start3A_117 : memref<10240x128xf32, #tpu.memory_space<vmem_shared>>) offsets(%dma_start3A_114 : memref<125xi32, #tpu.memory_space<vmem>>) semaphore(%run_scoped3A_111 : memref<!tpu.dma_semaphore, #tpu.memory_space<semaphore_mem>>) {add = true}
      %dma_wait3A_118 = arith.constant 0 : i32
      %dma_wait3A_119 = tpu.memref_slice %arg7[%run_scoped3A_40, %dma_wait3A_118] : memref<40x125xi32, #tpu.memory_space<vmem>> -> memref<1x125xi32, #tpu.memory_space<vmem>>
      %dma_wait3A_120 = tpu.memref_squeeze %dma_wait3A_119 : memref<1x125xi32, #tpu.memory_space<vmem>> -> memref<125xi32, #tpu.memory_space<vmem>>
      %dma_wait3A_121 = arith.constant 0 : i32
      %dma_wait3A_122 = arith.constant 0 : i32
      %dma_wait3A_123 = tpu.memref_slice %arg10[%dma_wait3A_121, %dma_wait3A_122] : memref<10240x128xf32, #tpu.memory_space<vmem_shared>> -> memref<10240x128xf32, #tpu.memory_space<vmem_shared>>
      tpu.wait_indirect_dma semaphore(%run_scoped3A_111 : memref<!tpu.dma_semaphore, #tpu.memory_space<semaphore_mem>>) src(%arg8 : memref<125x128xf32, #tpu.memory_space<vmem>>) dst(%dma_wait3A_123 : memref<10240x128xf32, #tpu.memory_space<vmem_shared>>)
      tpu.yield
    }) : () -> ()
    %dma_wait3A_41 = arith.constant 39 : i32
    %dma_wait3A_42 = arith.constant 0 : i32
    %dma_wait3A_43 = tpu.memref_slice %arg6[%dma_wait3A_41, %dma_wait3A_42] : memref<40x125xi32, #tpu.memory_space<vmem>> -> memref<1x125xi32, #tpu.memory_space<vmem>>
    %dma_wait3A_44 = tpu.memref_squeeze %dma_wait3A_43 : memref<1x125xi32, #tpu.memory_space<vmem>> -> memref<125xi32, #tpu.memory_space<vmem>>
    %dma_wait3A_45 = arith.constant 0 : i32
    %dma_wait3A_46 = arith.constant 0 : i32
    %dma_wait3A_47 = tpu.memref_slice %arg2[%arg0, %dma_wait3A_45, %dma_wait3A_46] : memref<2x10240x128xf32, #tpu.memory_space<hbm>> -> memref<1x10240x128xf32, #tpu.memory_space<hbm>>
    %dma_wait3A_48 = tpu.memref_squeeze %dma_wait3A_47 : memref<1x10240x128xf32, #tpu.memory_space<hbm>> -> memref<10240x128xf32, #tpu.memory_space<hbm>>
    %dma_wait3A_49 = arith.constant 0 : i32
    %dma_wait3A_50 = arith.constant 0 : i32
    %dma_wait3A_51 = tpu.memref_slice %dma_wait3A_48[%dma_wait3A_49, %dma_wait3A_50] : memref<10240x128xf32, #tpu.memory_space<hbm>> -> memref<10240x128xf32, #tpu.memory_space<hbm>>
    tpu.wait_indirect_dma semaphore(%arg12 : memref<!tpu.dma_semaphore, #tpu.memory_space<semaphore_mem>>) src(%dma_wait3A_51 : memref<10240x128xf32, #tpu.memory_space<hbm>>) dst(%arg9 : memref<125x128xf32, #tpu.memory_space<vmem>>)
    %run_scoped3A_52 = arith.constant 39 : i32
    "tpu.region"() ({
      %run_scoped3A_111 = tpu.sem_alloc : memref<!tpu.dma_semaphore, #tpu.memory_space<semaphore_mem>>
      %dma_start3A_112 = arith.constant 0 : i32
      %dma_start3A_113 = tpu.memref_slice %arg7[%run_scoped3A_52, %dma_start3A_112] : memref<40x125xi32, #tpu.memory_space<vmem>> -> memref<1x125xi32, #tpu.memory_space<vmem>>
      %dma_start3A_114 = tpu.memref_squeeze %dma_start3A_113 : memref<1x125xi32, #tpu.memory_space<vmem>> -> memref<125xi32, #tpu.memory_space<vmem>>
      %dma_start3A_115 = arith.constant 0 : i32
      %dma_start3A_116 = arith.constant 0 : i32
      %dma_start3A_117 = tpu.memref_slice %arg10[%dma_start3A_115, %dma_start3A_116] : memref<10240x128xf32, #tpu.memory_space<vmem_shared>> -> memref<10240x128xf32, #tpu.memory_space<vmem_shared>>
      tpu.enqueue_indirect_dma source(%arg9 : memref<125x128xf32, #tpu.memory_space<vmem>>) target(%dma_start3A_117 : memref<10240x128xf32, #tpu.memory_space<vmem_shared>>) offsets(%dma_start3A_114 : memref<125xi32, #tpu.memory_space<vmem>>) semaphore(%run_scoped3A_111 : memref<!tpu.dma_semaphore, #tpu.memory_space<semaphore_mem>>) {add = true}
      %dma_wait3A_118 = arith.constant 0 : i32
      %dma_wait3A_119 = tpu.memref_slice %arg7[%run_scoped3A_52, %dma_wait3A_118] : memref<40x125xi32, #tpu.memory_space<vmem>> -> memref<1x125xi32, #tpu.memory_space<vmem>>
      %dma_wait3A_120 = tpu.memref_squeeze %dma_wait3A_119 : memref<1x125xi32, #tpu.memory_space<vmem>> -> memref<125xi32, #tpu.memory_space<vmem>>
      %dma_wait3A_121 = arith.constant 0 : i32
      %dma_wait3A_122 = arith.constant 0 : i32
      %dma_wait3A_123 = tpu.memref_slice %arg10[%dma_wait3A_121, %dma_wait3A_122] : memref<10240x128xf32, #tpu.memory_space<vmem_shared>> -> memref<10240x128xf32, #tpu.memory_space<vmem_shared>>
      tpu.wait_indirect_dma semaphore(%run_scoped3A_111 : memref<!tpu.dma_semaphore, #tpu.memory_space<semaphore_mem>>) src(%arg9 : memref<125x128xf32, #tpu.memory_space<vmem>>) dst(%dma_wait3A_123 : memref<10240x128xf32, #tpu.memory_space<vmem_shared>>)
      tpu.yield
    }) : () -> ()
    %mul3A_53 = arith.constant 80 : i32
    %mul3A_54 = arith.muli %arg1, %mul3A_53 : i32
    %add3A_55 = arith.constant 40 : i32
    %add3A_56 = arith.addi %mul3A_54, %add3A_55 : i32
    %run_scoped3A_57 = arith.constant 0 : i32
    "tpu.region"() ({
      %run_scoped3A_111 = tpu.sem_alloc : memref<!tpu.dma_semaphore, #tpu.memory_space<semaphore_mem>>
      %dma_start3A_112 = arith.constant 0 : i32
      %dma_start3A_113 = arith.constant 0 : i32
      %dma_start3A_114 = tpu.memref_slice %arg3[%run_scoped3A_57, %dma_start3A_112, %dma_start3A_113] : memref<2x1280x125xi32, #tpu.memory_space<hbm>> -> memref<1x1280x125xi32, #tpu.memory_space<hbm>>
      %dma_start3A_115 = tpu.memref_squeeze %dma_start3A_114 : memref<1x1280x125xi32, #tpu.memory_space<hbm>> -> memref<1280x125xi32, #tpu.memory_space<hbm>>
      %dma_start3A_116 = arith.constant 0 : i32
      %dma_start3A_117 = tpu.memref_slice %dma_start3A_115[%add3A_56, %dma_start3A_116] : memref<1280x125xi32, #tpu.memory_space<hbm>> -> memref<40x125xi32, #tpu.memory_space<hbm>>
      %dma_start3A_118 = arith.constant 0 : i32
      %dma_start3A_119 = arith.constant 0 : i32
      %dma_start3A_120 = tpu.memref_slice %arg3[%run_scoped3A_57, %dma_start3A_118, %dma_start3A_119] : memref<2x1280x125xi32, #tpu.memory_space<hbm>> -> memref<1x1280x125xi32, #tpu.memory_space<hbm>>
      %dma_start3A_121 = tpu.memref_squeeze %dma_start3A_120 : memref<1x1280x125xi32, #tpu.memory_space<hbm>> -> memref<1280x125xi32, #tpu.memory_space<hbm>>
      %dma_start3A_122 = arith.constant 0 : i32
      %dma_start3A_123 = tpu.memref_slice %dma_start3A_121[%add3A_56, %dma_start3A_122] : memref<1280x125xi32, #tpu.memory_space<hbm>> -> memref<40x125xi32, #tpu.memory_space<hbm>>
      tpu.enqueue_dma source(%dma_start3A_123 : memref<40x125xi32, #tpu.memory_space<hbm>>) target(%arg6 : memref<40x125xi32, #tpu.memory_space<vmem>>) target_semaphore(%run_scoped3A_111 : memref<!tpu.dma_semaphore, #tpu.memory_space<semaphore_mem>>)
      %dma_wait3A_124 = arith.constant 0 : i32
      %dma_wait3A_125 = arith.constant 0 : i32
      %dma_wait3A_126 = tpu.memref_slice %arg3[%run_scoped3A_57, %dma_wait3A_124, %dma_wait3A_125] : memref<2x1280x125xi32, #tpu.memory_space<hbm>> -> memref<1x1280x125xi32, #tpu.memory_space<hbm>>
      %dma_wait3A_127 = tpu.memref_squeeze %dma_wait3A_126 : memref<1x1280x125xi32, #tpu.memory_space<hbm>> -> memref<1280x125xi32, #tpu.memory_space<hbm>>
      %dma_wait3A_128 = arith.constant 0 : i32
      %dma_wait3A_129 = tpu.memref_slice %dma_wait3A_127[%add3A_56, %dma_wait3A_128] : memref<1280x125xi32, #tpu.memory_space<hbm>> -> memref<40x125xi32, #tpu.memory_space<hbm>>
      %dma_wait3A_130 = arith.constant 0 : i32
      %dma_wait3A_131 = arith.constant 0 : i32
      %dma_wait3A_132 = tpu.memref_slice %arg3[%run_scoped3A_57, %dma_wait3A_130, %dma_wait3A_131] : memref<2x1280x125xi32, #tpu.memory_space<hbm>> -> memref<1x1280x125xi32, #tpu.memory_space<hbm>>
      %dma_wait3A_133 = tpu.memref_squeeze %dma_wait3A_132 : memref<1x1280x125xi32, #tpu.memory_space<hbm>> -> memref<1280x125xi32, #tpu.memory_space<hbm>>
      %dma_wait3A_134 = arith.constant 0 : i32
      %dma_wait3A_135 = tpu.memref_slice %dma_wait3A_133[%add3A_56, %dma_wait3A_134] : memref<1280x125xi32, #tpu.memory_space<hbm>> -> memref<40x125xi32, #tpu.memory_space<hbm>>
      tpu.wait_dma2 semaphore(%run_scoped3A_111 : memref<!tpu.dma_semaphore, #tpu.memory_space<semaphore_mem>>) src(%dma_wait3A_135 : memref<40x125xi32, #tpu.memory_space<hbm>>) dst(%arg6 : memref<40x125xi32, #tpu.memory_space<vmem>>)
      tpu.yield
    }) : () -> ()
    %run_scoped3A_58 = arith.constant 1 : i32
    "tpu.region"() ({
      %run_scoped3A_111 = tpu.sem_alloc : memref<!tpu.dma_semaphore, #tpu.memory_space<semaphore_mem>>
      %dma_start3A_112 = arith.constant 0 : i32
      %dma_start3A_113 = arith.constant 0 : i32
      %dma_start3A_114 = tpu.memref_slice %arg3[%run_scoped3A_58, %dma_start3A_112, %dma_start3A_113] : memref<2x1280x125xi32, #tpu.memory_space<hbm>> -> memref<1x1280x125xi32, #tpu.memory_space<hbm>>
      %dma_start3A_115 = tpu.memref_squeeze %dma_start3A_114 : memref<1x1280x125xi32, #tpu.memory_space<hbm>> -> memref<1280x125xi32, #tpu.memory_space<hbm>>
      %dma_start3A_116 = arith.constant 0 : i32
      %dma_start3A_117 = tpu.memref_slice %dma_start3A_115[%add3A_56, %dma_start3A_116] : memref<1280x125xi32, #tpu.memory_space<hbm>> -> memref<40x125xi32, #tpu.memory_space<hbm>>
      %dma_start3A_118 = arith.constant 0 : i32
      %dma_start3A_119 = arith.constant 0 : i32
      %dma_start3A_120 = tpu.memref_slice %arg3[%run_scoped3A_58, %dma_start3A_118, %dma_start3A_119] : memref<2x1280x125xi32, #tpu.memory_space<hbm>> -> memref<1x1280x125xi32, #tpu.memory_space<hbm>>
      %dma_start3A_121 = tpu.memref_squeeze %dma_start3A_120 : memref<1x1280x125xi32, #tpu.memory_space<hbm>> -> memref<1280x125xi32, #tpu.memory_space<hbm>>
      %dma_start3A_122 = arith.constant 0 : i32
      %dma_start3A_123 = tpu.memref_slice %dma_start3A_121[%add3A_56, %dma_start3A_122] : memref<1280x125xi32, #tpu.memory_space<hbm>> -> memref<40x125xi32, #tpu.memory_space<hbm>>
      tpu.enqueue_dma source(%dma_start3A_123 : memref<40x125xi32, #tpu.memory_space<hbm>>) target(%arg7 : memref<40x125xi32, #tpu.memory_space<vmem>>) target_semaphore(%run_scoped3A_111 : memref<!tpu.dma_semaphore, #tpu.memory_space<semaphore_mem>>)
      %dma_wait3A_124 = arith.constant 0 : i32
      %dma_wait3A_125 = arith.constant 0 : i32
      %dma_wait3A_126 = tpu.memref_slice %arg3[%run_scoped3A_58, %dma_wait3A_124, %dma_wait3A_125] : memref<2x1280x125xi32, #tpu.memory_space<hbm>> -> memref<1x1280x125xi32, #tpu.memory_space<hbm>>
      %dma_wait3A_127 = tpu.memref_squeeze %dma_wait3A_126 : memref<1x1280x125xi32, #tpu.memory_space<hbm>> -> memref<1280x125xi32, #tpu.memory_space<hbm>>
      %dma_wait3A_128 = arith.constant 0 : i32
      %dma_wait3A_129 = tpu.memref_slice %dma_wait3A_127[%add3A_56, %dma_wait3A_128] : memref<1280x125xi32, #tpu.memory_space<hbm>> -> memref<40x125xi32, #tpu.memory_space<hbm>>
      %dma_wait3A_130 = arith.constant 0 : i32
      %dma_wait3A_131 = arith.constant 0 : i32
      %dma_wait3A_132 = tpu.memref_slice %arg3[%run_scoped3A_58, %dma_wait3A_130, %dma_wait3A_131] : memref<2x1280x125xi32, #tpu.memory_space<hbm>> -> memref<1x1280x125xi32, #tpu.memory_space<hbm>>
      %dma_wait3A_133 = tpu.memref_squeeze %dma_wait3A_132 : memref<1x1280x125xi32, #tpu.memory_space<hbm>> -> memref<1280x125xi32, #tpu.memory_space<hbm>>
      %dma_wait3A_134 = arith.constant 0 : i32
      %dma_wait3A_135 = tpu.memref_slice %dma_wait3A_133[%add3A_56, %dma_wait3A_134] : memref<1280x125xi32, #tpu.memory_space<hbm>> -> memref<40x125xi32, #tpu.memory_space<hbm>>
      tpu.wait_dma2 semaphore(%run_scoped3A_111 : memref<!tpu.dma_semaphore, #tpu.memory_space<semaphore_mem>>) src(%dma_wait3A_135 : memref<40x125xi32, #tpu.memory_space<hbm>>) dst(%arg7 : memref<40x125xi32, #tpu.memory_space<vmem>>)
      tpu.yield
    }) : () -> ()
    %dma_start3A_59 = arith.constant 0 : i32
    %dma_start3A_60 = arith.constant 0 : i32
    %dma_start3A_61 = tpu.memref_slice %arg6[%dma_start3A_59, %dma_start3A_60] : memref<40x125xi32, #tpu.memory_space<vmem>> -> memref<1x125xi32, #tpu.memory_space<vmem>>
    %dma_start3A_62 = tpu.memref_squeeze %dma_start3A_61 : memref<1x125xi32, #tpu.memory_space<vmem>> -> memref<125xi32, #tpu.memory_space<vmem>>
    %dma_start3A_63 = arith.constant 0 : i32
    %dma_start3A_64 = arith.constant 0 : i32
    %dma_start3A_65 = tpu.memref_slice %arg2[%arg0, %dma_start3A_63, %dma_start3A_64] : memref<2x10240x128xf32, #tpu.memory_space<hbm>> -> memref<1x10240x128xf32, #tpu.memory_space<hbm>>
    %dma_start3A_66 = tpu.memref_squeeze %dma_start3A_65 : memref<1x10240x128xf32, #tpu.memory_space<hbm>> -> memref<10240x128xf32, #tpu.memory_space<hbm>>
    %dma_start3A_67 = arith.constant 0 : i32
    %dma_start3A_68 = arith.constant 0 : i32
    %dma_start3A_69 = tpu.memref_slice %dma_start3A_66[%dma_start3A_67, %dma_start3A_68] : memref<10240x128xf32, #tpu.memory_space<hbm>> -> memref<10240x128xf32, #tpu.memory_space<hbm>>
    tpu.enqueue_indirect_dma source(%dma_start3A_69 : memref<10240x128xf32, #tpu.memory_space<hbm>>) target(%arg8 : memref<125x128xf32, #tpu.memory_space<vmem>>) offsets(%dma_start3A_62 : memref<125xi32, #tpu.memory_space<vmem>>) semaphore(%arg11 : memref<!tpu.dma_semaphore, #tpu.memory_space<semaphore_mem>>)
    %dma_start3A_70 = arith.constant 1 : i32
    %dma_start3A_71 = arith.constant 0 : i32
    %dma_start3A_72 = tpu.memref_slice %arg6[%dma_start3A_70, %dma_start3A_71] : memref<40x125xi32, #tpu.memory_space<vmem>> -> memref<1x125xi32, #tpu.memory_space<vmem>>
    %dma_start3A_73 = tpu.memref_squeeze %dma_start3A_72 : memref<1x125xi32, #tpu.memory_space<vmem>> -> memref<125xi32, #tpu.memory_space<vmem>>
    %dma_start3A_74 = arith.constant 0 : i32
    %dma_start3A_75 = arith.constant 0 : i32
    %dma_start3A_76 = tpu.memref_slice %arg2[%arg0, %dma_start3A_74, %dma_start3A_75] : memref<2x10240x128xf32, #tpu.memory_space<hbm>> -> memref<1x10240x128xf32, #tpu.memory_space<hbm>>
    %dma_start3A_77 = tpu.memref_squeeze %dma_start3A_76 : memref<1x10240x128xf32, #tpu.memory_space<hbm>> -> memref<10240x128xf32, #tpu.memory_space<hbm>>
    %dma_start3A_78 = arith.constant 0 : i32
    %dma_start3A_79 = arith.constant 0 : i32
    %dma_start3A_80 = tpu.memref_slice %dma_start3A_77[%dma_start3A_78, %dma_start3A_79] : memref<10240x128xf32, #tpu.memory_space<hbm>> -> memref<10240x128xf32, #tpu.memory_space<hbm>>
    tpu.enqueue_indirect_dma source(%dma_start3A_80 : memref<10240x128xf32, #tpu.memory_space<hbm>>) target(%arg9 : memref<125x128xf32, #tpu.memory_space<vmem>>) offsets(%dma_start3A_73 : memref<125xi32, #tpu.memory_space<vmem>>) semaphore(%arg12 : memref<!tpu.dma_semaphore, #tpu.memory_space<semaphore_mem>>)
    %scan3A_81 = arith.constant 0 : i32
    %scan3A_82 = arith.constant 19 : i32
    %scan3A_83 = arith.addi %scan3A_81, %scan3A_82 : i32
    %scan3A_84 = arith.constant 1 : i32
    scf.for %scan3A_111 = %scan3A_81 to %scan3A_83 step %scan3A_84  : i32 {
      %mul3A_112 = arith.constant 2 : i32
      %mul3A_113 = arith.muli %scan3A_111, %mul3A_112 : i32
      %add3A_114 = arith.constant 0 : i32
      %add3A_115 = arith.addi %add3A_114, %mul3A_113 : i32
      %dma_wait3A_116 = arith.constant 0 : i32
      %dma_wait3A_117 = tpu.memref_slice %arg6[%add3A_115, %dma_wait3A_116] : memref<40x125xi32, #tpu.memory_space<vmem>> -> memref<1x125xi32, #tpu.memory_space<vmem>>
      %dma_wait3A_118 = tpu.memref_squeeze %dma_wait3A_117 : memref<1x125xi32, #tpu.memory_space<vmem>> -> memref<125xi32, #tpu.memory_space<vmem>>
      %dma_wait3A_119 = arith.constant 0 : i32
      %dma_wait3A_120 = arith.constant 0 : i32
      %dma_wait3A_121 = tpu.memref_slice %arg2[%arg0, %dma_wait3A_119, %dma_wait3A_120] : memref<2x10240x128xf32, #tpu.memory_space<hbm>> -> memref<1x10240x128xf32, #tpu.memory_space<hbm>>
      %dma_wait3A_122 = tpu.memref_squeeze %dma_wait3A_121 : memref<1x10240x128xf32, #tpu.memory_space<hbm>> -> memref<10240x128xf32, #tpu.memory_space<hbm>>
      %dma_wait3A_123 = arith.constant 0 : i32
      %dma_wait3A_124 = arith.constant 0 : i32
      %dma_wait3A_125 = tpu.memref_slice %dma_wait3A_122[%dma_wait3A_123, %dma_wait3A_124] : memref<10240x128xf32, #tpu.memory_space<hbm>> -> memref<10240x128xf32, #tpu.memory_space<hbm>>
      tpu.wait_indirect_dma semaphore(%arg11 : memref<!tpu.dma_semaphore, #tpu.memory_space<semaphore_mem>>) src(%dma_wait3A_125 : memref<10240x128xf32, #tpu.memory_space<hbm>>) dst(%arg8 : memref<125x128xf32, #tpu.memory_space<vmem>>)
      "tpu.region"() ({
        %run_scoped3A_164 = tpu.sem_alloc : memref<!tpu.dma_semaphore, #tpu.memory_space<semaphore_mem>>
        %dma_start3A_165 = arith.constant 0 : i32
        %dma_start3A_166 = tpu.memref_slice %arg7[%add3A_115, %dma_start3A_165] : memref<40x125xi32, #tpu.memory_space<vmem>> -> memref<1x125xi32, #tpu.memory_space<vmem>>
        %dma_start3A_167 = tpu.memref_squeeze %dma_start3A_166 : memref<1x125xi32, #tpu.memory_space<vmem>> -> memref<125xi32, #tpu.memory_space<vmem>>
        %dma_start3A_168 = arith.constant 0 : i32
        %dma_start3A_169 = arith.constant 0 : i32
        %dma_start3A_170 = tpu.memref_slice %arg10[%dma_start3A_168, %dma_start3A_169] : memref<10240x128xf32, #tpu.memory_space<vmem_shared>> -> memref<10240x128xf32, #tpu.memory_space<vmem_shared>>
        tpu.enqueue_indirect_dma source(%arg8 : memref<125x128xf32, #tpu.memory_space<vmem>>) target(%dma_start3A_170 : memref<10240x128xf32, #tpu.memory_space<vmem_shared>>) offsets(%dma_start3A_167 : memref<125xi32, #tpu.memory_space<vmem>>) semaphore(%run_scoped3A_164 : memref<!tpu.dma_semaphore, #tpu.memory_space<semaphore_mem>>) {add = true}
        %dma_wait3A_171 = arith.constant 0 : i32
        %dma_wait3A_172 = tpu.memref_slice %arg7[%add3A_115, %dma_wait3A_171] : memref<40x125xi32, #tpu.memory_space<vmem>> -> memref<1x125xi32, #tpu.memory_space<vmem>>
        %dma_wait3A_173 = tpu.memref_squeeze %dma_wait3A_172 : memref<1x125xi32, #tpu.memory_space<vmem>> -> memref<125xi32, #tpu.memory_space<vmem>>
        %dma_wait3A_174 = arith.constant 0 : i32
        %dma_wait3A_175 = arith.constant 0 : i32
        %dma_wait3A_176 = tpu.memref_slice %arg10[%dma_wait3A_174, %dma_wait3A_175] : memref<10240x128xf32, #tpu.memory_space<vmem_shared>> -> memref<10240x128xf32, #tpu.memory_space<vmem_shared>>
        tpu.wait_indirect_dma semaphore(%run_scoped3A_164 : memref<!tpu.dma_semaphore, #tpu.memory_space<semaphore_mem>>) src(%arg8 : memref<125x128xf32, #tpu.memory_space<vmem>>) dst(%dma_wait3A_176 : memref<10240x128xf32, #tpu.memory_space<vmem_shared>>)
        tpu.yield
      }) : () -> ()
      %add3A_126 = arith.constant 2 : i32
      %add3A_127 = arith.addi %add3A_115, %add3A_126 : i32
      %dma_start3A_128 = arith.constant 0 : i32
      %dma_start3A_129 = tpu.memref_slice %arg6[%add3A_127, %dma_start3A_128] : memref<40x125xi32, #tpu.memory_space<vmem>> -> memref<1x125xi32, #tpu.memory_space<vmem>>
      %dma_start3A_130 = tpu.memref_squeeze %dma_start3A_129 : memref<1x125xi32, #tpu.memory_space<vmem>> -> memref<125xi32, #tpu.memory_space<vmem>>
      %dma_start3A_131 = arith.constant 0 : i32
      %dma_start3A_132 = arith.constant 0 : i32
      %dma_start3A_133 = tpu.memref_slice %arg2[%arg0, %dma_start3A_131, %dma_start3A_132] : memref<2x10240x128xf32, #tpu.memory_space<hbm>> -> memref<1x10240x128xf32, #tpu.memory_space<hbm>>
      %dma_start3A_134 = tpu.memref_squeeze %dma_start3A_133 : memref<1x10240x128xf32, #tpu.memory_space<hbm>> -> memref<10240x128xf32, #tpu.memory_space<hbm>>
      %dma_start3A_135 = arith.constant 0 : i32
      %dma_start3A_136 = arith.constant 0 : i32
      %dma_start3A_137 = tpu.memref_slice %dma_start3A_134[%dma_start3A_135, %dma_start3A_136] : memref<10240x128xf32, #tpu.memory_space<hbm>> -> memref<10240x128xf32, #tpu.memory_space<hbm>>
      tpu.enqueue_indirect_dma source(%dma_start3A_137 : memref<10240x128xf32, #tpu.memory_space<hbm>>) target(%arg8 : memref<125x128xf32, #tpu.memory_space<vmem>>) offsets(%dma_start3A_130 : memref<125xi32, #tpu.memory_space<vmem>>) semaphore(%arg11 : memref<!tpu.dma_semaphore, #tpu.memory_space<semaphore_mem>>)
      %add3A_138 = arith.constant 1 : i32
      %add3A_139 = arith.addi %add3A_115, %add3A_138 : i32
      %dma_wait3A_140 = arith.constant 0 : i32
      %dma_wait3A_141 = tpu.memref_slice %arg6[%add3A_139, %dma_wait3A_140] : memref<40x125xi32, #tpu.memory_space<vmem>> -> memref<1x125xi32, #tpu.memory_space<vmem>>
      %dma_wait3A_142 = tpu.memref_squeeze %dma_wait3A_141 : memref<1x125xi32, #tpu.memory_space<vmem>> -> memref<125xi32, #tpu.memory_space<vmem>>
      %dma_wait3A_143 = arith.constant 0 : i32
      %dma_wait3A_144 = arith.constant 0 : i32
      %dma_wait3A_145 = tpu.memref_slice %arg2[%arg0, %dma_wait3A_143, %dma_wait3A_144] : memref<2x10240x128xf32, #tpu.memory_space<hbm>> -> memref<1x10240x128xf32, #tpu.memory_space<hbm>>
      %dma_wait3A_146 = tpu.memref_squeeze %dma_wait3A_145 : memref<1x10240x128xf32, #tpu.memory_space<hbm>> -> memref<10240x128xf32, #tpu.memory_space<hbm>>
      %dma_wait3A_147 = arith.constant 0 : i32
      %dma_wait3A_148 = arith.constant 0 : i32
      %dma_wait3A_149 = tpu.memref_slice %dma_wait3A_146[%dma_wait3A_147, %dma_wait3A_148] : memref<10240x128xf32, #tpu.memory_space<hbm>> -> memref<10240x128xf32, #tpu.memory_space<hbm>>
      tpu.wait_indirect_dma semaphore(%arg12 : memref<!tpu.dma_semaphore, #tpu.memory_space<semaphore_mem>>) src(%dma_wait3A_149 : memref<10240x128xf32, #tpu.memory_space<hbm>>) dst(%arg9 : memref<125x128xf32, #tpu.memory_space<vmem>>)
      %add3A_150 = arith.constant 1 : i32
      %add3A_151 = arith.addi %add3A_115, %add3A_150 : i32
      "tpu.region"() ({
        %run_scoped3A_164 = tpu.sem_alloc : memref<!tpu.dma_semaphore, #tpu.memory_space<semaphore_mem>>
        %dma_start3A_165 = arith.constant 0 : i32
        %dma_start3A_166 = tpu.memref_slice %arg7[%add3A_151, %dma_start3A_165] : memref<40x125xi32, #tpu.memory_space<vmem>> -> memref<1x125xi32, #tpu.memory_space<vmem>>
        %dma_start3A_167 = tpu.memref_squeeze %dma_start3A_166 : memref<1x125xi32, #tpu.memory_space<vmem>> -> memref<125xi32, #tpu.memory_space<vmem>>
        %dma_start3A_168 = arith.constant 0 : i32
        %dma_start3A_169 = arith.constant 0 : i32
        %dma_start3A_170 = tpu.memref_slice %arg10[%dma_start3A_168, %dma_start3A_169] : memref<10240x128xf32, #tpu.memory_space<vmem_shared>> -> memref<10240x128xf32, #tpu.memory_space<vmem_shared>>
        tpu.enqueue_indirect_dma source(%arg9 : memref<125x128xf32, #tpu.memory_space<vmem>>) target(%dma_start3A_170 : memref<10240x128xf32, #tpu.memory_space<vmem_shared>>) offsets(%dma_start3A_167 : memref<125xi32, #tpu.memory_space<vmem>>) semaphore(%run_scoped3A_164 : memref<!tpu.dma_semaphore, #tpu.memory_space<semaphore_mem>>) {add = true}
        %dma_wait3A_171 = arith.constant 0 : i32
        %dma_wait3A_172 = tpu.memref_slice %arg7[%add3A_151, %dma_wait3A_171] : memref<40x125xi32, #tpu.memory_space<vmem>> -> memref<1x125xi32, #tpu.memory_space<vmem>>
        %dma_wait3A_173 = tpu.memref_squeeze %dma_wait3A_172 : memref<1x125xi32, #tpu.memory_space<vmem>> -> memref<125xi32, #tpu.memory_space<vmem>>
        %dma_wait3A_174 = arith.constant 0 : i32
        %dma_wait3A_175 = arith.constant 0 : i32
        %dma_wait3A_176 = tpu.memref_slice %arg10[%dma_wait3A_174, %dma_wait3A_175] : memref<10240x128xf32, #tpu.memory_space<vmem_shared>> -> memref<10240x128xf32, #tpu.memory_space<vmem_shared>>
        tpu.wait_indirect_dma semaphore(%run_scoped3A_164 : memref<!tpu.dma_semaphore, #tpu.memory_space<semaphore_mem>>) src(%arg9 : memref<125x128xf32, #tpu.memory_space<vmem>>) dst(%dma_wait3A_176 : memref<10240x128xf32, #tpu.memory_space<vmem_shared>>)
        tpu.yield
      }) : () -> ()
      %add3A_152 = arith.constant 3 : i32
      %add3A_153 = arith.addi %add3A_115, %add3A_152 : i32
      %dma_start3A_154 = arith.constant 0 : i32
      %dma_start3A_155 = tpu.memref_slice %arg6[%add3A_153, %dma_start3A_154] : memref<40x125xi32, #tpu.memory_space<vmem>> -> memref<1x125xi32, #tpu.memory_space<vmem>>
      %dma_start3A_156 = tpu.memref_squeeze %dma_start3A_155 : memref<1x125xi32, #tpu.memory_space<vmem>> -> memref<125xi32, #tpu.memory_space<vmem>>
      %dma_start3A_157 = arith.constant 0 : i32
      %dma_start3A_158 = arith.constant 0 : i32
      %dma_start3A_159 = tpu.memref_slice %arg2[%arg0, %dma_start3A_157, %dma_start3A_158] : memref<2x10240x128xf32, #tpu.memory_space<hbm>> -> memref<1x10240x128xf32, #tpu.memory_space<hbm>>
      %dma_start3A_160 = tpu.memref_squeeze %dma_start3A_159 : memref<1x10240x128xf32, #tpu.memory_space<hbm>> -> memref<10240x128xf32, #tpu.memory_space<hbm>>
      %dma_start3A_161 = arith.constant 0 : i32
      %dma_start3A_162 = arith.constant 0 : i32
      %dma_start3A_163 = tpu.memref_slice %dma_start3A_160[%dma_start3A_161, %dma_start3A_162] : memref<10240x128xf32, #tpu.memory_space<hbm>> -> memref<10240x128xf32, #tpu.memory_space<hbm>>
      tpu.enqueue_indirect_dma source(%dma_start3A_163 : memref<10240x128xf32, #tpu.memory_space<hbm>>) target(%arg9 : memref<125x128xf32, #tpu.memory_space<vmem>>) offsets(%dma_start3A_156 : memref<125xi32, #tpu.memory_space<vmem>>) semaphore(%arg12 : memref<!tpu.dma_semaphore, #tpu.memory_space<semaphore_mem>>)
    }
    %scan3A_85 = arith.constant 19 : i32
    %dma_wait3A_86 = arith.constant 38 : i32
    %dma_wait3A_87 = arith.constant 0 : i32
    %dma_wait3A_88 = tpu.memref_slice %arg6[%dma_wait3A_86, %dma_wait3A_87] : memref<40x125xi32, #tpu.memory_space<vmem>> -> memref<1x125xi32, #tpu.memory_space<vmem>>
    %dma_wait3A_89 = tpu.memref_squeeze %dma_wait3A_88 : memref<1x125xi32, #tpu.memory_space<vmem>> -> memref<125xi32, #tpu.memory_space<vmem>>
    %dma_wait3A_90 = arith.constant 0 : i32
    %dma_wait3A_91 = arith.constant 0 : i32
    %dma_wait3A_92 = tpu.memref_slice %arg2[%arg0, %dma_wait3A_90, %dma_wait3A_91] : memref<2x10240x128xf32, #tpu.memory_space<hbm>> -> memref<1x10240x128xf32, #tpu.memory_space<hbm>>
    %dma_wait3A_93 = tpu.memref_squeeze %dma_wait3A_92 : memref<1x10240x128xf32, #tpu.memory_space<hbm>> -> memref<10240x128xf32, #tpu.memory_space<hbm>>
    %dma_wait3A_94 = arith.constant 0 : i32
    %dma_wait3A_95 = arith.constant 0 : i32
    %dma_wait3A_96 = tpu.memref_slice %dma_wait3A_93[%dma_wait3A_94, %dma_wait3A_95] : memref<10240x128xf32, #tpu.memory_space<hbm>> -> memref<10240x128xf32, #tpu.memory_space<hbm>>
    tpu.wait_indirect_dma semaphore(%arg11 : memref<!tpu.dma_semaphore, #tpu.memory_space<semaphore_mem>>) src(%dma_wait3A_96 : memref<10240x128xf32, #tpu.memory_space<hbm>>) dst(%arg8 : memref<125x128xf32, #tpu.memory_space<vmem>>)
    %run_scoped3A_97 = arith.constant 38 : i32
    "tpu.region"() ({
      %run_scoped3A_111 = tpu.sem_alloc : memref<!tpu.dma_semaphore, #tpu.memory_space<semaphore_mem>>
      %dma_start3A_112 = arith.constant 0 : i32
      %dma_start3A_113 = tpu.memref_slice %arg7[%run_scoped3A_97, %dma_start3A_112] : memref<40x125xi32, #tpu.memory_space<vmem>> -> memref<1x125xi32, #tpu.memory_space<vmem>>
      %dma_start3A_114 = tpu.memref_squeeze %dma_start3A_113 : memref<1x125xi32, #tpu.memory_space<vmem>> -> memref<125xi32, #tpu.memory_space<vmem>>
      %dma_start3A_115 = arith.constant 0 : i32
      %dma_start3A_116 = arith.constant 0 : i32
      %dma_start3A_117 = tpu.memref_slice %arg10[%dma_start3A_115, %dma_start3A_116] : memref<10240x128xf32, #tpu.memory_space<vmem_shared>> -> memref<10240x128xf32, #tpu.memory_space<vmem_shared>>
      tpu.enqueue_indirect_dma source(%arg8 : memref<125x128xf32, #tpu.memory_space<vmem>>) target(%dma_start3A_117 : memref<10240x128xf32, #tpu.memory_space<vmem_shared>>) offsets(%dma_start3A_114 : memref<125xi32, #tpu.memory_space<vmem>>) semaphore(%run_scoped3A_111 : memref<!tpu.dma_semaphore, #tpu.memory_space<semaphore_mem>>) {add = true}
      %dma_wait3A_118 = arith.constant 0 : i32
      %dma_wait3A_119 = tpu.memref_slice %arg7[%run_scoped3A_97, %dma_wait3A_118] : memref<40x125xi32, #tpu.memory_space<vmem>> -> memref<1x125xi32, #tpu.memory_space<vmem>>
      %dma_wait3A_120 = tpu.memref_squeeze %dma_wait3A_119 : memref<1x125xi32, #tpu.memory_space<vmem>> -> memref<125xi32, #tpu.memory_space<vmem>>
      %dma_wait3A_121 = arith.constant 0 : i32
      %dma_wait3A_122 = arith.constant 0 : i32
      %dma_wait3A_123 = tpu.memref_slice %arg10[%dma_wait3A_121, %dma_wait3A_122] : memref<10240x128xf32, #tpu.memory_space<vmem_shared>> -> memref<10240x128xf32, #tpu.memory_space<vmem_shared>>
      tpu.wait_indirect_dma semaphore(%run_scoped3A_111 : memref<!tpu.dma_semaphore, #tpu.memory_space<semaphore_mem>>) src(%arg8 : memref<125x128xf32, #tpu.memory_space<vmem>>) dst(%dma_wait3A_123 : memref<10240x128xf32, #tpu.memory_space<vmem_shared>>)
      tpu.yield
    }) : () -> ()
    %dma_wait3A_98 = arith.constant 39 : i32
    %dma_wait3A_99 = arith.constant 0 : i32
    %dma_wait3A_100 = tpu.memref_slice %arg6[%dma_wait3A_98, %dma_wait3A_99] : memref<40x125xi32, #tpu.memory_space<vmem>> -> memref<1x125xi32, #tpu.memory_space<vmem>>
    %dma_wait3A_101 = tpu.memref_squeeze %dma_wait3A_100 : memref<1x125xi32, #tpu.memory_space<vmem>> -> memref<125xi32, #tpu.memory_space<vmem>>
    %dma_wait3A_102 = arith.constant 0 : i32
    %dma_wait3A_103 = arith.constant 0 : i32
    %dma_wait3A_104 = tpu.memref_slice %arg2[%arg0, %dma_wait3A_102, %dma_wait3A_103] : memref<2x10240x128xf32, #tpu.memory_space<hbm>> -> memref<1x10240x128xf32, #tpu.memory_space<hbm>>
    %dma_wait3A_105 = tpu.memref_squeeze %dma_wait3A_104 : memref<1x10240x128xf32, #tpu.memory_space<hbm>> -> memref<10240x128xf32, #tpu.memory_space<hbm>>
    %dma_wait3A_106 = arith.constant 0 : i32
    %dma_wait3A_107 = arith.constant 0 : i32
    %dma_wait3A_108 = tpu.memref_slice %dma_wait3A_105[%dma_wait3A_106, %dma_wait3A_107] : memref<10240x128xf32, #tpu.memory_space<hbm>> -> memref<10240x128xf32, #tpu.memory_space<hbm>>
    tpu.wait_indirect_dma semaphore(%arg12 : memref<!tpu.dma_semaphore, #tpu.memory_space<semaphore_mem>>) src(%dma_wait3A_108 : memref<10240x128xf32, #tpu.memory_space<hbm>>) dst(%arg9 : memref<125x128xf32, #tpu.memory_space<vmem>>)
    %run_scoped3A_109 = arith.constant 39 : i32
    "tpu.region"() ({
      %run_scoped3A_111 = tpu.sem_alloc : memref<!tpu.dma_semaphore, #tpu.memory_space<semaphore_mem>>
      %dma_start3A_112 = arith.constant 0 : i32
      %dma_start3A_113 = tpu.memref_slice %arg7[%run_scoped3A_109, %dma_start3A_112] : memref<40x125xi32, #tpu.memory_space<vmem>> -> memref<1x125xi32, #tpu.memory_space<vmem>>
      %dma_start3A_114 = tpu.memref_squeeze %dma_start3A_113 : memref<1x125xi32, #tpu.memory_space<vmem>> -> memref<125xi32, #tpu.memory_space<vmem>>
      %dma_start3A_115 = arith.constant 0 : i32
      %dma_start3A_116 = arith.constant 0 : i32
      %dma_start3A_117 = tpu.memref_slice %arg10[%dma_start3A_115, %dma_start3A_116] : memref<10240x128xf32, #tpu.memory_space<vmem_shared>> -> memref<10240x128xf32, #tpu.memory_space<vmem_shared>>
      tpu.enqueue_indirect_dma source(%arg9 : memref<125x128xf32, #tpu.memory_space<vmem>>) target(%dma_start3A_117 : memref<10240x128xf32, #tpu.memory_space<vmem_shared>>) offsets(%dma_start3A_114 : memref<125xi32, #tpu.memory_space<vmem>>) semaphore(%run_scoped3A_111 : memref<!tpu.dma_semaphore, #tpu.memory_space<semaphore_mem>>) {add = true}
      %dma_wait3A_118 = arith.constant 0 : i32
      %dma_wait3A_119 = tpu.memref_slice %arg7[%run_scoped3A_109, %dma_wait3A_118] : memref<40x125xi32, #tpu.memory_space<vmem>> -> memref<1x125xi32, #tpu.memory_space<vmem>>
      %dma_wait3A_120 = tpu.memref_squeeze %dma_wait3A_119 : memref<1x125xi32, #tpu.memory_space<vmem>> -> memref<125xi32, #tpu.memory_space<vmem>>
      %dma_wait3A_121 = arith.constant 0 : i32
      %dma_wait3A_122 = arith.constant 0 : i32
      %dma_wait3A_123 = tpu.memref_slice %arg10[%dma_wait3A_121, %dma_wait3A_122] : memref<10240x128xf32, #tpu.memory_space<vmem_shared>> -> memref<10240x128xf32, #tpu.memory_space<vmem_shared>>
      tpu.wait_indirect_dma semaphore(%run_scoped3A_111 : memref<!tpu.dma_semaphore, #tpu.memory_space<semaphore_mem>>) src(%arg9 : memref<125x128xf32, #tpu.memory_space<vmem>>) dst(%dma_wait3A_123 : memref<10240x128xf32, #tpu.memory_space<vmem_shared>>)
      tpu.yield
    }) : () -> ()
    %barrier3A_110 = arith.constant 0 : index
    tpu.barrier barrier_id(%barrier3A_110)
    "tpu.region"() ({
      %run_scoped3A_111 = tpu.sem_alloc : memref<!tpu.dma_semaphore, #tpu.memory_space<semaphore_mem>>
      %dma_start3A_112 = arith.constant 0 : i32
      %dma_start3A_113 = arith.constant 0 : i32
      %dma_start3A_114 = tpu.memref_slice %arg5[%arg0, %dma_start3A_112, %dma_start3A_113] : memref<2x10240x128xf32, #tpu.memory_space<hbm>> -> memref<1x10240x128xf32, #tpu.memory_space<hbm>>
      %dma_start3A_115 = tpu.memref_squeeze %dma_start3A_114 : memref<1x10240x128xf32, #tpu.memory_space<hbm>> -> memref<10240x128xf32, #tpu.memory_space<hbm>>
      %dma_start3A_116 = arith.constant 0 : i32
      %dma_start3A_117 = tpu.memref_slice %dma_start3A_115[%mul3A_0, %dma_start3A_116] : memref<10240x128xf32, #tpu.memory_space<hbm>> -> memref<640x128xf32, #tpu.memory_space<hbm>>
      %dma_start3A_118 = arith.constant 0 : i32
      %dma_start3A_119 = tpu.memref_slice %arg10[%mul3A_0, %dma_start3A_118] : memref<10240x128xf32, #tpu.memory_space<vmem_shared>> -> memref<640x128xf32, #tpu.memory_space<vmem_shared>>
      tpu.enqueue_dma source(%dma_start3A_119 : memref<640x128xf32, #tpu.memory_space<vmem_shared>>) target(%dma_start3A_117 : memref<640x128xf32, #tpu.memory_space<hbm>>) target_semaphore(%run_scoped3A_111 : memref<!tpu.dma_semaphore, #tpu.memory_space<semaphore_mem>>)
      %dma_wait3A_120 = arith.constant 0 : i32
      %dma_wait3A_121 = arith.constant 0 : i32
      %dma_wait3A_122 = tpu.memref_slice %arg5[%arg0, %dma_wait3A_120, %dma_wait3A_121] : memref<2x10240x128xf32, #tpu.memory_space<hbm>> -> memref<1x10240x128xf32, #tpu.memory_space<hbm>>
      %dma_wait3A_123 = tpu.memref_squeeze %dma_wait3A_122 : memref<1x10240x128xf32, #tpu.memory_space<hbm>> -> memref<10240x128xf32, #tpu.memory_space<hbm>>
      %dma_wait3A_124 = arith.constant 0 : i32
      %dma_wait3A_125 = tpu.memref_slice %dma_wait3A_123[%mul3A_0, %dma_wait3A_124] : memref<10240x128xf32, #tpu.memory_space<hbm>> -> memref<640x128xf32, #tpu.memory_space<hbm>>
      %dma_wait3A_126 = arith.constant 0 : i32
      %dma_wait3A_127 = tpu.memref_slice %arg10[%mul3A_0, %dma_wait3A_126] : memref<10240x128xf32, #tpu.memory_space<vmem_shared>> -> memref<640x128xf32, #tpu.memory_space<vmem_shared>>
      tpu.wait_dma2 semaphore(%run_scoped3A_111 : memref<!tpu.dma_semaphore, #tpu.memory_space<semaphore_mem>>) src(%dma_wait3A_127 : memref<640x128xf32, #tpu.memory_space<vmem_shared>>) dst(%dma_wait3A_125 : memref<640x128xf32, #tpu.memory_space<hbm>>)
      tpu.yield
    }) : () -> ()
    return
  }
}

#map = affine_map<(d0, d1) -> (0, 0, 0)>
#map1 = affine_map<(d0, d1) -> (0, 0)>
module attributes {stable_mosaic.version = 14 : i64} {
  func.func @_deg_sc_body(%arg0: i32, %arg1: i32, %arg2: memref<2x1280x125xi32, #tpu.memory_space<hbm>>, %arg3: memref<125x128xf32, #tpu.memory_space<hbm>>, %arg4: memref<640x128xf32, #tpu.memory_space<hbm>>, %arg5: memref<2x10240x128xf32, #tpu.memory_space<hbm>>, %arg6: memref<40x125xi32, #tpu.memory_space<vmem>>, %arg7: memref<125x128xf32, #tpu.memory_space<vmem>>, %arg8: memref<10240x128xf32, #tpu.memory_space<vmem_shared>>) attributes {dimension_semantics = [#tpu.dimension_semantics<core_parallel>, #tpu.dimension_semantics<subcore_parallel>], iteration_bounds = array<i64: 2, 16>, scalar_prefetch = 0 : i64, scratch_operands = 3 : i64, tpu.core_type = #tpu.core_type<sc_vector_subcore>, window_params = [{transform_indices = #map}, {transform_indices = #map1}, {transform_indices = #map1}, {transform_indices = #map}]} {
    %mul3A = arith.constant 640 : i32
    %mul3A_0 = arith.muli %arg1, %mul3A : i32
    %mul3A_1 = arith.constant 16 : i32
    %mul3A_2 = arith.muli %arg0, %mul3A_1 : i32
    %add3A = arith.addi %mul3A_2, %arg1 : i32
    %mul3A_3 = arith.constant 40 : i32
    %mul3A_4 = arith.muli %add3A, %mul3A_3 : i32
    %run_scoped3A = arith.constant 1 : i32
    "tpu.region"() ({
      %run_scoped3A_10 = tpu.sem_alloc : memref<!tpu.dma_semaphore, #tpu.memory_space<semaphore_mem>>
      %dma_start3A = arith.constant 0 : i32
      %dma_start3A_11 = arith.constant 0 : i32
      %dma_start3A_12 = tpu.memref_slice %arg2[%run_scoped3A, %dma_start3A, %dma_start3A_11] : memref<2x1280x125xi32, #tpu.memory_space<hbm>> -> memref<1x1280x125xi32, #tpu.memory_space<hbm>>
      %dma_start3A_13 = tpu.memref_squeeze %dma_start3A_12 : memref<1x1280x125xi32, #tpu.memory_space<hbm>> -> memref<1280x125xi32, #tpu.memory_space<hbm>>
      %dma_start3A_14 = arith.constant 0 : i32
      %dma_start3A_15 = tpu.memref_slice %dma_start3A_13[%mul3A_4, %dma_start3A_14] : memref<1280x125xi32, #tpu.memory_space<hbm>> -> memref<40x125xi32, #tpu.memory_space<hbm>>
      %dma_start3A_16 = arith.constant 0 : i32
      %dma_start3A_17 = arith.constant 0 : i32
      %dma_start3A_18 = tpu.memref_slice %arg2[%run_scoped3A, %dma_start3A_16, %dma_start3A_17] : memref<2x1280x125xi32, #tpu.memory_space<hbm>> -> memref<1x1280x125xi32, #tpu.memory_space<hbm>>
      %dma_start3A_19 = tpu.memref_squeeze %dma_start3A_18 : memref<1x1280x125xi32, #tpu.memory_space<hbm>> -> memref<1280x125xi32, #tpu.memory_space<hbm>>
      %dma_start3A_20 = arith.constant 0 : i32
      %dma_start3A_21 = tpu.memref_slice %dma_start3A_19[%mul3A_4, %dma_start3A_20] : memref<1280x125xi32, #tpu.memory_space<hbm>> -> memref<40x125xi32, #tpu.memory_space<hbm>>
      tpu.enqueue_dma source(%dma_start3A_21 : memref<40x125xi32, #tpu.memory_space<hbm>>) target(%arg6 : memref<40x125xi32, #tpu.memory_space<vmem>>) target_semaphore(%run_scoped3A_10 : memref<!tpu.dma_semaphore, #tpu.memory_space<semaphore_mem>>)
      %dma_wait3A = arith.constant 0 : i32
      %dma_wait3A_22 = arith.constant 0 : i32
      %dma_wait3A_23 = tpu.memref_slice %arg2[%run_scoped3A, %dma_wait3A, %dma_wait3A_22] : memref<2x1280x125xi32, #tpu.memory_space<hbm>> -> memref<1x1280x125xi32, #tpu.memory_space<hbm>>
      %dma_wait3A_24 = tpu.memref_squeeze %dma_wait3A_23 : memref<1x1280x125xi32, #tpu.memory_space<hbm>> -> memref<1280x125xi32, #tpu.memory_space<hbm>>
      %dma_wait3A_25 = arith.constant 0 : i32
      %dma_wait3A_26 = tpu.memref_slice %dma_wait3A_24[%mul3A_4, %dma_wait3A_25] : memref<1280x125xi32, #tpu.memory_space<hbm>> -> memref<40x125xi32, #tpu.memory_space<hbm>>
      %dma_wait3A_27 = arith.constant 0 : i32
      %dma_wait3A_28 = arith.constant 0 : i32
      %dma_wait3A_29 = tpu.memref_slice %arg2[%run_scoped3A, %dma_wait3A_27, %dma_wait3A_28] : memref<2x1280x125xi32, #tpu.memory_space<hbm>> -> memref<1x1280x125xi32, #tpu.memory_space<hbm>>
      %dma_wait3A_30 = tpu.memref_squeeze %dma_wait3A_29 : memref<1x1280x125xi32, #tpu.memory_space<hbm>> -> memref<1280x125xi32, #tpu.memory_space<hbm>>
      %dma_wait3A_31 = arith.constant 0 : i32
      %dma_wait3A_32 = tpu.memref_slice %dma_wait3A_30[%mul3A_4, %dma_wait3A_31] : memref<1280x125xi32, #tpu.memory_space<hbm>> -> memref<40x125xi32, #tpu.memory_space<hbm>>
      tpu.wait_dma2 semaphore(%run_scoped3A_10 : memref<!tpu.dma_semaphore, #tpu.memory_space<semaphore_mem>>) src(%dma_wait3A_32 : memref<40x125xi32, #tpu.memory_space<hbm>>) dst(%arg6 : memref<40x125xi32, #tpu.memory_space<vmem>>)
      tpu.yield
    }) : () -> ()
    "tpu.region"() ({
      %run_scoped3A_10 = tpu.sem_alloc : memref<!tpu.dma_semaphore, #tpu.memory_space<semaphore_mem>>
      tpu.enqueue_dma source(%arg3 : memref<125x128xf32, #tpu.memory_space<hbm>>) target(%arg7 : memref<125x128xf32, #tpu.memory_space<vmem>>) target_semaphore(%run_scoped3A_10 : memref<!tpu.dma_semaphore, #tpu.memory_space<semaphore_mem>>)
      tpu.wait_dma2 semaphore(%run_scoped3A_10 : memref<!tpu.dma_semaphore, #tpu.memory_space<semaphore_mem>>) src(%arg3 : memref<125x128xf32, #tpu.memory_space<hbm>>) dst(%arg7 : memref<125x128xf32, #tpu.memory_space<vmem>>)
      tpu.yield
    }) : () -> ()
    "tpu.region"() ({
      %run_scoped3A_10 = tpu.sem_alloc : memref<!tpu.dma_semaphore, #tpu.memory_space<semaphore_mem>>
      %dma_start3A = arith.constant 0 : i32
      %dma_start3A_11 = tpu.memref_slice %arg8[%mul3A_0, %dma_start3A] : memref<10240x128xf32, #tpu.memory_space<vmem_shared>> -> memref<640x128xf32, #tpu.memory_space<vmem_shared>>
      tpu.enqueue_dma source(%arg4 : memref<640x128xf32, #tpu.memory_space<hbm>>) target(%dma_start3A_11 : memref<640x128xf32, #tpu.memory_space<vmem_shared>>) target_semaphore(%run_scoped3A_10 : memref<!tpu.dma_semaphore, #tpu.memory_space<semaphore_mem>>)
      %dma_wait3A = arith.constant 0 : i32
      %dma_wait3A_12 = tpu.memref_slice %arg8[%mul3A_0, %dma_wait3A] : memref<10240x128xf32, #tpu.memory_space<vmem_shared>> -> memref<640x128xf32, #tpu.memory_space<vmem_shared>>
      tpu.wait_dma2 semaphore(%run_scoped3A_10 : memref<!tpu.dma_semaphore, #tpu.memory_space<semaphore_mem>>) src(%arg4 : memref<640x128xf32, #tpu.memory_space<hbm>>) dst(%dma_wait3A_12 : memref<640x128xf32, #tpu.memory_space<vmem_shared>>)
      tpu.yield
    }) : () -> ()
    %barrier3A = arith.constant 0 : index
    tpu.barrier barrier_id(%barrier3A)
    %scan3A = arith.constant 0 : i32
    %scan3A_5 = arith.constant 40 : i32
    %scan3A_6 = arith.addi %scan3A, %scan3A_5 : i32
    %scan3A_7 = arith.constant 1 : i32
    scf.for %scan3A_10 = %scan3A to %scan3A_6 step %scan3A_7  : i32 {
      %mul3A_11 = arith.constant 1 : i32
      %mul3A_12 = arith.muli %scan3A_10, %mul3A_11 : i32
      %add3A_13 = arith.constant 0 : i32
      %add3A_14 = arith.addi %add3A_13, %mul3A_12 : i32
      "tpu.region"() ({
        %run_scoped3A_15 = tpu.sem_alloc : memref<!tpu.dma_semaphore, #tpu.memory_space<semaphore_mem>>
        %dma_start3A = arith.constant 0 : i32
        %dma_start3A_16 = tpu.memref_slice %arg6[%add3A_14, %dma_start3A] : memref<40x125xi32, #tpu.memory_space<vmem>> -> memref<1x125xi32, #tpu.memory_space<vmem>>
        %dma_start3A_17 = tpu.memref_squeeze %dma_start3A_16 : memref<1x125xi32, #tpu.memory_space<vmem>> -> memref<125xi32, #tpu.memory_space<vmem>>
        %dma_start3A_18 = arith.constant 0 : i32
        %dma_start3A_19 = arith.constant 0 : i32
        %dma_start3A_20 = tpu.memref_slice %arg8[%dma_start3A_18, %dma_start3A_19] : memref<10240x128xf32, #tpu.memory_space<vmem_shared>> -> memref<10240x128xf32, #tpu.memory_space<vmem_shared>>
        tpu.enqueue_indirect_dma source(%arg7 : memref<125x128xf32, #tpu.memory_space<vmem>>) target(%dma_start3A_20 : memref<10240x128xf32, #tpu.memory_space<vmem_shared>>) offsets(%dma_start3A_17 : memref<125xi32, #tpu.memory_space<vmem>>) semaphore(%run_scoped3A_15 : memref<!tpu.dma_semaphore, #tpu.memory_space<semaphore_mem>>) {add = true}
        %dma_wait3A = arith.constant 0 : i32
        %dma_wait3A_21 = tpu.memref_slice %arg6[%add3A_14, %dma_wait3A] : memref<40x125xi32, #tpu.memory_space<vmem>> -> memref<1x125xi32, #tpu.memory_space<vmem>>
        %dma_wait3A_22 = tpu.memref_squeeze %dma_wait3A_21 : memref<1x125xi32, #tpu.memory_space<vmem>> -> memref<125xi32, #tpu.memory_space<vmem>>
        %dma_wait3A_23 = arith.constant 0 : i32
        %dma_wait3A_24 = arith.constant 0 : i32
        %dma_wait3A_25 = tpu.memref_slice %arg8[%dma_wait3A_23, %dma_wait3A_24] : memref<10240x128xf32, #tpu.memory_space<vmem_shared>> -> memref<10240x128xf32, #tpu.memory_space<vmem_shared>>
        tpu.wait_indirect_dma semaphore(%run_scoped3A_15 : memref<!tpu.dma_semaphore, #tpu.memory_space<semaphore_mem>>) src(%arg7 : memref<125x128xf32, #tpu.memory_space<vmem>>) dst(%dma_wait3A_25 : memref<10240x128xf32, #tpu.memory_space<vmem_shared>>)
        tpu.yield
      }) : () -> ()
    }
    %scan3A_8 = arith.constant 40 : i32
    %barrier3A_9 = arith.constant 0 : index
    tpu.barrier barrier_id(%barrier3A_9)
    "tpu.region"() ({
      %run_scoped3A_10 = tpu.sem_alloc : memref<!tpu.dma_semaphore, #tpu.memory_space<semaphore_mem>>
      %dma_start3A = arith.constant 0 : i32
      %dma_start3A_11 = arith.constant 0 : i32
      %dma_start3A_12 = tpu.memref_slice %arg5[%arg0, %dma_start3A, %dma_start3A_11] : memref<2x10240x128xf32, #tpu.memory_space<hbm>> -> memref<1x10240x128xf32, #tpu.memory_space<hbm>>
      %dma_start3A_13 = tpu.memref_squeeze %dma_start3A_12 : memref<1x10240x128xf32, #tpu.memory_space<hbm>> -> memref<10240x128xf32, #tpu.memory_space<hbm>>
      %dma_start3A_14 = arith.constant 0 : i32
      %dma_start3A_15 = tpu.memref_slice %dma_start3A_13[%mul3A_0, %dma_start3A_14] : memref<10240x128xf32, #tpu.memory_space<hbm>> -> memref<640x128xf32, #tpu.memory_space<hbm>>
      %dma_start3A_16 = arith.constant 0 : i32
      %dma_start3A_17 = tpu.memref_slice %arg8[%mul3A_0, %dma_start3A_16] : memref<10240x128xf32, #tpu.memory_space<vmem_shared>> -> memref<640x128xf32, #tpu.memory_space<vmem_shared>>
      tpu.enqueue_dma source(%dma_start3A_17 : memref<640x128xf32, #tpu.memory_space<vmem_shared>>) target(%dma_start3A_15 : memref<640x128xf32, #tpu.memory_space<hbm>>) target_semaphore(%run_scoped3A_10 : memref<!tpu.dma_semaphore, #tpu.memory_space<semaphore_mem>>)
      %dma_wait3A = arith.constant 0 : i32
      %dma_wait3A_18 = arith.constant 0 : i32
      %dma_wait3A_19 = tpu.memref_slice %arg5[%arg0, %dma_wait3A, %dma_wait3A_18] : memref<2x10240x128xf32, #tpu.memory_space<hbm>> -> memref<1x10240x128xf32, #tpu.memory_space<hbm>>
      %dma_wait3A_20 = tpu.memref_squeeze %dma_wait3A_19 : memref<1x10240x128xf32, #tpu.memory_space<hbm>> -> memref<10240x128xf32, #tpu.memory_space<hbm>>
      %dma_wait3A_21 = arith.constant 0 : i32
      %dma_wait3A_22 = tpu.memref_slice %dma_wait3A_20[%mul3A_0, %dma_wait3A_21] : memref<10240x128xf32, #tpu.memory_space<hbm>> -> memref<640x128xf32, #tpu.memory_space<hbm>>
      %dma_wait3A_23 = arith.constant 0 : i32
      %dma_wait3A_24 = tpu.memref_slice %arg8[%mul3A_0, %dma_wait3A_23] : memref<10240x128xf32, #tpu.memory_space<vmem_shared>> -> memref<640x128xf32, #tpu.memory_space<vmem_shared>>
      tpu.wait_dma2 semaphore(%run_scoped3A_10 : memref<!tpu.dma_semaphore, #tpu.memory_space<semaphore_mem>>) src(%dma_wait3A_24 : memref<640x128xf32, #tpu.memory_space<vmem_shared>>) dst(%dma_wait3A_22 : memref<640x128xf32, #tpu.memory_space<hbm>>)
      tpu.yield
    }) : () -> ()
    return
  }
}

#map = affine_map<(d0, d1) -> (0, 0, 0)>
#map1 = affine_map<(d0, d1) -> (0, 0)>
module attributes {stable_mosaic.version = 14 : i64} {
  func.func @_scatter_sc_body(%arg0: i32, %arg1: i32, %arg2: memref<2x10240x128xf32, #tpu.memory_space<hbm>>, %arg3: memref<2x1280x125xi32, #tpu.memory_space<hbm>>, %arg4: memref<640x128xf32, #tpu.memory_space<hbm>>, %arg5: memref<2x10240x128xf32, #tpu.memory_space<hbm>>, %arg6: memref<40x125xi32, #tpu.memory_space<vmem>>, %arg7: memref<40x125xi32, #tpu.memory_space<vmem>>, %arg8: memref<125x128xf32, #tpu.memory_space<vmem>>, %arg9: memref<125x128xf32, #tpu.memory_space<vmem>>, %arg10: memref<10240x128xf32, #tpu.memory_space<vmem_shared>>, %arg11: memref<!tpu.dma_semaphore, #tpu.memory_space<semaphore_mem>>, %arg12: memref<!tpu.dma_semaphore, #tpu.memory_space<semaphore_mem>>) attributes {dimension_semantics = [#tpu.dimension_semantics<core_parallel>, #tpu.dimension_semantics<subcore_parallel>], iteration_bounds = array<i64: 2, 16>, scalar_prefetch = 0 : i64, scratch_operands = 7 : i64, tpu.core_type = #tpu.core_type<sc_vector_subcore>, window_params = [{transform_indices = #map}, {transform_indices = #map}, {transform_indices = #map1}, {transform_indices = #map}]} {
    %mul3A = arith.constant 640 : i32
    %mul3A_0 = arith.muli %arg1, %mul3A : i32
    "tpu.region"() ({
      %run_scoped3A_111 = tpu.sem_alloc : memref<!tpu.dma_semaphore, #tpu.memory_space<semaphore_mem>>
      %dma_start3A_112 = arith.constant 0 : i32
      %dma_start3A_113 = tpu.memref_slice %arg10[%mul3A_0, %dma_start3A_112] : memref<10240x128xf32, #tpu.memory_space<vmem_shared>> -> memref<640x128xf32, #tpu.memory_space<vmem_shared>>
      tpu.enqueue_dma source(%arg4 : memref<640x128xf32, #tpu.memory_space<hbm>>) target(%dma_start3A_113 : memref<640x128xf32, #tpu.memory_space<vmem_shared>>) target_semaphore(%run_scoped3A_111 : memref<!tpu.dma_semaphore, #tpu.memory_space<semaphore_mem>>)
      %dma_wait3A_114 = arith.constant 0 : i32
      %dma_wait3A_115 = tpu.memref_slice %arg10[%mul3A_0, %dma_wait3A_114] : memref<10240x128xf32, #tpu.memory_space<vmem_shared>> -> memref<640x128xf32, #tpu.memory_space<vmem_shared>>
      tpu.wait_dma2 semaphore(%run_scoped3A_111 : memref<!tpu.dma_semaphore, #tpu.memory_space<semaphore_mem>>) src(%arg4 : memref<640x128xf32, #tpu.memory_space<hbm>>) dst(%dma_wait3A_115 : memref<640x128xf32, #tpu.memory_space<vmem_shared>>)
      tpu.yield
    }) : () -> ()
    %barrier3A = arith.constant 0 : index
    tpu.barrier barrier_id(%barrier3A)
    %mul3A_1 = arith.constant 80 : i32
    %mul3A_2 = arith.muli %arg1, %mul3A_1 : i32
    %add3A = arith.constant 0 : i32
    %add3A_3 = arith.addi %mul3A_2, %add3A : i32
    %run_scoped3A = arith.constant 0 : i32
    "tpu.region"() ({
      %run_scoped3A_111 = tpu.sem_alloc : memref<!tpu.dma_semaphore, #tpu.memory_space<semaphore_mem>>
      %dma_start3A_112 = arith.constant 0 : i32
      %dma_start3A_113 = arith.constant 0 : i32
      %dma_start3A_114 = tpu.memref_slice %arg3[%run_scoped3A, %dma_start3A_112, %dma_start3A_113] : memref<2x1280x125xi32, #tpu.memory_space<hbm>> -> memref<1x1280x125xi32, #tpu.memory_space<hbm>>
      %dma_start3A_115 = tpu.memref_squeeze %dma_start3A_114 : memref<1x1280x125xi32, #tpu.memory_space<hbm>> -> memref<1280x125xi32, #tpu.memory_space<hbm>>
      %dma_start3A_116 = arith.constant 0 : i32
      %dma_start3A_117 = tpu.memref_slice %dma_start3A_115[%add3A_3, %dma_start3A_116] : memref<1280x125xi32, #tpu.memory_space<hbm>> -> memref<40x125xi32, #tpu.memory_space<hbm>>
      %dma_start3A_118 = arith.constant 0 : i32
      %dma_start3A_119 = arith.constant 0 : i32
      %dma_start3A_120 = tpu.memref_slice %arg3[%run_scoped3A, %dma_start3A_118, %dma_start3A_119] : memref<2x1280x125xi32, #tpu.memory_space<hbm>> -> memref<1x1280x125xi32, #tpu.memory_space<hbm>>
      %dma_start3A_121 = tpu.memref_squeeze %dma_start3A_120 : memref<1x1280x125xi32, #tpu.memory_space<hbm>> -> memref<1280x125xi32, #tpu.memory_space<hbm>>
      %dma_start3A_122 = arith.constant 0 : i32
      %dma_start3A_123 = tpu.memref_slice %dma_start3A_121[%add3A_3, %dma_start3A_122] : memref<1280x125xi32, #tpu.memory_space<hbm>> -> memref<40x125xi32, #tpu.memory_space<hbm>>
      tpu.enqueue_dma source(%dma_start3A_123 : memref<40x125xi32, #tpu.memory_space<hbm>>) target(%arg6 : memref<40x125xi32, #tpu.memory_space<vmem>>) target_semaphore(%run_scoped3A_111 : memref<!tpu.dma_semaphore, #tpu.memory_space<semaphore_mem>>)
      %dma_wait3A_124 = arith.constant 0 : i32
      %dma_wait3A_125 = arith.constant 0 : i32
      %dma_wait3A_126 = tpu.memref_slice %arg3[%run_scoped3A, %dma_wait3A_124, %dma_wait3A_125] : memref<2x1280x125xi32, #tpu.memory_space<hbm>> -> memref<1x1280x125xi32, #tpu.memory_space<hbm>>
      %dma_wait3A_127 = tpu.memref_squeeze %dma_wait3A_126 : memref<1x1280x125xi32, #tpu.memory_space<hbm>> -> memref<1280x125xi32, #tpu.memory_space<hbm>>
      %dma_wait3A_128 = arith.constant 0 : i32
      %dma_wait3A_129 = tpu.memref_slice %dma_wait3A_127[%add3A_3, %dma_wait3A_128] : memref<1280x125xi32, #tpu.memory_space<hbm>> -> memref<40x125xi32, #tpu.memory_space<hbm>>
      %dma_wait3A_130 = arith.constant 0 : i32
      %dma_wait3A_131 = arith.constant 0 : i32
      %dma_wait3A_132 = tpu.memref_slice %arg3[%run_scoped3A, %dma_wait3A_130, %dma_wait3A_131] : memref<2x1280x125xi32, #tpu.memory_space<hbm>> -> memref<1x1280x125xi32, #tpu.memory_space<hbm>>
      %dma_wait3A_133 = tpu.memref_squeeze %dma_wait3A_132 : memref<1x1280x125xi32, #tpu.memory_space<hbm>> -> memref<1280x125xi32, #tpu.memory_space<hbm>>
      %dma_wait3A_134 = arith.constant 0 : i32
      %dma_wait3A_135 = tpu.memref_slice %dma_wait3A_133[%add3A_3, %dma_wait3A_134] : memref<1280x125xi32, #tpu.memory_space<hbm>> -> memref<40x125xi32, #tpu.memory_space<hbm>>
      tpu.wait_dma2 semaphore(%run_scoped3A_111 : memref<!tpu.dma_semaphore, #tpu.memory_space<semaphore_mem>>) src(%dma_wait3A_135 : memref<40x125xi32, #tpu.memory_space<hbm>>) dst(%arg6 : memref<40x125xi32, #tpu.memory_space<vmem>>)
      tpu.yield
    }) : () -> ()
    %run_scoped3A_4 = arith.constant 1 : i32
    "tpu.region"() ({
      %run_scoped3A_111 = tpu.sem_alloc : memref<!tpu.dma_semaphore, #tpu.memory_space<semaphore_mem>>
      %dma_start3A_112 = arith.constant 0 : i32
      %dma_start3A_113 = arith.constant 0 : i32
      %dma_start3A_114 = tpu.memref_slice %arg3[%run_scoped3A_4, %dma_start3A_112, %dma_start3A_113] : memref<2x1280x125xi32, #tpu.memory_space<hbm>> -> memref<1x1280x125xi32, #tpu.memory_space<hbm>>
      %dma_start3A_115 = tpu.memref_squeeze %dma_start3A_114 : memref<1x1280x125xi32, #tpu.memory_space<hbm>> -> memref<1280x125xi32, #tpu.memory_space<hbm>>
      %dma_start3A_116 = arith.constant 0 : i32
      %dma_start3A_117 = tpu.memref_slice %dma_start3A_115[%add3A_3, %dma_start3A_116] : memref<1280x125xi32, #tpu.memory_space<hbm>> -> memref<40x125xi32, #tpu.memory_space<hbm>>
      %dma_start3A_118 = arith.constant 0 : i32
      %dma_start3A_119 = arith.constant 0 : i32
      %dma_start3A_120 = tpu.memref_slice %arg3[%run_scoped3A_4, %dma_start3A_118, %dma_start3A_119] : memref<2x1280x125xi32, #tpu.memory_space<hbm>> -> memref<1x1280x125xi32, #tpu.memory_space<hbm>>
      %dma_start3A_121 = tpu.memref_squeeze %dma_start3A_120 : memref<1x1280x125xi32, #tpu.memory_space<hbm>> -> memref<1280x125xi32, #tpu.memory_space<hbm>>
      %dma_start3A_122 = arith.constant 0 : i32
      %dma_start3A_123 = tpu.memref_slice %dma_start3A_121[%add3A_3, %dma_start3A_122] : memref<1280x125xi32, #tpu.memory_space<hbm>> -> memref<40x125xi32, #tpu.memory_space<hbm>>
      tpu.enqueue_dma source(%dma_start3A_123 : memref<40x125xi32, #tpu.memory_space<hbm>>) target(%arg7 : memref<40x125xi32, #tpu.memory_space<vmem>>) target_semaphore(%run_scoped3A_111 : memref<!tpu.dma_semaphore, #tpu.memory_space<semaphore_mem>>)
      %dma_wait3A_124 = arith.constant 0 : i32
      %dma_wait3A_125 = arith.constant 0 : i32
      %dma_wait3A_126 = tpu.memref_slice %arg3[%run_scoped3A_4, %dma_wait3A_124, %dma_wait3A_125] : memref<2x1280x125xi32, #tpu.memory_space<hbm>> -> memref<1x1280x125xi32, #tpu.memory_space<hbm>>
      %dma_wait3A_127 = tpu.memref_squeeze %dma_wait3A_126 : memref<1x1280x125xi32, #tpu.memory_space<hbm>> -> memref<1280x125xi32, #tpu.memory_space<hbm>>
      %dma_wait3A_128 = arith.constant 0 : i32
      %dma_wait3A_129 = tpu.memref_slice %dma_wait3A_127[%add3A_3, %dma_wait3A_128] : memref<1280x125xi32, #tpu.memory_space<hbm>> -> memref<40x125xi32, #tpu.memory_space<hbm>>
      %dma_wait3A_130 = arith.constant 0 : i32
      %dma_wait3A_131 = arith.constant 0 : i32
      %dma_wait3A_132 = tpu.memref_slice %arg3[%run_scoped3A_4, %dma_wait3A_130, %dma_wait3A_131] : memref<2x1280x125xi32, #tpu.memory_space<hbm>> -> memref<1x1280x125xi32, #tpu.memory_space<hbm>>
      %dma_wait3A_133 = tpu.memref_squeeze %dma_wait3A_132 : memref<1x1280x125xi32, #tpu.memory_space<hbm>> -> memref<1280x125xi32, #tpu.memory_space<hbm>>
      %dma_wait3A_134 = arith.constant 0 : i32
      %dma_wait3A_135 = tpu.memref_slice %dma_wait3A_133[%add3A_3, %dma_wait3A_134] : memref<1280x125xi32, #tpu.memory_space<hbm>> -> memref<40x125xi32, #tpu.memory_space<hbm>>
      tpu.wait_dma2 semaphore(%run_scoped3A_111 : memref<!tpu.dma_semaphore, #tpu.memory_space<semaphore_mem>>) src(%dma_wait3A_135 : memref<40x125xi32, #tpu.memory_space<hbm>>) dst(%arg7 : memref<40x125xi32, #tpu.memory_space<vmem>>)
      tpu.yield
    }) : () -> ()
    %dma_start3A = arith.constant 0 : i32
    %dma_start3A_5 = arith.constant 0 : i32
    %dma_start3A_6 = tpu.memref_slice %arg6[%dma_start3A, %dma_start3A_5] : memref<40x125xi32, #tpu.memory_space<vmem>> -> memref<1x125xi32, #tpu.memory_space<vmem>>
    %dma_start3A_7 = tpu.memref_squeeze %dma_start3A_6 : memref<1x125xi32, #tpu.memory_space<vmem>> -> memref<125xi32, #tpu.memory_space<vmem>>
    %dma_start3A_8 = arith.constant 0 : i32
    %dma_start3A_9 = arith.constant 0 : i32
    %dma_start3A_10 = tpu.memref_slice %arg2[%arg0, %dma_start3A_8, %dma_start3A_9] : memref<2x10240x128xf32, #tpu.memory_space<hbm>> -> memref<1x10240x128xf32, #tpu.memory_space<hbm>>
    %dma_start3A_11 = tpu.memref_squeeze %dma_start3A_10 : memref<1x10240x128xf32, #tpu.memory_space<hbm>> -> memref<10240x128xf32, #tpu.memory_space<hbm>>
    %dma_start3A_12 = arith.constant 0 : i32
    %dma_start3A_13 = arith.constant 0 : i32
    %dma_start3A_14 = tpu.memref_slice %dma_start3A_11[%dma_start3A_12, %dma_start3A_13] : memref<10240x128xf32, #tpu.memory_space<hbm>> -> memref<10240x128xf32, #tpu.memory_space<hbm>>
    tpu.enqueue_indirect_dma source(%dma_start3A_14 : memref<10240x128xf32, #tpu.memory_space<hbm>>) target(%arg8 : memref<125x128xf32, #tpu.memory_space<vmem>>) offsets(%dma_start3A_7 : memref<125xi32, #tpu.memory_space<vmem>>) semaphore(%arg11 : memref<!tpu.dma_semaphore, #tpu.memory_space<semaphore_mem>>)
    %dma_start3A_15 = arith.constant 1 : i32
    %dma_start3A_16 = arith.constant 0 : i32
    %dma_start3A_17 = tpu.memref_slice %arg6[%dma_start3A_15, %dma_start3A_16] : memref<40x125xi32, #tpu.memory_space<vmem>> -> memref<1x125xi32, #tpu.memory_space<vmem>>
    %dma_start3A_18 = tpu.memref_squeeze %dma_start3A_17 : memref<1x125xi32, #tpu.memory_space<vmem>> -> memref<125xi32, #tpu.memory_space<vmem>>
    %dma_start3A_19 = arith.constant 0 : i32
    %dma_start3A_20 = arith.constant 0 : i32
    %dma_start3A_21 = tpu.memref_slice %arg2[%arg0, %dma_start3A_19, %dma_start3A_20] : memref<2x10240x128xf32, #tpu.memory_space<hbm>> -> memref<1x10240x128xf32, #tpu.memory_space<hbm>>
    %dma_start3A_22 = tpu.memref_squeeze %dma_start3A_21 : memref<1x10240x128xf32, #tpu.memory_space<hbm>> -> memref<10240x128xf32, #tpu.memory_space<hbm>>
    %dma_start3A_23 = arith.constant 0 : i32
    %dma_start3A_24 = arith.constant 0 : i32
    %dma_start3A_25 = tpu.memref_slice %dma_start3A_22[%dma_start3A_23, %dma_start3A_24] : memref<10240x128xf32, #tpu.memory_space<hbm>> -> memref<10240x128xf32, #tpu.memory_space<hbm>>
    tpu.enqueue_indirect_dma source(%dma_start3A_25 : memref<10240x128xf32, #tpu.memory_space<hbm>>) target(%arg9 : memref<125x128xf32, #tpu.memory_space<vmem>>) offsets(%dma_start3A_18 : memref<125xi32, #tpu.memory_space<vmem>>) semaphore(%arg12 : memref<!tpu.dma_semaphore, #tpu.memory_space<semaphore_mem>>)
    %scan3A = arith.constant 0 : i32
    %scan3A_26 = arith.constant 19 : i32
    %scan3A_27 = arith.addi %scan3A, %scan3A_26 : i32
    %scan3A_28 = arith.constant 1 : i32
    scf.for %scan3A_111 = %scan3A to %scan3A_27 step %scan3A_28  : i32 {
      %mul3A_112 = arith.constant 2 : i32
      %mul3A_113 = arith.muli %scan3A_111, %mul3A_112 : i32
      %add3A_114 = arith.constant 0 : i32
      %add3A_115 = arith.addi %add3A_114, %mul3A_113 : i32
      %dma_wait3A_116 = arith.constant 0 : i32
      %dma_wait3A_117 = tpu.memref_slice %arg6[%add3A_115, %dma_wait3A_116] : memref<40x125xi32, #tpu.memory_space<vmem>> -> memref<1x125xi32, #tpu.memory_space<vmem>>
      %dma_wait3A_118 = tpu.memref_squeeze %dma_wait3A_117 : memref<1x125xi32, #tpu.memory_space<vmem>> -> memref<125xi32, #tpu.memory_space<vmem>>
      %dma_wait3A_119 = arith.constant 0 : i32
      %dma_wait3A_120 = arith.constant 0 : i32
      %dma_wait3A_121 = tpu.memref_slice %arg2[%arg0, %dma_wait3A_119, %dma_wait3A_120] : memref<2x10240x128xf32, #tpu.memory_space<hbm>> -> memref<1x10240x128xf32, #tpu.memory_space<hbm>>
      %dma_wait3A_122 = tpu.memref_squeeze %dma_wait3A_121 : memref<1x10240x128xf32, #tpu.memory_space<hbm>> -> memref<10240x128xf32, #tpu.memory_space<hbm>>
      %dma_wait3A_123 = arith.constant 0 : i32
      %dma_wait3A_124 = arith.constant 0 : i32
      %dma_wait3A_125 = tpu.memref_slice %dma_wait3A_122[%dma_wait3A_123, %dma_wait3A_124] : memref<10240x128xf32, #tpu.memory_space<hbm>> -> memref<10240x128xf32, #tpu.memory_space<hbm>>
      tpu.wait_indirect_dma semaphore(%arg11 : memref<!tpu.dma_semaphore, #tpu.memory_space<semaphore_mem>>) src(%dma_wait3A_125 : memref<10240x128xf32, #tpu.memory_space<hbm>>) dst(%arg8 : memref<125x128xf32, #tpu.memory_space<vmem>>)
      "tpu.region"() ({
        %run_scoped3A_164 = tpu.sem_alloc : memref<!tpu.dma_semaphore, #tpu.memory_space<semaphore_mem>>
        %dma_start3A_165 = arith.constant 0 : i32
        %dma_start3A_166 = tpu.memref_slice %arg7[%add3A_115, %dma_start3A_165] : memref<40x125xi32, #tpu.memory_space<vmem>> -> memref<1x125xi32, #tpu.memory_space<vmem>>
        %dma_start3A_167 = tpu.memref_squeeze %dma_start3A_166 : memref<1x125xi32, #tpu.memory_space<vmem>> -> memref<125xi32, #tpu.memory_space<vmem>>
        %dma_start3A_168 = arith.constant 0 : i32
        %dma_start3A_169 = arith.constant 0 : i32
        %dma_start3A_170 = tpu.memref_slice %arg10[%dma_start3A_168, %dma_start3A_169] : memref<10240x128xf32, #tpu.memory_space<vmem_shared>> -> memref<10240x128xf32, #tpu.memory_space<vmem_shared>>
        tpu.enqueue_indirect_dma source(%arg8 : memref<125x128xf32, #tpu.memory_space<vmem>>) target(%dma_start3A_170 : memref<10240x128xf32, #tpu.memory_space<vmem_shared>>) offsets(%dma_start3A_167 : memref<125xi32, #tpu.memory_space<vmem>>) semaphore(%run_scoped3A_164 : memref<!tpu.dma_semaphore, #tpu.memory_space<semaphore_mem>>) {add = true}
        %dma_wait3A_171 = arith.constant 0 : i32
        %dma_wait3A_172 = tpu.memref_slice %arg7[%add3A_115, %dma_wait3A_171] : memref<40x125xi32, #tpu.memory_space<vmem>> -> memref<1x125xi32, #tpu.memory_space<vmem>>
        %dma_wait3A_173 = tpu.memref_squeeze %dma_wait3A_172 : memref<1x125xi32, #tpu.memory_space<vmem>> -> memref<125xi32, #tpu.memory_space<vmem>>
        %dma_wait3A_174 = arith.constant 0 : i32
        %dma_wait3A_175 = arith.constant 0 : i32
        %dma_wait3A_176 = tpu.memref_slice %arg10[%dma_wait3A_174, %dma_wait3A_175] : memref<10240x128xf32, #tpu.memory_space<vmem_shared>> -> memref<10240x128xf32, #tpu.memory_space<vmem_shared>>
        tpu.wait_indirect_dma semaphore(%run_scoped3A_164 : memref<!tpu.dma_semaphore, #tpu.memory_space<semaphore_mem>>) src(%arg8 : memref<125x128xf32, #tpu.memory_space<vmem>>) dst(%dma_wait3A_176 : memref<10240x128xf32, #tpu.memory_space<vmem_shared>>)
        tpu.yield
      }) : () -> ()
      %add3A_126 = arith.constant 2 : i32
      %add3A_127 = arith.addi %add3A_115, %add3A_126 : i32
      %dma_start3A_128 = arith.constant 0 : i32
      %dma_start3A_129 = tpu.memref_slice %arg6[%add3A_127, %dma_start3A_128] : memref<40x125xi32, #tpu.memory_space<vmem>> -> memref<1x125xi32, #tpu.memory_space<vmem>>
      %dma_start3A_130 = tpu.memref_squeeze %dma_start3A_129 : memref<1x125xi32, #tpu.memory_space<vmem>> -> memref<125xi32, #tpu.memory_space<vmem>>
      %dma_start3A_131 = arith.constant 0 : i32
      %dma_start3A_132 = arith.constant 0 : i32
      %dma_start3A_133 = tpu.memref_slice %arg2[%arg0, %dma_start3A_131, %dma_start3A_132] : memref<2x10240x128xf32, #tpu.memory_space<hbm>> -> memref<1x10240x128xf32, #tpu.memory_space<hbm>>
      %dma_start3A_134 = tpu.memref_squeeze %dma_start3A_133 : memref<1x10240x128xf32, #tpu.memory_space<hbm>> -> memref<10240x128xf32, #tpu.memory_space<hbm>>
      %dma_start3A_135 = arith.constant 0 : i32
      %dma_start3A_136 = arith.constant 0 : i32
      %dma_start3A_137 = tpu.memref_slice %dma_start3A_134[%dma_start3A_135, %dma_start3A_136] : memref<10240x128xf32, #tpu.memory_space<hbm>> -> memref<10240x128xf32, #tpu.memory_space<hbm>>
      tpu.enqueue_indirect_dma source(%dma_start3A_137 : memref<10240x128xf32, #tpu.memory_space<hbm>>) target(%arg8 : memref<125x128xf32, #tpu.memory_space<vmem>>) offsets(%dma_start3A_130 : memref<125xi32, #tpu.memory_space<vmem>>) semaphore(%arg11 : memref<!tpu.dma_semaphore, #tpu.memory_space<semaphore_mem>>)
      %add3A_138 = arith.constant 1 : i32
      %add3A_139 = arith.addi %add3A_115, %add3A_138 : i32
      %dma_wait3A_140 = arith.constant 0 : i32
      %dma_wait3A_141 = tpu.memref_slice %arg6[%add3A_139, %dma_wait3A_140] : memref<40x125xi32, #tpu.memory_space<vmem>> -> memref<1x125xi32, #tpu.memory_space<vmem>>
      %dma_wait3A_142 = tpu.memref_squeeze %dma_wait3A_141 : memref<1x125xi32, #tpu.memory_space<vmem>> -> memref<125xi32, #tpu.memory_space<vmem>>
      %dma_wait3A_143 = arith.constant 0 : i32
      %dma_wait3A_144 = arith.constant 0 : i32
      %dma_wait3A_145 = tpu.memref_slice %arg2[%arg0, %dma_wait3A_143, %dma_wait3A_144] : memref<2x10240x128xf32, #tpu.memory_space<hbm>> -> memref<1x10240x128xf32, #tpu.memory_space<hbm>>
      %dma_wait3A_146 = tpu.memref_squeeze %dma_wait3A_145 : memref<1x10240x128xf32, #tpu.memory_space<hbm>> -> memref<10240x128xf32, #tpu.memory_space<hbm>>
      %dma_wait3A_147 = arith.constant 0 : i32
      %dma_wait3A_148 = arith.constant 0 : i32
      %dma_wait3A_149 = tpu.memref_slice %dma_wait3A_146[%dma_wait3A_147, %dma_wait3A_148] : memref<10240x128xf32, #tpu.memory_space<hbm>> -> memref<10240x128xf32, #tpu.memory_space<hbm>>
      tpu.wait_indirect_dma semaphore(%arg12 : memref<!tpu.dma_semaphore, #tpu.memory_space<semaphore_mem>>) src(%dma_wait3A_149 : memref<10240x128xf32, #tpu.memory_space<hbm>>) dst(%arg9 : memref<125x128xf32, #tpu.memory_space<vmem>>)
      %add3A_150 = arith.constant 1 : i32
      %add3A_151 = arith.addi %add3A_115, %add3A_150 : i32
      "tpu.region"() ({
        %run_scoped3A_164 = tpu.sem_alloc : memref<!tpu.dma_semaphore, #tpu.memory_space<semaphore_mem>>
        %dma_start3A_165 = arith.constant 0 : i32
        %dma_start3A_166 = tpu.memref_slice %arg7[%add3A_151, %dma_start3A_165] : memref<40x125xi32, #tpu.memory_space<vmem>> -> memref<1x125xi32, #tpu.memory_space<vmem>>
        %dma_start3A_167 = tpu.memref_squeeze %dma_start3A_166 : memref<1x125xi32, #tpu.memory_space<vmem>> -> memref<125xi32, #tpu.memory_space<vmem>>
        %dma_start3A_168 = arith.constant 0 : i32
        %dma_start3A_169 = arith.constant 0 : i32
        %dma_start3A_170 = tpu.memref_slice %arg10[%dma_start3A_168, %dma_start3A_169] : memref<10240x128xf32, #tpu.memory_space<vmem_shared>> -> memref<10240x128xf32, #tpu.memory_space<vmem_shared>>
        tpu.enqueue_indirect_dma source(%arg9 : memref<125x128xf32, #tpu.memory_space<vmem>>) target(%dma_start3A_170 : memref<10240x128xf32, #tpu.memory_space<vmem_shared>>) offsets(%dma_start3A_167 : memref<125xi32, #tpu.memory_space<vmem>>) semaphore(%run_scoped3A_164 : memref<!tpu.dma_semaphore, #tpu.memory_space<semaphore_mem>>) {add = true}
        %dma_wait3A_171 = arith.constant 0 : i32
        %dma_wait3A_172 = tpu.memref_slice %arg7[%add3A_151, %dma_wait3A_171] : memref<40x125xi32, #tpu.memory_space<vmem>> -> memref<1x125xi32, #tpu.memory_space<vmem>>
        %dma_wait3A_173 = tpu.memref_squeeze %dma_wait3A_172 : memref<1x125xi32, #tpu.memory_space<vmem>> -> memref<125xi32, #tpu.memory_space<vmem>>
        %dma_wait3A_174 = arith.constant 0 : i32
        %dma_wait3A_175 = arith.constant 0 : i32
        %dma_wait3A_176 = tpu.memref_slice %arg10[%dma_wait3A_174, %dma_wait3A_175] : memref<10240x128xf32, #tpu.memory_space<vmem_shared>> -> memref<10240x128xf32, #tpu.memory_space<vmem_shared>>
        tpu.wait_indirect_dma semaphore(%run_scoped3A_164 : memref<!tpu.dma_semaphore, #tpu.memory_space<semaphore_mem>>) src(%arg9 : memref<125x128xf32, #tpu.memory_space<vmem>>) dst(%dma_wait3A_176 : memref<10240x128xf32, #tpu.memory_space<vmem_shared>>)
        tpu.yield
      }) : () -> ()
      %add3A_152 = arith.constant 3 : i32
      %add3A_153 = arith.addi %add3A_115, %add3A_152 : i32
      %dma_start3A_154 = arith.constant 0 : i32
      %dma_start3A_155 = tpu.memref_slice %arg6[%add3A_153, %dma_start3A_154] : memref<40x125xi32, #tpu.memory_space<vmem>> -> memref<1x125xi32, #tpu.memory_space<vmem>>
      %dma_start3A_156 = tpu.memref_squeeze %dma_start3A_155 : memref<1x125xi32, #tpu.memory_space<vmem>> -> memref<125xi32, #tpu.memory_space<vmem>>
      %dma_start3A_157 = arith.constant 0 : i32
      %dma_start3A_158 = arith.constant 0 : i32
      %dma_start3A_159 = tpu.memref_slice %arg2[%arg0, %dma_start3A_157, %dma_start3A_158] : memref<2x10240x128xf32, #tpu.memory_space<hbm>> -> memref<1x10240x128xf32, #tpu.memory_space<hbm>>
      %dma_start3A_160 = tpu.memref_squeeze %dma_start3A_159 : memref<1x10240x128xf32, #tpu.memory_space<hbm>> -> memref<10240x128xf32, #tpu.memory_space<hbm>>
      %dma_start3A_161 = arith.constant 0 : i32
      %dma_start3A_162 = arith.constant 0 : i32
      %dma_start3A_163 = tpu.memref_slice %dma_start3A_160[%dma_start3A_161, %dma_start3A_162] : memref<10240x128xf32, #tpu.memory_space<hbm>> -> memref<10240x128xf32, #tpu.memory_space<hbm>>
      tpu.enqueue_indirect_dma source(%dma_start3A_163 : memref<10240x128xf32, #tpu.memory_space<hbm>>) target(%arg9 : memref<125x128xf32, #tpu.memory_space<vmem>>) offsets(%dma_start3A_156 : memref<125xi32, #tpu.memory_space<vmem>>) semaphore(%arg12 : memref<!tpu.dma_semaphore, #tpu.memory_space<semaphore_mem>>)
    }
    %scan3A_29 = arith.constant 19 : i32
    %dma_wait3A = arith.constant 38 : i32
    %dma_wait3A_30 = arith.constant 0 : i32
    %dma_wait3A_31 = tpu.memref_slice %arg6[%dma_wait3A, %dma_wait3A_30] : memref<40x125xi32, #tpu.memory_space<vmem>> -> memref<1x125xi32, #tpu.memory_space<vmem>>
    %dma_wait3A_32 = tpu.memref_squeeze %dma_wait3A_31 : memref<1x125xi32, #tpu.memory_space<vmem>> -> memref<125xi32, #tpu.memory_space<vmem>>
    %dma_wait3A_33 = arith.constant 0 : i32
    %dma_wait3A_34 = arith.constant 0 : i32
    %dma_wait3A_35 = tpu.memref_slice %arg2[%arg0, %dma_wait3A_33, %dma_wait3A_34] : memref<2x10240x128xf32, #tpu.memory_space<hbm>> -> memref<1x10240x128xf32, #tpu.memory_space<hbm>>
    %dma_wait3A_36 = tpu.memref_squeeze %dma_wait3A_35 : memref<1x10240x128xf32, #tpu.memory_space<hbm>> -> memref<10240x128xf32, #tpu.memory_space<hbm>>
    %dma_wait3A_37 = arith.constant 0 : i32
    %dma_wait3A_38 = arith.constant 0 : i32
    %dma_wait3A_39 = tpu.memref_slice %dma_wait3A_36[%dma_wait3A_37, %dma_wait3A_38] : memref<10240x128xf32, #tpu.memory_space<hbm>> -> memref<10240x128xf32, #tpu.memory_space<hbm>>
    tpu.wait_indirect_dma semaphore(%arg11 : memref<!tpu.dma_semaphore, #tpu.memory_space<semaphore_mem>>) src(%dma_wait3A_39 : memref<10240x128xf32, #tpu.memory_space<hbm>>) dst(%arg8 : memref<125x128xf32, #tpu.memory_space<vmem>>)
    %run_scoped3A_40 = arith.constant 38 : i32
    "tpu.region"() ({
      %run_scoped3A_111 = tpu.sem_alloc : memref<!tpu.dma_semaphore, #tpu.memory_space<semaphore_mem>>
      %dma_start3A_112 = arith.constant 0 : i32
      %dma_start3A_113 = tpu.memref_slice %arg7[%run_scoped3A_40, %dma_start3A_112] : memref<40x125xi32, #tpu.memory_space<vmem>> -> memref<1x125xi32, #tpu.memory_space<vmem>>
      %dma_start3A_114 = tpu.memref_squeeze %dma_start3A_113 : memref<1x125xi32, #tpu.memory_space<vmem>> -> memref<125xi32, #tpu.memory_space<vmem>>
      %dma_start3A_115 = arith.constant 0 : i32
      %dma_start3A_116 = arith.constant 0 : i32
      %dma_start3A_117 = tpu.memref_slice %arg10[%dma_start3A_115, %dma_start3A_116] : memref<10240x128xf32, #tpu.memory_space<vmem_shared>> -> memref<10240x128xf32, #tpu.memory_space<vmem_shared>>
      tpu.enqueue_indirect_dma source(%arg8 : memref<125x128xf32, #tpu.memory_space<vmem>>) target(%dma_start3A_117 : memref<10240x128xf32, #tpu.memory_space<vmem_shared>>) offsets(%dma_start3A_114 : memref<125xi32, #tpu.memory_space<vmem>>) semaphore(%run_scoped3A_111 : memref<!tpu.dma_semaphore, #tpu.memory_space<semaphore_mem>>) {add = true}
      %dma_wait3A_118 = arith.constant 0 : i32
      %dma_wait3A_119 = tpu.memref_slice %arg7[%run_scoped3A_40, %dma_wait3A_118] : memref<40x125xi32, #tpu.memory_space<vmem>> -> memref<1x125xi32, #tpu.memory_space<vmem>>
      %dma_wait3A_120 = tpu.memref_squeeze %dma_wait3A_119 : memref<1x125xi32, #tpu.memory_space<vmem>> -> memref<125xi32, #tpu.memory_space<vmem>>
      %dma_wait3A_121 = arith.constant 0 : i32
      %dma_wait3A_122 = arith.constant 0 : i32
      %dma_wait3A_123 = tpu.memref_slice %arg10[%dma_wait3A_121, %dma_wait3A_122] : memref<10240x128xf32, #tpu.memory_space<vmem_shared>> -> memref<10240x128xf32, #tpu.memory_space<vmem_shared>>
      tpu.wait_indirect_dma semaphore(%run_scoped3A_111 : memref<!tpu.dma_semaphore, #tpu.memory_space<semaphore_mem>>) src(%arg8 : memref<125x128xf32, #tpu.memory_space<vmem>>) dst(%dma_wait3A_123 : memref<10240x128xf32, #tpu.memory_space<vmem_shared>>)
      tpu.yield
    }) : () -> ()
    %dma_wait3A_41 = arith.constant 39 : i32
    %dma_wait3A_42 = arith.constant 0 : i32
    %dma_wait3A_43 = tpu.memref_slice %arg6[%dma_wait3A_41, %dma_wait3A_42] : memref<40x125xi32, #tpu.memory_space<vmem>> -> memref<1x125xi32, #tpu.memory_space<vmem>>
    %dma_wait3A_44 = tpu.memref_squeeze %dma_wait3A_43 : memref<1x125xi32, #tpu.memory_space<vmem>> -> memref<125xi32, #tpu.memory_space<vmem>>
    %dma_wait3A_45 = arith.constant 0 : i32
    %dma_wait3A_46 = arith.constant 0 : i32
    %dma_wait3A_47 = tpu.memref_slice %arg2[%arg0, %dma_wait3A_45, %dma_wait3A_46] : memref<2x10240x128xf32, #tpu.memory_space<hbm>> -> memref<1x10240x128xf32, #tpu.memory_space<hbm>>
    %dma_wait3A_48 = tpu.memref_squeeze %dma_wait3A_47 : memref<1x10240x128xf32, #tpu.memory_space<hbm>> -> memref<10240x128xf32, #tpu.memory_space<hbm>>
    %dma_wait3A_49 = arith.constant 0 : i32
    %dma_wait3A_50 = arith.constant 0 : i32
    %dma_wait3A_51 = tpu.memref_slice %dma_wait3A_48[%dma_wait3A_49, %dma_wait3A_50] : memref<10240x128xf32, #tpu.memory_space<hbm>> -> memref<10240x128xf32, #tpu.memory_space<hbm>>
    tpu.wait_indirect_dma semaphore(%arg12 : memref<!tpu.dma_semaphore, #tpu.memory_space<semaphore_mem>>) src(%dma_wait3A_51 : memref<10240x128xf32, #tpu.memory_space<hbm>>) dst(%arg9 : memref<125x128xf32, #tpu.memory_space<vmem>>)
    %run_scoped3A_52 = arith.constant 39 : i32
    "tpu.region"() ({
      %run_scoped3A_111 = tpu.sem_alloc : memref<!tpu.dma_semaphore, #tpu.memory_space<semaphore_mem>>
      %dma_start3A_112 = arith.constant 0 : i32
      %dma_start3A_113 = tpu.memref_slice %arg7[%run_scoped3A_52, %dma_start3A_112] : memref<40x125xi32, #tpu.memory_space<vmem>> -> memref<1x125xi32, #tpu.memory_space<vmem>>
      %dma_start3A_114 = tpu.memref_squeeze %dma_start3A_113 : memref<1x125xi32, #tpu.memory_space<vmem>> -> memref<125xi32, #tpu.memory_space<vmem>>
      %dma_start3A_115 = arith.constant 0 : i32
      %dma_start3A_116 = arith.constant 0 : i32
      %dma_start3A_117 = tpu.memref_slice %arg10[%dma_start3A_115, %dma_start3A_116] : memref<10240x128xf32, #tpu.memory_space<vmem_shared>> -> memref<10240x128xf32, #tpu.memory_space<vmem_shared>>
      tpu.enqueue_indirect_dma source(%arg9 : memref<125x128xf32, #tpu.memory_space<vmem>>) target(%dma_start3A_117 : memref<10240x128xf32, #tpu.memory_space<vmem_shared>>) offsets(%dma_start3A_114 : memref<125xi32, #tpu.memory_space<vmem>>) semaphore(%run_scoped3A_111 : memref<!tpu.dma_semaphore, #tpu.memory_space<semaphore_mem>>) {add = true}
      %dma_wait3A_118 = arith.constant 0 : i32
      %dma_wait3A_119 = tpu.memref_slice %arg7[%run_scoped3A_52, %dma_wait3A_118] : memref<40x125xi32, #tpu.memory_space<vmem>> -> memref<1x125xi32, #tpu.memory_space<vmem>>
      %dma_wait3A_120 = tpu.memref_squeeze %dma_wait3A_119 : memref<1x125xi32, #tpu.memory_space<vmem>> -> memref<125xi32, #tpu.memory_space<vmem>>
      %dma_wait3A_121 = arith.constant 0 : i32
      %dma_wait3A_122 = arith.constant 0 : i32
      %dma_wait3A_123 = tpu.memref_slice %arg10[%dma_wait3A_121, %dma_wait3A_122] : memref<10240x128xf32, #tpu.memory_space<vmem_shared>> -> memref<10240x128xf32, #tpu.memory_space<vmem_shared>>
      tpu.wait_indirect_dma semaphore(%run_scoped3A_111 : memref<!tpu.dma_semaphore, #tpu.memory_space<semaphore_mem>>) src(%arg9 : memref<125x128xf32, #tpu.memory_space<vmem>>) dst(%dma_wait3A_123 : memref<10240x128xf32, #tpu.memory_space<vmem_shared>>)
      tpu.yield
    }) : () -> ()
    %mul3A_53 = arith.constant 80 : i32
    %mul3A_54 = arith.muli %arg1, %mul3A_53 : i32
    %add3A_55 = arith.constant 40 : i32
    %add3A_56 = arith.addi %mul3A_54, %add3A_55 : i32
    %run_scoped3A_57 = arith.constant 0 : i32
    "tpu.region"() ({
      %run_scoped3A_111 = tpu.sem_alloc : memref<!tpu.dma_semaphore, #tpu.memory_space<semaphore_mem>>
      %dma_start3A_112 = arith.constant 0 : i32
      %dma_start3A_113 = arith.constant 0 : i32
      %dma_start3A_114 = tpu.memref_slice %arg3[%run_scoped3A_57, %dma_start3A_112, %dma_start3A_113] : memref<2x1280x125xi32, #tpu.memory_space<hbm>> -> memref<1x1280x125xi32, #tpu.memory_space<hbm>>
      %dma_start3A_115 = tpu.memref_squeeze %dma_start3A_114 : memref<1x1280x125xi32, #tpu.memory_space<hbm>> -> memref<1280x125xi32, #tpu.memory_space<hbm>>
      %dma_start3A_116 = arith.constant 0 : i32
      %dma_start3A_117 = tpu.memref_slice %dma_start3A_115[%add3A_56, %dma_start3A_116] : memref<1280x125xi32, #tpu.memory_space<hbm>> -> memref<40x125xi32, #tpu.memory_space<hbm>>
      %dma_start3A_118 = arith.constant 0 : i32
      %dma_start3A_119 = arith.constant 0 : i32
      %dma_start3A_120 = tpu.memref_slice %arg3[%run_scoped3A_57, %dma_start3A_118, %dma_start3A_119] : memref<2x1280x125xi32, #tpu.memory_space<hbm>> -> memref<1x1280x125xi32, #tpu.memory_space<hbm>>
      %dma_start3A_121 = tpu.memref_squeeze %dma_start3A_120 : memref<1x1280x125xi32, #tpu.memory_space<hbm>> -> memref<1280x125xi32, #tpu.memory_space<hbm>>
      %dma_start3A_122 = arith.constant 0 : i32
      %dma_start3A_123 = tpu.memref_slice %dma_start3A_121[%add3A_56, %dma_start3A_122] : memref<1280x125xi32, #tpu.memory_space<hbm>> -> memref<40x125xi32, #tpu.memory_space<hbm>>
      tpu.enqueue_dma source(%dma_start3A_123 : memref<40x125xi32, #tpu.memory_space<hbm>>) target(%arg6 : memref<40x125xi32, #tpu.memory_space<vmem>>) target_semaphore(%run_scoped3A_111 : memref<!tpu.dma_semaphore, #tpu.memory_space<semaphore_mem>>)
      %dma_wait3A_124 = arith.constant 0 : i32
      %dma_wait3A_125 = arith.constant 0 : i32
      %dma_wait3A_126 = tpu.memref_slice %arg3[%run_scoped3A_57, %dma_wait3A_124, %dma_wait3A_125] : memref<2x1280x125xi32, #tpu.memory_space<hbm>> -> memref<1x1280x125xi32, #tpu.memory_space<hbm>>
      %dma_wait3A_127 = tpu.memref_squeeze %dma_wait3A_126 : memref<1x1280x125xi32, #tpu.memory_space<hbm>> -> memref<1280x125xi32, #tpu.memory_space<hbm>>
      %dma_wait3A_128 = arith.constant 0 : i32
      %dma_wait3A_129 = tpu.memref_slice %dma_wait3A_127[%add3A_56, %dma_wait3A_128] : memref<1280x125xi32, #tpu.memory_space<hbm>> -> memref<40x125xi32, #tpu.memory_space<hbm>>
      %dma_wait3A_130 = arith.constant 0 : i32
      %dma_wait3A_131 = arith.constant 0 : i32
      %dma_wait3A_132 = tpu.memref_slice %arg3[%run_scoped3A_57, %dma_wait3A_130, %dma_wait3A_131] : memref<2x1280x125xi32, #tpu.memory_space<hbm>> -> memref<1x1280x125xi32, #tpu.memory_space<hbm>>
      %dma_wait3A_133 = tpu.memref_squeeze %dma_wait3A_132 : memref<1x1280x125xi32, #tpu.memory_space<hbm>> -> memref<1280x125xi32, #tpu.memory_space<hbm>>
      %dma_wait3A_134 = arith.constant 0 : i32
      %dma_wait3A_135 = tpu.memref_slice %dma_wait3A_133[%add3A_56, %dma_wait3A_134] : memref<1280x125xi32, #tpu.memory_space<hbm>> -> memref<40x125xi32, #tpu.memory_space<hbm>>
      tpu.wait_dma2 semaphore(%run_scoped3A_111 : memref<!tpu.dma_semaphore, #tpu.memory_space<semaphore_mem>>) src(%dma_wait3A_135 : memref<40x125xi32, #tpu.memory_space<hbm>>) dst(%arg6 : memref<40x125xi32, #tpu.memory_space<vmem>>)
      tpu.yield
    }) : () -> ()
    %run_scoped3A_58 = arith.constant 1 : i32
    "tpu.region"() ({
      %run_scoped3A_111 = tpu.sem_alloc : memref<!tpu.dma_semaphore, #tpu.memory_space<semaphore_mem>>
      %dma_start3A_112 = arith.constant 0 : i32
      %dma_start3A_113 = arith.constant 0 : i32
      %dma_start3A_114 = tpu.memref_slice %arg3[%run_scoped3A_58, %dma_start3A_112, %dma_start3A_113] : memref<2x1280x125xi32, #tpu.memory_space<hbm>> -> memref<1x1280x125xi32, #tpu.memory_space<hbm>>
      %dma_start3A_115 = tpu.memref_squeeze %dma_start3A_114 : memref<1x1280x125xi32, #tpu.memory_space<hbm>> -> memref<1280x125xi32, #tpu.memory_space<hbm>>
      %dma_start3A_116 = arith.constant 0 : i32
      %dma_start3A_117 = tpu.memref_slice %dma_start3A_115[%add3A_56, %dma_start3A_116] : memref<1280x125xi32, #tpu.memory_space<hbm>> -> memref<40x125xi32, #tpu.memory_space<hbm>>
      %dma_start3A_118 = arith.constant 0 : i32
      %dma_start3A_119 = arith.constant 0 : i32
      %dma_start3A_120 = tpu.memref_slice %arg3[%run_scoped3A_58, %dma_start3A_118, %dma_start3A_119] : memref<2x1280x125xi32, #tpu.memory_space<hbm>> -> memref<1x1280x125xi32, #tpu.memory_space<hbm>>
      %dma_start3A_121 = tpu.memref_squeeze %dma_start3A_120 : memref<1x1280x125xi32, #tpu.memory_space<hbm>> -> memref<1280x125xi32, #tpu.memory_space<hbm>>
      %dma_start3A_122 = arith.constant 0 : i32
      %dma_start3A_123 = tpu.memref_slice %dma_start3A_121[%add3A_56, %dma_start3A_122] : memref<1280x125xi32, #tpu.memory_space<hbm>> -> memref<40x125xi32, #tpu.memory_space<hbm>>
      tpu.enqueue_dma source(%dma_start3A_123 : memref<40x125xi32, #tpu.memory_space<hbm>>) target(%arg7 : memref<40x125xi32, #tpu.memory_space<vmem>>) target_semaphore(%run_scoped3A_111 : memref<!tpu.dma_semaphore, #tpu.memory_space<semaphore_mem>>)
      %dma_wait3A_124 = arith.constant 0 : i32
      %dma_wait3A_125 = arith.constant 0 : i32
      %dma_wait3A_126 = tpu.memref_slice %arg3[%run_scoped3A_58, %dma_wait3A_124, %dma_wait3A_125] : memref<2x1280x125xi32, #tpu.memory_space<hbm>> -> memref<1x1280x125xi32, #tpu.memory_space<hbm>>
      %dma_wait3A_127 = tpu.memref_squeeze %dma_wait3A_126 : memref<1x1280x125xi32, #tpu.memory_space<hbm>> -> memref<1280x125xi32, #tpu.memory_space<hbm>>
      %dma_wait3A_128 = arith.constant 0 : i32
      %dma_wait3A_129 = tpu.memref_slice %dma_wait3A_127[%add3A_56, %dma_wait3A_128] : memref<1280x125xi32, #tpu.memory_space<hbm>> -> memref<40x125xi32, #tpu.memory_space<hbm>>
      %dma_wait3A_130 = arith.constant 0 : i32
      %dma_wait3A_131 = arith.constant 0 : i32
      %dma_wait3A_132 = tpu.memref_slice %arg3[%run_scoped3A_58, %dma_wait3A_130, %dma_wait3A_131] : memref<2x1280x125xi32, #tpu.memory_space<hbm>> -> memref<1x1280x125xi32, #tpu.memory_space<hbm>>
      %dma_wait3A_133 = tpu.memref_squeeze %dma_wait3A_132 : memref<1x1280x125xi32, #tpu.memory_space<hbm>> -> memref<1280x125xi32, #tpu.memory_space<hbm>>
      %dma_wait3A_134 = arith.constant 0 : i32
      %dma_wait3A_135 = tpu.memref_slice %dma_wait3A_133[%add3A_56, %dma_wait3A_134] : memref<1280x125xi32, #tpu.memory_space<hbm>> -> memref<40x125xi32, #tpu.memory_space<hbm>>
      tpu.wait_dma2 semaphore(%run_scoped3A_111 : memref<!tpu.dma_semaphore, #tpu.memory_space<semaphore_mem>>) src(%dma_wait3A_135 : memref<40x125xi32, #tpu.memory_space<hbm>>) dst(%arg7 : memref<40x125xi32, #tpu.memory_space<vmem>>)
      tpu.yield
    }) : () -> ()
    %dma_start3A_59 = arith.constant 0 : i32
    %dma_start3A_60 = arith.constant 0 : i32
    %dma_start3A_61 = tpu.memref_slice %arg6[%dma_start3A_59, %dma_start3A_60] : memref<40x125xi32, #tpu.memory_space<vmem>> -> memref<1x125xi32, #tpu.memory_space<vmem>>
    %dma_start3A_62 = tpu.memref_squeeze %dma_start3A_61 : memref<1x125xi32, #tpu.memory_space<vmem>> -> memref<125xi32, #tpu.memory_space<vmem>>
    %dma_start3A_63 = arith.constant 0 : i32
    %dma_start3A_64 = arith.constant 0 : i32
    %dma_start3A_65 = tpu.memref_slice %arg2[%arg0, %dma_start3A_63, %dma_start3A_64] : memref<2x10240x128xf32, #tpu.memory_space<hbm>> -> memref<1x10240x128xf32, #tpu.memory_space<hbm>>
    %dma_start3A_66 = tpu.memref_squeeze %dma_start3A_65 : memref<1x10240x128xf32, #tpu.memory_space<hbm>> -> memref<10240x128xf32, #tpu.memory_space<hbm>>
    %dma_start3A_67 = arith.constant 0 : i32
    %dma_start3A_68 = arith.constant 0 : i32
    %dma_start3A_69 = tpu.memref_slice %dma_start3A_66[%dma_start3A_67, %dma_start3A_68] : memref<10240x128xf32, #tpu.memory_space<hbm>> -> memref<10240x128xf32, #tpu.memory_space<hbm>>
    tpu.enqueue_indirect_dma source(%dma_start3A_69 : memref<10240x128xf32, #tpu.memory_space<hbm>>) target(%arg8 : memref<125x128xf32, #tpu.memory_space<vmem>>) offsets(%dma_start3A_62 : memref<125xi32, #tpu.memory_space<vmem>>) semaphore(%arg11 : memref<!tpu.dma_semaphore, #tpu.memory_space<semaphore_mem>>)
    %dma_start3A_70 = arith.constant 1 : i32
    %dma_start3A_71 = arith.constant 0 : i32
    %dma_start3A_72 = tpu.memref_slice %arg6[%dma_start3A_70, %dma_start3A_71] : memref<40x125xi32, #tpu.memory_space<vmem>> -> memref<1x125xi32, #tpu.memory_space<vmem>>
    %dma_start3A_73 = tpu.memref_squeeze %dma_start3A_72 : memref<1x125xi32, #tpu.memory_space<vmem>> -> memref<125xi32, #tpu.memory_space<vmem>>
    %dma_start3A_74 = arith.constant 0 : i32
    %dma_start3A_75 = arith.constant 0 : i32
    %dma_start3A_76 = tpu.memref_slice %arg2[%arg0, %dma_start3A_74, %dma_start3A_75] : memref<2x10240x128xf32, #tpu.memory_space<hbm>> -> memref<1x10240x128xf32, #tpu.memory_space<hbm>>
    %dma_start3A_77 = tpu.memref_squeeze %dma_start3A_76 : memref<1x10240x128xf32, #tpu.memory_space<hbm>> -> memref<10240x128xf32, #tpu.memory_space<hbm>>
    %dma_start3A_78 = arith.constant 0 : i32
    %dma_start3A_79 = arith.constant 0 : i32
    %dma_start3A_80 = tpu.memref_slice %dma_start3A_77[%dma_start3A_78, %dma_start3A_79] : memref<10240x128xf32, #tpu.memory_space<hbm>> -> memref<10240x128xf32, #tpu.memory_space<hbm>>
    tpu.enqueue_indirect_dma source(%dma_start3A_80 : memref<10240x128xf32, #tpu.memory_space<hbm>>) target(%arg9 : memref<125x128xf32, #tpu.memory_space<vmem>>) offsets(%dma_start3A_73 : memref<125xi32, #tpu.memory_space<vmem>>) semaphore(%arg12 : memref<!tpu.dma_semaphore, #tpu.memory_space<semaphore_mem>>)
    %scan3A_81 = arith.constant 0 : i32
    %scan3A_82 = arith.constant 19 : i32
    %scan3A_83 = arith.addi %scan3A_81, %scan3A_82 : i32
    %scan3A_84 = arith.constant 1 : i32
    scf.for %scan3A_111 = %scan3A_81 to %scan3A_83 step %scan3A_84  : i32 {
      %mul3A_112 = arith.constant 2 : i32
      %mul3A_113 = arith.muli %scan3A_111, %mul3A_112 : i32
      %add3A_114 = arith.constant 0 : i32
      %add3A_115 = arith.addi %add3A_114, %mul3A_113 : i32
      %dma_wait3A_116 = arith.constant 0 : i32
      %dma_wait3A_117 = tpu.memref_slice %arg6[%add3A_115, %dma_wait3A_116] : memref<40x125xi32, #tpu.memory_space<vmem>> -> memref<1x125xi32, #tpu.memory_space<vmem>>
      %dma_wait3A_118 = tpu.memref_squeeze %dma_wait3A_117 : memref<1x125xi32, #tpu.memory_space<vmem>> -> memref<125xi32, #tpu.memory_space<vmem>>
      %dma_wait3A_119 = arith.constant 0 : i32
      %dma_wait3A_120 = arith.constant 0 : i32
      %dma_wait3A_121 = tpu.memref_slice %arg2[%arg0, %dma_wait3A_119, %dma_wait3A_120] : memref<2x10240x128xf32, #tpu.memory_space<hbm>> -> memref<1x10240x128xf32, #tpu.memory_space<hbm>>
      %dma_wait3A_122 = tpu.memref_squeeze %dma_wait3A_121 : memref<1x10240x128xf32, #tpu.memory_space<hbm>> -> memref<10240x128xf32, #tpu.memory_space<hbm>>
      %dma_wait3A_123 = arith.constant 0 : i32
      %dma_wait3A_124 = arith.constant 0 : i32
      %dma_wait3A_125 = tpu.memref_slice %dma_wait3A_122[%dma_wait3A_123, %dma_wait3A_124] : memref<10240x128xf32, #tpu.memory_space<hbm>> -> memref<10240x128xf32, #tpu.memory_space<hbm>>
      tpu.wait_indirect_dma semaphore(%arg11 : memref<!tpu.dma_semaphore, #tpu.memory_space<semaphore_mem>>) src(%dma_wait3A_125 : memref<10240x128xf32, #tpu.memory_space<hbm>>) dst(%arg8 : memref<125x128xf32, #tpu.memory_space<vmem>>)
      "tpu.region"() ({
        %run_scoped3A_164 = tpu.sem_alloc : memref<!tpu.dma_semaphore, #tpu.memory_space<semaphore_mem>>
        %dma_start3A_165 = arith.constant 0 : i32
        %dma_start3A_166 = tpu.memref_slice %arg7[%add3A_115, %dma_start3A_165] : memref<40x125xi32, #tpu.memory_space<vmem>> -> memref<1x125xi32, #tpu.memory_space<vmem>>
        %dma_start3A_167 = tpu.memref_squeeze %dma_start3A_166 : memref<1x125xi32, #tpu.memory_space<vmem>> -> memref<125xi32, #tpu.memory_space<vmem>>
        %dma_start3A_168 = arith.constant 0 : i32
        %dma_start3A_169 = arith.constant 0 : i32
        %dma_start3A_170 = tpu.memref_slice %arg10[%dma_start3A_168, %dma_start3A_169] : memref<10240x128xf32, #tpu.memory_space<vmem_shared>> -> memref<10240x128xf32, #tpu.memory_space<vmem_shared>>
        tpu.enqueue_indirect_dma source(%arg8 : memref<125x128xf32, #tpu.memory_space<vmem>>) target(%dma_start3A_170 : memref<10240x128xf32, #tpu.memory_space<vmem_shared>>) offsets(%dma_start3A_167 : memref<125xi32, #tpu.memory_space<vmem>>) semaphore(%run_scoped3A_164 : memref<!tpu.dma_semaphore, #tpu.memory_space<semaphore_mem>>) {add = true}
        %dma_wait3A_171 = arith.constant 0 : i32
        %dma_wait3A_172 = tpu.memref_slice %arg7[%add3A_115, %dma_wait3A_171] : memref<40x125xi32, #tpu.memory_space<vmem>> -> memref<1x125xi32, #tpu.memory_space<vmem>>
        %dma_wait3A_173 = tpu.memref_squeeze %dma_wait3A_172 : memref<1x125xi32, #tpu.memory_space<vmem>> -> memref<125xi32, #tpu.memory_space<vmem>>
        %dma_wait3A_174 = arith.constant 0 : i32
        %dma_wait3A_175 = arith.constant 0 : i32
        %dma_wait3A_176 = tpu.memref_slice %arg10[%dma_wait3A_174, %dma_wait3A_175] : memref<10240x128xf32, #tpu.memory_space<vmem_shared>> -> memref<10240x128xf32, #tpu.memory_space<vmem_shared>>
        tpu.wait_indirect_dma semaphore(%run_scoped3A_164 : memref<!tpu.dma_semaphore, #tpu.memory_space<semaphore_mem>>) src(%arg8 : memref<125x128xf32, #tpu.memory_space<vmem>>) dst(%dma_wait3A_176 : memref<10240x128xf32, #tpu.memory_space<vmem_shared>>)
        tpu.yield
      }) : () -> ()
      %add3A_126 = arith.constant 2 : i32
      %add3A_127 = arith.addi %add3A_115, %add3A_126 : i32
      %dma_start3A_128 = arith.constant 0 : i32
      %dma_start3A_129 = tpu.memref_slice %arg6[%add3A_127, %dma_start3A_128] : memref<40x125xi32, #tpu.memory_space<vmem>> -> memref<1x125xi32, #tpu.memory_space<vmem>>
      %dma_start3A_130 = tpu.memref_squeeze %dma_start3A_129 : memref<1x125xi32, #tpu.memory_space<vmem>> -> memref<125xi32, #tpu.memory_space<vmem>>
      %dma_start3A_131 = arith.constant 0 : i32
      %dma_start3A_132 = arith.constant 0 : i32
      %dma_start3A_133 = tpu.memref_slice %arg2[%arg0, %dma_start3A_131, %dma_start3A_132] : memref<2x10240x128xf32, #tpu.memory_space<hbm>> -> memref<1x10240x128xf32, #tpu.memory_space<hbm>>
      %dma_start3A_134 = tpu.memref_squeeze %dma_start3A_133 : memref<1x10240x128xf32, #tpu.memory_space<hbm>> -> memref<10240x128xf32, #tpu.memory_space<hbm>>
      %dma_start3A_135 = arith.constant 0 : i32
      %dma_start3A_136 = arith.constant 0 : i32
      %dma_start3A_137 = tpu.memref_slice %dma_start3A_134[%dma_start3A_135, %dma_start3A_136] : memref<10240x128xf32, #tpu.memory_space<hbm>> -> memref<10240x128xf32, #tpu.memory_space<hbm>>
      tpu.enqueue_indirect_dma source(%dma_start3A_137 : memref<10240x128xf32, #tpu.memory_space<hbm>>) target(%arg8 : memref<125x128xf32, #tpu.memory_space<vmem>>) offsets(%dma_start3A_130 : memref<125xi32, #tpu.memory_space<vmem>>) semaphore(%arg11 : memref<!tpu.dma_semaphore, #tpu.memory_space<semaphore_mem>>)
      %add3A_138 = arith.constant 1 : i32
      %add3A_139 = arith.addi %add3A_115, %add3A_138 : i32
      %dma_wait3A_140 = arith.constant 0 : i32
      %dma_wait3A_141 = tpu.memref_slice %arg6[%add3A_139, %dma_wait3A_140] : memref<40x125xi32, #tpu.memory_space<vmem>> -> memref<1x125xi32, #tpu.memory_space<vmem>>
      %dma_wait3A_142 = tpu.memref_squeeze %dma_wait3A_141 : memref<1x125xi32, #tpu.memory_space<vmem>> -> memref<125xi32, #tpu.memory_space<vmem>>
      %dma_wait3A_143 = arith.constant 0 : i32
      %dma_wait3A_144 = arith.constant 0 : i32
      %dma_wait3A_145 = tpu.memref_slice %arg2[%arg0, %dma_wait3A_143, %dma_wait3A_144] : memref<2x10240x128xf32, #tpu.memory_space<hbm>> -> memref<1x10240x128xf32, #tpu.memory_space<hbm>>
      %dma_wait3A_146 = tpu.memref_squeeze %dma_wait3A_145 : memref<1x10240x128xf32, #tpu.memory_space<hbm>> -> memref<10240x128xf32, #tpu.memory_space<hbm>>
      %dma_wait3A_147 = arith.constant 0 : i32
      %dma_wait3A_148 = arith.constant 0 : i32
      %dma_wait3A_149 = tpu.memref_slice %dma_wait3A_146[%dma_wait3A_147, %dma_wait3A_148] : memref<10240x128xf32, #tpu.memory_space<hbm>> -> memref<10240x128xf32, #tpu.memory_space<hbm>>
      tpu.wait_indirect_dma semaphore(%arg12 : memref<!tpu.dma_semaphore, #tpu.memory_space<semaphore_mem>>) src(%dma_wait3A_149 : memref<10240x128xf32, #tpu.memory_space<hbm>>) dst(%arg9 : memref<125x128xf32, #tpu.memory_space<vmem>>)
      %add3A_150 = arith.constant 1 : i32
      %add3A_151 = arith.addi %add3A_115, %add3A_150 : i32
      "tpu.region"() ({
        %run_scoped3A_164 = tpu.sem_alloc : memref<!tpu.dma_semaphore, #tpu.memory_space<semaphore_mem>>
        %dma_start3A_165 = arith.constant 0 : i32
        %dma_start3A_166 = tpu.memref_slice %arg7[%add3A_151, %dma_start3A_165] : memref<40x125xi32, #tpu.memory_space<vmem>> -> memref<1x125xi32, #tpu.memory_space<vmem>>
        %dma_start3A_167 = tpu.memref_squeeze %dma_start3A_166 : memref<1x125xi32, #tpu.memory_space<vmem>> -> memref<125xi32, #tpu.memory_space<vmem>>
        %dma_start3A_168 = arith.constant 0 : i32
        %dma_start3A_169 = arith.constant 0 : i32
        %dma_start3A_170 = tpu.memref_slice %arg10[%dma_start3A_168, %dma_start3A_169] : memref<10240x128xf32, #tpu.memory_space<vmem_shared>> -> memref<10240x128xf32, #tpu.memory_space<vmem_shared>>
        tpu.enqueue_indirect_dma source(%arg9 : memref<125x128xf32, #tpu.memory_space<vmem>>) target(%dma_start3A_170 : memref<10240x128xf32, #tpu.memory_space<vmem_shared>>) offsets(%dma_start3A_167 : memref<125xi32, #tpu.memory_space<vmem>>) semaphore(%run_scoped3A_164 : memref<!tpu.dma_semaphore, #tpu.memory_space<semaphore_mem>>) {add = true}
        %dma_wait3A_171 = arith.constant 0 : i32
        %dma_wait3A_172 = tpu.memref_slice %arg7[%add3A_151, %dma_wait3A_171] : memref<40x125xi32, #tpu.memory_space<vmem>> -> memref<1x125xi32, #tpu.memory_space<vmem>>
        %dma_wait3A_173 = tpu.memref_squeeze %dma_wait3A_172 : memref<1x125xi32, #tpu.memory_space<vmem>> -> memref<125xi32, #tpu.memory_space<vmem>>
        %dma_wait3A_174 = arith.constant 0 : i32
        %dma_wait3A_175 = arith.constant 0 : i32
        %dma_wait3A_176 = tpu.memref_slice %arg10[%dma_wait3A_174, %dma_wait3A_175] : memref<10240x128xf32, #tpu.memory_space<vmem_shared>> -> memref<10240x128xf32, #tpu.memory_space<vmem_shared>>
        tpu.wait_indirect_dma semaphore(%run_scoped3A_164 : memref<!tpu.dma_semaphore, #tpu.memory_space<semaphore_mem>>) src(%arg9 : memref<125x128xf32, #tpu.memory_space<vmem>>) dst(%dma_wait3A_176 : memref<10240x128xf32, #tpu.memory_space<vmem_shared>>)
        tpu.yield
      }) : () -> ()
      %add3A_152 = arith.constant 3 : i32
      %add3A_153 = arith.addi %add3A_115, %add3A_152 : i32
      %dma_start3A_154 = arith.constant 0 : i32
      %dma_start3A_155 = tpu.memref_slice %arg6[%add3A_153, %dma_start3A_154] : memref<40x125xi32, #tpu.memory_space<vmem>> -> memref<1x125xi32, #tpu.memory_space<vmem>>
      %dma_start3A_156 = tpu.memref_squeeze %dma_start3A_155 : memref<1x125xi32, #tpu.memory_space<vmem>> -> memref<125xi32, #tpu.memory_space<vmem>>
      %dma_start3A_157 = arith.constant 0 : i32
      %dma_start3A_158 = arith.constant 0 : i32
      %dma_start3A_159 = tpu.memref_slice %arg2[%arg0, %dma_start3A_157, %dma_start3A_158] : memref<2x10240x128xf32, #tpu.memory_space<hbm>> -> memref<1x10240x128xf32, #tpu.memory_space<hbm>>
      %dma_start3A_160 = tpu.memref_squeeze %dma_start3A_159 : memref<1x10240x128xf32, #tpu.memory_space<hbm>> -> memref<10240x128xf32, #tpu.memory_space<hbm>>
      %dma_start3A_161 = arith.constant 0 : i32
      %dma_start3A_162 = arith.constant 0 : i32
      %dma_start3A_163 = tpu.memref_slice %dma_start3A_160[%dma_start3A_161, %dma_start3A_162] : memref<10240x128xf32, #tpu.memory_space<hbm>> -> memref<10240x128xf32, #tpu.memory_space<hbm>>
      tpu.enqueue_indirect_dma source(%dma_start3A_163 : memref<10240x128xf32, #tpu.memory_space<hbm>>) target(%arg9 : memref<125x128xf32, #tpu.memory_space<vmem>>) offsets(%dma_start3A_156 : memref<125xi32, #tpu.memory_space<vmem>>) semaphore(%arg12 : memref<!tpu.dma_semaphore, #tpu.memory_space<semaphore_mem>>)
    }
    %scan3A_85 = arith.constant 19 : i32
    %dma_wait3A_86 = arith.constant 38 : i32
    %dma_wait3A_87 = arith.constant 0 : i32
    %dma_wait3A_88 = tpu.memref_slice %arg6[%dma_wait3A_86, %dma_wait3A_87] : memref<40x125xi32, #tpu.memory_space<vmem>> -> memref<1x125xi32, #tpu.memory_space<vmem>>
    %dma_wait3A_89 = tpu.memref_squeeze %dma_wait3A_88 : memref<1x125xi32, #tpu.memory_space<vmem>> -> memref<125xi32, #tpu.memory_space<vmem>>
    %dma_wait3A_90 = arith.constant 0 : i32
    %dma_wait3A_91 = arith.constant 0 : i32
    %dma_wait3A_92 = tpu.memref_slice %arg2[%arg0, %dma_wait3A_90, %dma_wait3A_91] : memref<2x10240x128xf32, #tpu.memory_space<hbm>> -> memref<1x10240x128xf32, #tpu.memory_space<hbm>>
    %dma_wait3A_93 = tpu.memref_squeeze %dma_wait3A_92 : memref<1x10240x128xf32, #tpu.memory_space<hbm>> -> memref<10240x128xf32, #tpu.memory_space<hbm>>
    %dma_wait3A_94 = arith.constant 0 : i32
    %dma_wait3A_95 = arith.constant 0 : i32
    %dma_wait3A_96 = tpu.memref_slice %dma_wait3A_93[%dma_wait3A_94, %dma_wait3A_95] : memref<10240x128xf32, #tpu.memory_space<hbm>> -> memref<10240x128xf32, #tpu.memory_space<hbm>>
    tpu.wait_indirect_dma semaphore(%arg11 : memref<!tpu.dma_semaphore, #tpu.memory_space<semaphore_mem>>) src(%dma_wait3A_96 : memref<10240x128xf32, #tpu.memory_space<hbm>>) dst(%arg8 : memref<125x128xf32, #tpu.memory_space<vmem>>)
    %run_scoped3A_97 = arith.constant 38 : i32
    "tpu.region"() ({
      %run_scoped3A_111 = tpu.sem_alloc : memref<!tpu.dma_semaphore, #tpu.memory_space<semaphore_mem>>
      %dma_start3A_112 = arith.constant 0 : i32
      %dma_start3A_113 = tpu.memref_slice %arg7[%run_scoped3A_97, %dma_start3A_112] : memref<40x125xi32, #tpu.memory_space<vmem>> -> memref<1x125xi32, #tpu.memory_space<vmem>>
      %dma_start3A_114 = tpu.memref_squeeze %dma_start3A_113 : memref<1x125xi32, #tpu.memory_space<vmem>> -> memref<125xi32, #tpu.memory_space<vmem>>
      %dma_start3A_115 = arith.constant 0 : i32
      %dma_start3A_116 = arith.constant 0 : i32
      %dma_start3A_117 = tpu.memref_slice %arg10[%dma_start3A_115, %dma_start3A_116] : memref<10240x128xf32, #tpu.memory_space<vmem_shared>> -> memref<10240x128xf32, #tpu.memory_space<vmem_shared>>
      tpu.enqueue_indirect_dma source(%arg8 : memref<125x128xf32, #tpu.memory_space<vmem>>) target(%dma_start3A_117 : memref<10240x128xf32, #tpu.memory_space<vmem_shared>>) offsets(%dma_start3A_114 : memref<125xi32, #tpu.memory_space<vmem>>) semaphore(%run_scoped3A_111 : memref<!tpu.dma_semaphore, #tpu.memory_space<semaphore_mem>>) {add = true}
      %dma_wait3A_118 = arith.constant 0 : i32
      %dma_wait3A_119 = tpu.memref_slice %arg7[%run_scoped3A_97, %dma_wait3A_118] : memref<40x125xi32, #tpu.memory_space<vmem>> -> memref<1x125xi32, #tpu.memory_space<vmem>>
      %dma_wait3A_120 = tpu.memref_squeeze %dma_wait3A_119 : memref<1x125xi32, #tpu.memory_space<vmem>> -> memref<125xi32, #tpu.memory_space<vmem>>
      %dma_wait3A_121 = arith.constant 0 : i32
      %dma_wait3A_122 = arith.constant 0 : i32
      %dma_wait3A_123 = tpu.memref_slice %arg10[%dma_wait3A_121, %dma_wait3A_122] : memref<10240x128xf32, #tpu.memory_space<vmem_shared>> -> memref<10240x128xf32, #tpu.memory_space<vmem_shared>>
      tpu.wait_indirect_dma semaphore(%run_scoped3A_111 : memref<!tpu.dma_semaphore, #tpu.memory_space<semaphore_mem>>) src(%arg8 : memref<125x128xf32, #tpu.memory_space<vmem>>) dst(%dma_wait3A_123 : memref<10240x128xf32, #tpu.memory_space<vmem_shared>>)
      tpu.yield
    }) : () -> ()
    %dma_wait3A_98 = arith.constant 39 : i32
    %dma_wait3A_99 = arith.constant 0 : i32
    %dma_wait3A_100 = tpu.memref_slice %arg6[%dma_wait3A_98, %dma_wait3A_99] : memref<40x125xi32, #tpu.memory_space<vmem>> -> memref<1x125xi32, #tpu.memory_space<vmem>>
    %dma_wait3A_101 = tpu.memref_squeeze %dma_wait3A_100 : memref<1x125xi32, #tpu.memory_space<vmem>> -> memref<125xi32, #tpu.memory_space<vmem>>
    %dma_wait3A_102 = arith.constant 0 : i32
    %dma_wait3A_103 = arith.constant 0 : i32
    %dma_wait3A_104 = tpu.memref_slice %arg2[%arg0, %dma_wait3A_102, %dma_wait3A_103] : memref<2x10240x128xf32, #tpu.memory_space<hbm>> -> memref<1x10240x128xf32, #tpu.memory_space<hbm>>
    %dma_wait3A_105 = tpu.memref_squeeze %dma_wait3A_104 : memref<1x10240x128xf32, #tpu.memory_space<hbm>> -> memref<10240x128xf32, #tpu.memory_space<hbm>>
    %dma_wait3A_106 = arith.constant 0 : i32
    %dma_wait3A_107 = arith.constant 0 : i32
    %dma_wait3A_108 = tpu.memref_slice %dma_wait3A_105[%dma_wait3A_106, %dma_wait3A_107] : memref<10240x128xf32, #tpu.memory_space<hbm>> -> memref<10240x128xf32, #tpu.memory_space<hbm>>
    tpu.wait_indirect_dma semaphore(%arg12 : memref<!tpu.dma_semaphore, #tpu.memory_space<semaphore_mem>>) src(%dma_wait3A_108 : memref<10240x128xf32, #tpu.memory_space<hbm>>) dst(%arg9 : memref<125x128xf32, #tpu.memory_space<vmem>>)
    %run_scoped3A_109 = arith.constant 39 : i32
    "tpu.region"() ({
      %run_scoped3A_111 = tpu.sem_alloc : memref<!tpu.dma_semaphore, #tpu.memory_space<semaphore_mem>>
      %dma_start3A_112 = arith.constant 0 : i32
      %dma_start3A_113 = tpu.memref_slice %arg7[%run_scoped3A_109, %dma_start3A_112] : memref<40x125xi32, #tpu.memory_space<vmem>> -> memref<1x125xi32, #tpu.memory_space<vmem>>
      %dma_start3A_114 = tpu.memref_squeeze %dma_start3A_113 : memref<1x125xi32, #tpu.memory_space<vmem>> -> memref<125xi32, #tpu.memory_space<vmem>>
      %dma_start3A_115 = arith.constant 0 : i32
      %dma_start3A_116 = arith.constant 0 : i32
      %dma_start3A_117 = tpu.memref_slice %arg10[%dma_start3A_115, %dma_start3A_116] : memref<10240x128xf32, #tpu.memory_space<vmem_shared>> -> memref<10240x128xf32, #tpu.memory_space<vmem_shared>>
      tpu.enqueue_indirect_dma source(%arg9 : memref<125x128xf32, #tpu.memory_space<vmem>>) target(%dma_start3A_117 : memref<10240x128xf32, #tpu.memory_space<vmem_shared>>) offsets(%dma_start3A_114 : memref<125xi32, #tpu.memory_space<vmem>>) semaphore(%run_scoped3A_111 : memref<!tpu.dma_semaphore, #tpu.memory_space<semaphore_mem>>) {add = true}
      %dma_wait3A_118 = arith.constant 0 : i32
      %dma_wait3A_119 = tpu.memref_slice %arg7[%run_scoped3A_109, %dma_wait3A_118] : memref<40x125xi32, #tpu.memory_space<vmem>> -> memref<1x125xi32, #tpu.memory_space<vmem>>
      %dma_wait3A_120 = tpu.memref_squeeze %dma_wait3A_119 : memref<1x125xi32, #tpu.memory_space<vmem>> -> memref<125xi32, #tpu.memory_space<vmem>>
      %dma_wait3A_121 = arith.constant 0 : i32
      %dma_wait3A_122 = arith.constant 0 : i32
      %dma_wait3A_123 = tpu.memref_slice %arg10[%dma_wait3A_121, %dma_wait3A_122] : memref<10240x128xf32, #tpu.memory_space<vmem_shared>> -> memref<10240x128xf32, #tpu.memory_space<vmem_shared>>
      tpu.wait_indirect_dma semaphore(%run_scoped3A_111 : memref<!tpu.dma_semaphore, #tpu.memory_space<semaphore_mem>>) src(%arg9 : memref<125x128xf32, #tpu.memory_space<vmem>>) dst(%dma_wait3A_123 : memref<10240x128xf32, #tpu.memory_space<vmem_shared>>)
      tpu.yield
    }) : () -> ()
    %barrier3A_110 = arith.constant 0 : index
    tpu.barrier barrier_id(%barrier3A_110)
    "tpu.region"() ({
      %run_scoped3A_111 = tpu.sem_alloc : memref<!tpu.dma_semaphore, #tpu.memory_space<semaphore_mem>>
      %dma_start3A_112 = arith.constant 0 : i32
      %dma_start3A_113 = arith.constant 0 : i32
      %dma_start3A_114 = tpu.memref_slice %arg5[%arg0, %dma_start3A_112, %dma_start3A_113] : memref<2x10240x128xf32, #tpu.memory_space<hbm>> -> memref<1x10240x128xf32, #tpu.memory_space<hbm>>
      %dma_start3A_115 = tpu.memref_squeeze %dma_start3A_114 : memref<1x10240x128xf32, #tpu.memory_space<hbm>> -> memref<10240x128xf32, #tpu.memory_space<hbm>>
      %dma_start3A_116 = arith.constant 0 : i32
      %dma_start3A_117 = tpu.memref_slice %dma_start3A_115[%mul3A_0, %dma_start3A_116] : memref<10240x128xf32, #tpu.memory_space<hbm>> -> memref<640x128xf32, #tpu.memory_space<hbm>>
      %dma_start3A_118 = arith.constant 0 : i32
      %dma_start3A_119 = tpu.memref_slice %arg10[%mul3A_0, %dma_start3A_118] : memref<10240x128xf32, #tpu.memory_space<vmem_shared>> -> memref<640x128xf32, #tpu.memory_space<vmem_shared>>
      tpu.enqueue_dma source(%dma_start3A_119 : memref<640x128xf32, #tpu.memory_space<vmem_shared>>) target(%dma_start3A_117 : memref<640x128xf32, #tpu.memory_space<hbm>>) target_semaphore(%run_scoped3A_111 : memref<!tpu.dma_semaphore, #tpu.memory_space<semaphore_mem>>)
      %dma_wait3A_120 = arith.constant 0 : i32
      %dma_wait3A_121 = arith.constant 0 : i32
      %dma_wait3A_122 = tpu.memref_slice %arg5[%arg0, %dma_wait3A_120, %dma_wait3A_121] : memref<2x10240x128xf32, #tpu.memory_space<hbm>> -> memref<1x10240x128xf32, #tpu.memory_space<hbm>>
      %dma_wait3A_123 = tpu.memref_squeeze %dma_wait3A_122 : memref<1x10240x128xf32, #tpu.memory_space<hbm>> -> memref<10240x128xf32, #tpu.memory_space<hbm>>
      %dma_wait3A_124 = arith.constant 0 : i32
      %dma_wait3A_125 = tpu.memref_slice %dma_wait3A_123[%mul3A_0, %dma_wait3A_124] : memref<10240x128xf32, #tpu.memory_space<hbm>> -> memref<640x128xf32, #tpu.memory_space<hbm>>
      %dma_wait3A_126 = arith.constant 0 : i32
      %dma_wait3A_127 = tpu.memref_slice %arg10[%mul3A_0, %dma_wait3A_126] : memref<10240x128xf32, #tpu.memory_space<vmem_shared>> -> memref<640x128xf32, #tpu.memory_space<vmem_shared>>
      tpu.wait_dma2 semaphore(%run_scoped3A_111 : memref<!tpu.dma_semaphore, #tpu.memory_space<semaphore_mem>>) src(%dma_wait3A_127 : memref<640x128xf32, #tpu.memory_space<vmem_shared>>) dst(%dma_wait3A_125 : memref<640x128xf32, #tpu.memory_space<hbm>>)
      tpu.yield
    }) : () -> ()
    return
  }
}

module attributes {stable_mosaic.version = 14 : i64} {
  func.func @body(%arg0: memref<256x256xf32, #tpu.memory_space<vmem>>, %arg1: memref<256x768xf32, #tpu.memory_space<vmem>>, %arg2: memref<256x768xf32, #tpu.memory_space<vmem>>, %arg3: memref<1x768xf32, #tpu.memory_space<vmem>>, %arg4: memref<1x768xf32, #tpu.memory_space<vmem>>, %arg5: memref<256x256xf32, #tpu.memory_space<vmem>>) attributes {dimension_semantics = [], scalar_prefetch = 0 : i64, scratch_operands = 0 : i64, tpu.core_type = #tpu.core_type<tc>} {
    %get3A = arith.constant 0 : index
    %get3A_0 = arith.constant 0 : index
    %get3A_1 = vector.load %arg0[%get3A, %get3A_0] : memref<256x256xf32, #tpu.memory_space<vmem>>, vector<256x256xf32>
    %get3A_2 = arith.constant 0 : index
    %get3A_3 = arith.constant 0 : index
    %get3A_4 = vector.load %arg1[%get3A_2, %get3A_3] : memref<256x768xf32, #tpu.memory_space<vmem>>, vector<256x768xf32>
    %dot_general3A = arith.constant dense<0.000000e+00> : vector<256x768xf32>
    %dot_general3A_5 = tpu.matmul %get3A_1, %get3A_4, %dot_general3A {dimension_numbers = #tpu.dot_dimension_numbers<[1], [0], [0], [1], [0, 0, 1, 1], [], []>, transpose_lhs_hint = false} : vector<256x256xf32>, vector<256x768xf32>, vector<256x768xf32> -> vector<256x768xf32>
    %get3A_6 = arith.constant 0 : index
    %get3A_7 = arith.constant 0 : index
    %get3A_8 = vector.load %arg3[%get3A_6, %get3A_7] : memref<1x768xf32, #tpu.memory_space<vmem>>, vector<1x768xf32>
    %add3A = vector.broadcast %get3A_8 : vector<1x768xf32> to vector<256x768xf32>
    %add3A_9 = arith.addf %dot_general3A_5, %add3A : vector<256x768xf32>
    %get3A_10 = arith.constant 0 : index
    %get3A_11 = arith.constant 0 : index
    %get3A_12 = vector.load %arg2[%get3A_10, %get3A_11] : memref<256x768xf32, #tpu.memory_space<vmem>>, vector<256x768xf32>
    %dot_general3A_13 = arith.constant dense<0.000000e+00> : vector<256x768xf32>
    %dot_general3A_14 = tpu.matmul %get3A_1, %get3A_12, %dot_general3A_13 {dimension_numbers = #tpu.dot_dimension_numbers<[1], [0], [0], [1], [0, 0, 1, 1], [], []>, transpose_lhs_hint = false} : vector<256x256xf32>, vector<256x768xf32>, vector<256x768xf32> -> vector<256x768xf32>
    %get3A_15 = arith.constant 0 : index
    %get3A_16 = arith.constant 0 : index
    %get3A_17 = vector.load %arg4[%get3A_15, %get3A_16] : memref<1x768xf32, #tpu.memory_space<vmem>>, vector<1x768xf32>
    %add3A_18 = vector.broadcast %get3A_17 : vector<1x768xf32> to vector<256x768xf32>
    %add3A_19 = arith.addf %dot_general3A_14, %add3A_18 : vector<256x768xf32>
    %slice3A = vector.extract_strided_slice %add3A_9 {offsets = [0, 0], sizes = [256, 256], strides = [1, 1]} : vector<256x768xf32> to vector<256x256xf32>
    %slice3A_20 = vector.extract_strided_slice %add3A_19 {offsets = [0, 0], sizes = [256, 256], strides = [1, 1]} : vector<256x768xf32> to vector<256x256xf32>
    %add3A_21 = arith.addf %slice3A, %slice3A_20 : vector<256x256xf32>
    %logistic3A = arith.negf %add3A_21 : vector<256x256xf32>
    %logistic3A_22 = math.exp %logistic3A : vector<256x256xf32>
    %logistic3A_23 = arith.constant 1.000000e+00 : f32
    %logistic3A_24 = vector.broadcast %logistic3A_23 : f32 to vector<256x256xf32>
    %logistic3A_25 = arith.addf %logistic3A_24, %logistic3A_22 : vector<256x256xf32>
    %logistic3A_26 = arith.divf %logistic3A_24, %logistic3A_25 : vector<256x256xf32>
    %slice3A_27 = vector.extract_strided_slice %add3A_9 {offsets = [0, 256], sizes = [256, 256], strides = [1, 1]} : vector<256x768xf32> to vector<256x256xf32>
    %slice3A_28 = vector.extract_strided_slice %add3A_19 {offsets = [0, 256], sizes = [256, 256], strides = [1, 1]} : vector<256x768xf32> to vector<256x256xf32>
    %add3A_29 = arith.addf %slice3A_27, %slice3A_28 : vector<256x256xf32>
    %logistic3A_30 = arith.negf %add3A_29 : vector<256x256xf32>
    %logistic3A_31 = math.exp %logistic3A_30 : vector<256x256xf32>
    %logistic3A_32 = arith.constant 1.000000e+00 : f32
    %logistic3A_33 = vector.broadcast %logistic3A_32 : f32 to vector<256x256xf32>
    %logistic3A_34 = arith.addf %logistic3A_33, %logistic3A_31 : vector<256x256xf32>
    %logistic3A_35 = arith.divf %logistic3A_33, %logistic3A_34 : vector<256x256xf32>
    %slice3A_36 = vector.extract_strided_slice %add3A_9 {offsets = [0, 512], sizes = [256, 256], strides = [1, 1]} : vector<256x768xf32> to vector<256x256xf32>
    %slice3A_37 = vector.extract_strided_slice %add3A_19 {offsets = [0, 512], sizes = [256, 256], strides = [1, 1]} : vector<256x768xf32> to vector<256x256xf32>
    %mul3A = arith.mulf %logistic3A_26, %slice3A_37 : vector<256x256xf32>
    %add3A_38 = arith.addf %slice3A_36, %mul3A : vector<256x256xf32>
    %tanh3A = math.tanh %add3A_38 : vector<256x256xf32>
    %sub3A = arith.constant 1.000000e+00 : f32
    %sub3A_39 = vector.broadcast %sub3A : f32 to vector<256x256xf32>
    %sub3A_40 = arith.subf %sub3A_39, %logistic3A_35 : vector<256x256xf32>
    %mul3A_41 = arith.mulf %sub3A_40, %tanh3A : vector<256x256xf32>
    %mul3A_42 = arith.mulf %logistic3A_35, %get3A_1 : vector<256x256xf32>
    %add3A_43 = arith.addf %mul3A_41, %mul3A_42 : vector<256x256xf32>
    %swap3A = arith.constant 0 : index
    %swap3A_44 = arith.constant 0 : index
    %swap3A_45 = vector.load %arg5[%swap3A, %swap3A_44] : memref<256x256xf32, #tpu.memory_space<vmem>>, vector<256x256xf32>
    tpu.vector_store %arg5[%swap3A, %swap3A_44], %add3A_43 {strides = array<i32>} : memref<256x256xf32, #tpu.memory_space<vmem>>, vector<256x256xf32>,
    return
  }
}

module attributes {stable_mosaic.version = 14 : i64} {
  func.func @_mm1s_body(%arg0: i32, %arg1: memref<1000x256xf32, #tpu.memory_space<vmem>>, %arg2: memref<256x256xf32, #tpu.memory_space<vmem>>, %arg3: memref<2x1000x128xf32, #tpu.memory_space<vmem>>, %arg4: memref<1000x256xf32, #tpu.memory_space<vmem>>, %arg5: memref<2x1000x128xf32, #tpu.memory_space<vmem>>, %arg6: memref<1000x16xf32, #tpu.memory_space<vmem>>) attributes {dimension_semantics = [#tpu.dimension_semantics<arbitrary>], iteration_bounds = array<i64: 10>, scalar_prefetch = 0 : i64, scratch_operands = 0 : i64, tpu.core_type = #tpu.core_type<tc>, window_params = [{transform_indices = @transform_0, window_bounds = array<i64: 1000, 256>}, {pipeline_mode = #tpu.pipeline_mode<synchronous>, transform_indices = @transform_1, window_bounds = array<i64: 256, 256>}, {transform_indices = @transform_2, window_bounds = array<i64: 2, 1000, 128>}, {transform_indices = @transform_3, window_bounds = array<i64: 1000, 256>}, {transform_indices = @transform_4, window_bounds = array<i64: 2, 1000, 128>}, {transform_indices = @transform_5, window_bounds = array<i64: 1000, 16>}]} {
    %get3A = arith.constant 0 : index
    %get3A_0 = arith.constant 0 : index
    %get3A_1 = vector.load %arg1[%get3A, %get3A_0] : memref<1000x256xf32, #tpu.memory_space<vmem>>, vector<1000x256xf32>
    %get3A_2 = arith.constant 0 : index
    %get3A_3 = arith.constant 0 : index
    %get3A_4 = vector.load %arg2[%get3A_2, %get3A_3] : memref<256x256xf32, #tpu.memory_space<vmem>>, vector<256x256xf32>
    %dot_general3A = arith.constant dense<0.000000e+00> : vector<1000x256xf32>
    %dot_general3A_5 = tpu.matmul %get3A_1, %get3A_4, %dot_general3A {dimension_numbers = #tpu.dot_dimension_numbers<[1], [0], [0], [1], [0, 0, 1, 1], [], []>, transpose_lhs_hint = false} : vector<1000x256xf32>, vector<256x256xf32>, vector<1000x256xf32> -> vector<1000x256xf32>
    %swap3A = arith.constant 0 : index
    %swap3A_6 = arith.constant 0 : index
    %swap3A_7 = vector.load %arg4[%swap3A, %swap3A_6] : memref<1000x256xf32, #tpu.memory_space<vmem>>, vector<1000x256xf32>
    tpu.vector_store %arg4[%swap3A, %swap3A_6], %dot_general3A_5 {strides = array<i32>} : memref<1000x256xf32, #tpu.memory_space<vmem>>, vector<1000x256xf32>,
    %get3A_8 = arith.constant 0 : index
    %get3A_9 = arith.constant 0 : index
    %get3A_10 = arith.constant 0 : index
    %get3A_11 = vector.load %arg3[%get3A_8, %get3A_9, %get3A_10] : memref<2x1000x128xf32, #tpu.memory_space<vmem>>, vector<1x1000x16xf32>
    %get3A_12 = vector.shape_cast %get3A_11 : vector<1x1000x16xf32> to vector<1000x16xf32>
    %add3A = arith.constant 1.000000e+00 : f32
    %add3A_13 = vector.broadcast %add3A : f32 to vector<1000x16xf32>
    %add3A_14 = arith.addf %add3A_13, %get3A_12 : vector<1000x16xf32>
    %get3A_15 = arith.constant 1 : index
    %get3A_16 = arith.constant 0 : index
    %get3A_17 = arith.constant 0 : index
    %get3A_18 = vector.load %arg3[%get3A_15, %get3A_16, %get3A_17] : memref<2x1000x128xf32, #tpu.memory_space<vmem>>, vector<1x1000x16xf32>
    %get3A_19 = vector.shape_cast %get3A_18 : vector<1x1000x16xf32> to vector<1000x16xf32>
    %add3A_20 = arith.addf %add3A_14, %get3A_19 : vector<1000x16xf32>
    %sqrt3A = math.sqrt %add3A_20 : vector<1000x16xf32>
    %div3A = arith.constant 1.000000e+00 : f32
    %div3A_21 = vector.broadcast %div3A : f32 to vector<1000x16xf32>
    %div3A_22 = arith.divf %div3A_21, %sqrt3A : vector<1000x16xf32>
    %swap3A_23 = arith.constant 0 : index
    %swap3A_24 = arith.constant 0 : index
    %swap3A_25 = vector.load %arg6[%swap3A_23, %swap3A_24] : memref<1000x16xf32, #tpu.memory_space<vmem>>, vector<1000x16xf32>
    tpu.vector_store %arg6[%swap3A_23, %swap3A_24], %div3A_22 {strides = array<i32>} : memref<1000x16xf32, #tpu.memory_space<vmem>>, vector<1000x16xf32>,
    %slice3A = vector.extract_strided_slice %div3A_22 {offsets = [0, 0], sizes = [1000, 1], strides = [1, 1]} : vector<1000x16xf32> to vector<1000x1xf32>
    %mul3A = vector.broadcast %slice3A : vector<1000x1xf32> to vector<1000x256xf32>
    %mul3A_26 = arith.mulf %mul3A, %dot_general3A_5 : vector<1000x256xf32>
    %slice3A_27 = vector.extract_strided_slice %mul3A_26 {offsets = [0, 0], sizes = [1000, 128], strides = [1, 1]} : vector<1000x256xf32> to vector<1000x128xf32>
    %swap3A_28 = arith.constant 0 : index
    %swap3A_29 = arith.constant 0 : index
    %swap3A_30 = arith.constant 0 : index
    %swap3A_31 = vector.load %arg5[%swap3A_28, %swap3A_29, %swap3A_30] : memref<2x1000x128xf32, #tpu.memory_space<vmem>>, vector<1x1000x128xf32>
    %swap3A_32 = vector.shape_cast %swap3A_31 : vector<1x1000x128xf32> to vector<1000x128xf32>
    %swap3A_33 = vector.shape_cast %slice3A_27 : vector<1000x128xf32> to vector<1x1000x128xf32>
    tpu.vector_store %arg5[%swap3A_28, %swap3A_29, %swap3A_30], %swap3A_33 {strides = array<i32>} : memref<2x1000x128xf32, #tpu.memory_space<vmem>>, vector<1x1000x128xf32>,
    %slice3A_34 = vector.extract_strided_slice %mul3A_26 {offsets = [0, 128], sizes = [1000, 128], strides = [1, 1]} : vector<1000x256xf32> to vector<1000x128xf32>
    %swap3A_35 = arith.constant 1 : index
    %swap3A_36 = arith.constant 0 : index
    %swap3A_37 = arith.constant 0 : index
    %swap3A_38 = vector.load %arg5[%swap3A_35, %swap3A_36, %swap3A_37] : memref<2x1000x128xf32, #tpu.memory_space<vmem>>, vector<1x1000x128xf32>
    %swap3A_39 = vector.shape_cast %swap3A_38 : vector<1x1000x128xf32> to vector<1000x128xf32>
    %swap3A_40 = vector.shape_cast %slice3A_34 : vector<1000x128xf32> to vector<1x1000x128xf32>
    tpu.vector_store %arg5[%swap3A_35, %swap3A_36, %swap3A_37], %swap3A_40 {strides = array<i32>} : memref<2x1000x128xf32, #tpu.memory_space<vmem>>, vector<1x1000x128xf32>,
    return
  }
  func.func @transform_0(%arg0: i32) -> (i32, i32) {
    %c0_i32 = arith.constant 0 : i32
    %c0_i32_0 = arith.constant 0 : i32
    return %arg0, %c0_i32 : i32, i32
  }
  func.func @transform_1(%arg0: i32) -> (i32, i32) {
    %c0_i32 = arith.constant 0 : i32
    %c0_i32_0 = arith.constant 0 : i32
    %c0_i32_1 = arith.constant 0 : i32
    return %c0_i32, %c0_i32_0 : i32, i32
  }
  func.func @transform_2(%arg0: i32) -> (i32, i32, i32) {
    %c0_i32 = arith.constant 0 : i32
    %c0_i32_0 = arith.constant 0 : i32
    %c0_i32_1 = arith.constant 0 : i32
    return %c0_i32, %arg0, %c0_i32_0 : i32, i32, i32
  }
  func.func @transform_3(%arg0: i32) -> (i32, i32) {
    %c0_i32 = arith.constant 0 : i32
    %c0_i32_0 = arith.constant 0 : i32
    return %arg0, %c0_i32 : i32, i32
  }
  func.func @transform_4(%arg0: i32) -> (i32, i32, i32) {
    %c0_i32 = arith.constant 0 : i32
    %c0_i32_0 = arith.constant 0 : i32
    %c0_i32_1 = arith.constant 0 : i32
    return %c0_i32, %arg0, %c0_i32_0 : i32, i32, i32
  }
  func.func @transform_5(%arg0: i32) -> (i32, i32) {
    %c0_i32 = arith.constant 0 : i32
    %c0_i32_0 = arith.constant 0 : i32
    return %arg0, %c0_i32 : i32, i32
  }
}

module attributes {stable_mosaic.version = 14 : i64} {
  func.func @_ep1mm2_body(%arg0: i32, %arg1: memref<2x1000x128xf32, #tpu.memory_space<vmem>>, %arg2: memref<1000x256xf32, #tpu.memory_space<vmem>>, %arg3: memref<1000x16xf32, #tpu.memory_space<vmem>>, %arg4: memref<256x256xf32, #tpu.memory_space<vmem>>, %arg5: memref<1x256xf32, #tpu.memory_space<vmem>>, %arg6: memref<256x256xf32, #tpu.memory_space<vmem>>, %arg7: memref<1000x256xf32, #tpu.memory_space<vmem>>, %arg8: memref<2x1000x128xf32, #tpu.memory_space<vmem>>) attributes {dimension_semantics = [#tpu.dimension_semantics<arbitrary>], iteration_bounds = array<i64: 10>, scalar_prefetch = 0 : i64, scratch_operands = 0 : i64, tpu.core_type = #tpu.core_type<tc>, window_params = [{transform_indices = @transform_0, window_bounds = array<i64: 2, 1000, 128>}, {transform_indices = @transform_1, window_bounds = array<i64: 1000, 256>}, {transform_indices = @transform_2, window_bounds = array<i64: 1000, 16>}, {pipeline_mode = #tpu.pipeline_mode<synchronous>, transform_indices = @transform_3, window_bounds = array<i64: 256, 256>}, {pipeline_mode = #tpu.pipeline_mode<synchronous>, transform_indices = @transform_4, window_bounds = array<i64: 1, 256>}, {pipeline_mode = #tpu.pipeline_mode<synchronous>, transform_indices = @transform_5, window_bounds = array<i64: 256, 256>}, {transform_indices = @transform_6, window_bounds = array<i64: 1000, 256>}, {transform_indices = @transform_7, window_bounds = array<i64: 2, 1000, 128>}]} {
    %get3A = arith.constant 0 : index
    %get3A_0 = arith.constant 0 : index
    %get3A_1 = vector.load %arg3[%get3A, %get3A_0] : memref<1000x16xf32, #tpu.memory_space<vmem>>, vector<1000x1xf32>
    %get3A_2 = arith.constant 0 : index
    %get3A_3 = arith.constant 0 : index
    %get3A_4 = arith.constant 0 : index
    %get3A_5 = vector.load %arg1[%get3A_2, %get3A_3, %get3A_4] : memref<2x1000x128xf32, #tpu.memory_space<vmem>>, vector<1x1000x128xf32>
    %get3A_6 = vector.shape_cast %get3A_5 : vector<1x1000x128xf32> to vector<1000x128xf32>
    %get3A_7 = arith.constant 1 : index
    %get3A_8 = arith.constant 0 : index
    %get3A_9 = arith.constant 0 : index
    %get3A_10 = vector.load %arg1[%get3A_7, %get3A_8, %get3A_9] : memref<2x1000x128xf32, #tpu.memory_space<vmem>>, vector<1x1000x128xf32>
    %get3A_11 = vector.shape_cast %get3A_10 : vector<1x1000x128xf32> to vector<1000x128xf32>
    %concatenate3A = tpu.concatenate %get3A_6, %get3A_11 in 1 : vector<1000x128xf32>, vector<1000x128xf32> -> vector<1000x256xf32>
    %mul3A = vector.broadcast %get3A_1 : vector<1000x1xf32> to vector<1000x256xf32>
    %mul3A_12 = arith.mulf %mul3A, %concatenate3A : vector<1000x256xf32>
    %mul3A_13 = arith.mulf %get3A_1, %get3A_1 : vector<1000x1xf32>
    %get3A_14 = arith.constant 0 : index
    %get3A_15 = arith.constant 0 : index
    %get3A_16 = vector.load %arg2[%get3A_14, %get3A_15] : memref<1000x256xf32, #tpu.memory_space<vmem>>, vector<1000x256xf32>
    %mul3A_17 = vector.broadcast %mul3A_13 : vector<1000x1xf32> to vector<1000x256xf32>
    %mul3A_18 = arith.mulf %mul3A_17, %get3A_16 : vector<1000x256xf32>
    %add3A = arith.addf %mul3A_12, %mul3A_18 : vector<1000x256xf32>
    %max3A = arith.constant 0.000000e+00 : f32
    %max3A_19 = vector.broadcast %max3A : f32 to vector<1000x256xf32>
    %max3A_20 = arith.maximumf %add3A, %max3A_19 : vector<1000x256xf32>
    %get3A_21 = arith.constant 0 : index
    %get3A_22 = arith.constant 0 : index
    %get3A_23 = vector.load %arg4[%get3A_21, %get3A_22] : memref<256x256xf32, #tpu.memory_space<vmem>>, vector<256x256xf32>
    %dot_general3A = arith.constant dense<0.000000e+00> : vector<1000x256xf32>
    %dot_general3A_24 = tpu.matmul %max3A_20, %get3A_23, %dot_general3A {dimension_numbers = #tpu.dot_dimension_numbers<[1], [0], [0], [1], [0, 0, 1, 1], [], []>, transpose_lhs_hint = false} : vector<1000x256xf32>, vector<256x256xf32>, vector<1000x256xf32> -> vector<1000x256xf32>
    %get3A_25 = arith.constant 0 : index
    %get3A_26 = arith.constant 0 : index
    %get3A_27 = vector.load %arg5[%get3A_25, %get3A_26] : memref<1x256xf32, #tpu.memory_space<vmem>>, vector<1x256xf32>
    %add3A_28 = vector.broadcast %get3A_27 : vector<1x256xf32> to vector<1000x256xf32>
    %add3A_29 = arith.addf %dot_general3A_24, %add3A_28 : vector<1000x256xf32>
    %get3A_30 = arith.constant 0 : index
    %get3A_31 = arith.constant 0 : index
    %get3A_32 = vector.load %arg6[%get3A_30, %get3A_31] : memref<256x256xf32, #tpu.memory_space<vmem>>, vector<256x256xf32>
    %dot_general3A_33 = arith.constant dense<0.000000e+00> : vector<1000x256xf32>
    %dot_general3A_34 = tpu.matmul %add3A_29, %get3A_32, %dot_general3A_33 {dimension_numbers = #tpu.dot_dimension_numbers<[1], [0], [0], [1], [0, 0, 1, 1], [], []>, transpose_lhs_hint = false} : vector<1000x256xf32>, vector<256x256xf32>, vector<1000x256xf32> -> vector<1000x256xf32>
    %swap3A = arith.constant 0 : index
    %swap3A_35 = arith.constant 0 : index
    %swap3A_36 = vector.load %arg7[%swap3A, %swap3A_35] : memref<1000x256xf32, #tpu.memory_space<vmem>>, vector<1000x256xf32>
    tpu.vector_store %arg7[%swap3A, %swap3A_35], %dot_general3A_34 {strides = array<i32>} : memref<1000x256xf32, #tpu.memory_space<vmem>>, vector<1000x256xf32>,
    %mul3A_37 = vector.broadcast %get3A_1 : vector<1000x1xf32> to vector<1000x256xf32>
    %mul3A_38 = arith.mulf %mul3A_37, %dot_general3A_34 : vector<1000x256xf32>
    %slice3A = vector.extract_strided_slice %mul3A_38 {offsets = [0, 0], sizes = [1000, 128], strides = [1, 1]} : vector<1000x256xf32> to vector<1000x128xf32>
    %swap3A_39 = arith.constant 0 : index
    %swap3A_40 = arith.constant 0 : index
    %swap3A_41 = arith.constant 0 : index
    %swap3A_42 = vector.load %arg8[%swap3A_39, %swap3A_40, %swap3A_41] : memref<2x1000x128xf32, #tpu.memory_space<vmem>>, vector<1x1000x128xf32>
    %swap3A_43 = vector.shape_cast %swap3A_42 : vector<1x1000x128xf32> to vector<1000x128xf32>
    %swap3A_44 = vector.shape_cast %slice3A : vector<1000x128xf32> to vector<1x1000x128xf32>
    tpu.vector_store %arg8[%swap3A_39, %swap3A_40, %swap3A_41], %swap3A_44 {strides = array<i32>} : memref<2x1000x128xf32, #tpu.memory_space<vmem>>, vector<1x1000x128xf32>,
    %slice3A_45 = vector.extract_strided_slice %mul3A_38 {offsets = [0, 128], sizes = [1000, 128], strides = [1, 1]} : vector<1000x256xf32> to vector<1000x128xf32>
    %swap3A_46 = arith.constant 1 : index
    %swap3A_47 = arith.constant 0 : index
    %swap3A_48 = arith.constant 0 : index
    %swap3A_49 = vector.load %arg8[%swap3A_46, %swap3A_47, %swap3A_48] : memref<2x1000x128xf32, #tpu.memory_space<vmem>>, vector<1x1000x128xf32>
    %swap3A_50 = vector.shape_cast %swap3A_49 : vector<1x1000x128xf32> to vector<1000x128xf32>
    %swap3A_51 = vector.shape_cast %slice3A_45 : vector<1000x128xf32> to vector<1x1000x128xf32>
    tpu.vector_store %arg8[%swap3A_46, %swap3A_47, %swap3A_48], %swap3A_51 {strides = array<i32>} : memref<2x1000x128xf32, #tpu.memory_space<vmem>>, vector<1x1000x128xf32>,
    return
  }
  func.func @transform_0(%arg0: i32) -> (i32, i32, i32) {
    %c0_i32 = arith.constant 0 : i32
    %c0_i32_0 = arith.constant 0 : i32
    %c0_i32_1 = arith.constant 0 : i32
    return %c0_i32, %arg0, %c0_i32_0 : i32, i32, i32
  }
  func.func @transform_1(%arg0: i32) -> (i32, i32) {
    %c0_i32 = arith.constant 0 : i32
    %c0_i32_0 = arith.constant 0 : i32
    return %arg0, %c0_i32 : i32, i32
  }
  func.func @transform_2(%arg0: i32) -> (i32, i32) {
    %c0_i32 = arith.constant 0 : i32
    %c0_i32_0 = arith.constant 0 : i32
    return %arg0, %c0_i32 : i32, i32
  }
  func.func @transform_3(%arg0: i32) -> (i32, i32) {
    %c0_i32 = arith.constant 0 : i32
    %c0_i32_0 = arith.constant 0 : i32
    %c0_i32_1 = arith.constant 0 : i32
    return %c0_i32, %c0_i32_0 : i32, i32
  }
  func.func @transform_4(%arg0: i32) -> (i32, i32) {
    %c0_i32 = arith.constant 0 : i32
    %c0_i32_0 = arith.constant 0 : i32
    %c0_i32_1 = arith.constant 0 : i32
    return %c0_i32, %c0_i32_0 : i32, i32
  }
  func.func @transform_5(%arg0: i32) -> (i32, i32) {
    %c0_i32 = arith.constant 0 : i32
    %c0_i32_0 = arith.constant 0 : i32
    %c0_i32_1 = arith.constant 0 : i32
    return %c0_i32, %c0_i32_0 : i32, i32
  }
  func.func @transform_6(%arg0: i32) -> (i32, i32) {
    %c0_i32 = arith.constant 0 : i32
    %c0_i32_0 = arith.constant 0 : i32
    return %arg0, %c0_i32 : i32, i32
  }
  func.func @transform_7(%arg0: i32) -> (i32, i32, i32) {
    %c0_i32 = arith.constant 0 : i32
    %c0_i32_0 = arith.constant 0 : i32
    %c0_i32_1 = arith.constant 0 : i32
    return %c0_i32, %arg0, %c0_i32_0 : i32, i32, i32
  }
}

module attributes {stable_mosaic.version = 14 : i64} {
  func.func @_ep2_body(%arg0: i32, %arg1: memref<2x1000x128xf32, #tpu.memory_space<vmem>>, %arg2: memref<1000x256xf32, #tpu.memory_space<vmem>>, %arg3: memref<1000x16xf32, #tpu.memory_space<vmem>>, %arg4: memref<256x64xf32, #tpu.memory_space<vmem>>, %arg5: memref<1x64xf32, #tpu.memory_space<vmem>>, %arg6: memref<1000x64xf32, #tpu.memory_space<vmem>>) attributes {dimension_semantics = [#tpu.dimension_semantics<arbitrary>], iteration_bounds = array<i64: 10>, scalar_prefetch = 0 : i64, scratch_operands = 0 : i64, tpu.core_type = #tpu.core_type<tc>, window_params = [{transform_indices = @transform_0, window_bounds = array<i64: 2, 1000, 128>}, {transform_indices = @transform_1, window_bounds = array<i64: 1000, 256>}, {transform_indices = @transform_2, window_bounds = array<i64: 1000, 16>}, {pipeline_mode = #tpu.pipeline_mode<synchronous>, transform_indices = @transform_3, window_bounds = array<i64: 256, 64>}, {pipeline_mode = #tpu.pipeline_mode<synchronous>, transform_indices = @transform_4, window_bounds = array<i64: 1, 64>}, {transform_indices = @transform_5, window_bounds = array<i64: 1000, 64>}]} {
    %get3A = arith.constant 0 : index
    %get3A_0 = arith.constant 0 : index
    %get3A_1 = vector.load %arg3[%get3A, %get3A_0] : memref<1000x16xf32, #tpu.memory_space<vmem>>, vector<1000x1xf32>
    %get3A_2 = arith.constant 0 : index
    %get3A_3 = arith.constant 0 : index
    %get3A_4 = arith.constant 0 : index
    %get3A_5 = vector.load %arg1[%get3A_2, %get3A_3, %get3A_4] : memref<2x1000x128xf32, #tpu.memory_space<vmem>>, vector<1x1000x128xf32>
    %get3A_6 = vector.shape_cast %get3A_5 : vector<1x1000x128xf32> to vector<1000x128xf32>
    %get3A_7 = arith.constant 1 : index
    %get3A_8 = arith.constant 0 : index
    %get3A_9 = arith.constant 0 : index
    %get3A_10 = vector.load %arg1[%get3A_7, %get3A_8, %get3A_9] : memref<2x1000x128xf32, #tpu.memory_space<vmem>>, vector<1x1000x128xf32>
    %get3A_11 = vector.shape_cast %get3A_10 : vector<1x1000x128xf32> to vector<1000x128xf32>
    %concatenate3A = tpu.concatenate %get3A_6, %get3A_11 in 1 : vector<1000x128xf32>, vector<1000x128xf32> -> vector<1000x256xf32>
    %mul3A = vector.broadcast %get3A_1 : vector<1000x1xf32> to vector<1000x256xf32>
    %mul3A_12 = arith.mulf %mul3A, %concatenate3A : vector<1000x256xf32>
    %mul3A_13 = arith.mulf %get3A_1, %get3A_1 : vector<1000x1xf32>
    %get3A_14 = arith.constant 0 : index
    %get3A_15 = arith.constant 0 : index
    %get3A_16 = vector.load %arg2[%get3A_14, %get3A_15] : memref<1000x256xf32, #tpu.memory_space<vmem>>, vector<1000x256xf32>
    %mul3A_17 = vector.broadcast %mul3A_13 : vector<1000x1xf32> to vector<1000x256xf32>
    %mul3A_18 = arith.mulf %mul3A_17, %get3A_16 : vector<1000x256xf32>
    %add3A = arith.addf %mul3A_12, %mul3A_18 : vector<1000x256xf32>
    %get3A_19 = arith.constant 0 : index
    %get3A_20 = arith.constant 0 : index
    %get3A_21 = vector.load %arg4[%get3A_19, %get3A_20] : memref<256x64xf32, #tpu.memory_space<vmem>>, vector<256x64xf32>
    %dot_general3A = arith.constant dense<0.000000e+00> : vector<1000x64xf32>
    %dot_general3A_22 = tpu.matmul %add3A, %get3A_21, %dot_general3A {dimension_numbers = #tpu.dot_dimension_numbers<[1], [0], [0], [1], [0, 0, 1, 1], [], []>, transpose_lhs_hint = false} : vector<1000x256xf32>, vector<256x64xf32>, vector<1000x64xf32> -> vector<1000x64xf32>
    %get3A_23 = arith.constant 0 : index
    %get3A_24 = arith.constant 0 : index
    %get3A_25 = vector.load %arg5[%get3A_23, %get3A_24] : memref<1x64xf32, #tpu.memory_space<vmem>>, vector<1x64xf32>
    %add3A_26 = vector.broadcast %get3A_25 : vector<1x64xf32> to vector<1000x64xf32>
    %add3A_27 = arith.addf %dot_general3A_22, %add3A_26 : vector<1000x64xf32>
    %logistic3A = arith.negf %add3A_27 : vector<1000x64xf32>
    %logistic3A_28 = math.exp %logistic3A : vector<1000x64xf32>
    %logistic3A_29 = arith.constant 1.000000e+00 : f32
    %logistic3A_30 = vector.broadcast %logistic3A_29 : f32 to vector<1000x64xf32>
    %logistic3A_31 = arith.addf %logistic3A_30, %logistic3A_28 : vector<1000x64xf32>
    %logistic3A_32 = arith.divf %logistic3A_30, %logistic3A_31 : vector<1000x64xf32>
    %swap3A = arith.constant 0 : index
    %swap3A_33 = arith.constant 0 : index
    %swap3A_34 = vector.load %arg6[%swap3A, %swap3A_33] : memref<1000x64xf32, #tpu.memory_space<vmem>>, vector<1000x64xf32>
    tpu.vector_store %arg6[%swap3A, %swap3A_33], %logistic3A_32 {strides = array<i32>} : memref<1000x64xf32, #tpu.memory_space<vmem>>, vector<1000x64xf32>,
    return
  }
  func.func @transform_0(%arg0: i32) -> (i32, i32, i32) {
    %c0_i32 = arith.constant 0 : i32
    %c0_i32_0 = arith.constant 0 : i32
    %c0_i32_1 = arith.constant 0 : i32
    return %c0_i32, %arg0, %c0_i32_0 : i32, i32, i32
  }
  func.func @transform_1(%arg0: i32) -> (i32, i32) {
    %c0_i32 = arith.constant 0 : i32
    %c0_i32_0 = arith.constant 0 : i32
    return %arg0, %c0_i32 : i32, i32
  }
  func.func @transform_2(%arg0: i32) -> (i32, i32) {
    %c0_i32 = arith.constant 0 : i32
    %c0_i32_0 = arith.constant 0 : i32
    return %arg0, %c0_i32 : i32, i32
  }
  func.func @transform_3(%arg0: i32) -> (i32, i32) {
    %c0_i32 = arith.constant 0 : i32
    %c0_i32_0 = arith.constant 0 : i32
    %c0_i32_1 = arith.constant 0 : i32
    return %c0_i32, %c0_i32_0 : i32, i32
  }
  func.func @transform_4(%arg0: i32) -> (i32, i32) {
    %c0_i32 = arith.constant 0 : i32
    %c0_i32_0 = arith.constant 0 : i32
    %c0_i32_1 = arith.constant 0 : i32
    return %c0_i32, %c0_i32_0 : i32, i32
  }
  func.func @transform_5(%arg0: i32) -> (i32, i32) {
    %c0_i32 = arith.constant 0 : i32
    %c0_i32_0 = arith.constant 0 : i32
    return %arg0, %c0_i32 : i32, i32
  }
}

</mosaic_0001>

<sc_bundles>
// kernel: kernel.10.cloned.1.call-start
scs
__scs_entry_jumppad:
0x0: {  	(pc) =	sbr.rel $0x88, $3  }
0x1: {  	(tag) =	ssettag $0x0;
	lr =	simm.s32 $0x1  }
0x2: {  	[smem:$0x3F91] =	sst lr;
	_ =	strace $0xD0000000  }
0x3: {  	_ = 	snop  }
0x4: {  	_ = 	snop  }
0x5: {  	_ = 	snop  }
0x6: {  	_ = 	snop  }
0x7: {  	_ = 	snop  }
__scs_overlays_trampoline_lowered:
0x8: {  	[smem:$0x3FA0] =	sst s0  }
0x9: {  	[smem:$0x3FA1] =	sst s1  }
0xa: {  	[smem:$0x3FA2] =	sst s2  }
0xb: {  	[smem:$0x3FA3] =	sst s3  }
0xc: {  	[smem:$0x3FA4] =	sst s4  }
0xd: {  	[smem:$0x3FA5] =	sst s5  }
0xe: {  	[smem:$0x3FA6] =	sst s6  }
0xf: {  	[smem:$0x3FA7] =	sst s7  }
0x10: {  	[smem:$0x3FA8] =	sst s8  }
0x11: {  	[smem:$0x3FA9] =	sst s9;
	s0 =	simm.s32 @!p0 $0x0  }
0x12: {  	s1 =	sld [smem:$0x3F8F];
	s0 =	simm.s32 @p0 $0x1  }
0x13: {  	[smem:$0x3FAA] =	sst s0;
	s0 =	simm.s32 @!p1 $0x0  }
0x14: {  	s2 =	sld [smem:$0x3F8E];
	s0 =	simm.s32 @p1 $0x1  }
0x15: {  	[smem:$0x3FAB] =	sst s0;
	s0 =	simm.s32 @!p2 $0x0  }
0x16: {  	s3 =	sld [smem:$0x3FDB];
	s0 =	simm.s32 @p2 $0x1  }
0x17: {  	s4 =	simm.s32 $0x1BF5;
	[smem:$0x3FAD] =	sst s0  }
0x18: {  	s0 =	sld [smem:$0x3F90];
	_ =	swait.ge [sflag:s4], $0x0  }
0x19: {  	s7 =	sld [smem:$0x3F91]  }
0x1a: {  	s8 =	sadd.s32 $0xFFFFE003, lr  }
0x1b: {  	s9 =	sadd.s32 $0xFFFFFEF7, lr;
	s5 =	simm.s32 $0xFFFFFFFF;
	p2 =	slt.u32 s8, $0xFFFFF086  }
0x1c: {  	p1 =	slt.u32 s9, $0xF7A;
	s5 =	simm.s32 @!p2 $0x0  }
0x1d: {  	s5 =	simm.s32 @p1 $0x1;
	p0 =	seq.s32 s7, s2  }
0x1e: {  	s7 =	smul.u32 @!p0 $0xF7A, s2;
	p2 =	seq.s32 @!p0 s5, $0x0  }
0x1f: {  	s9 =	smul.u32 $0xF7A, s1;
	s8 =	simm.s32 @!p0 $0x1BF5;
	p2 =	por !p2, p0  }
0x20: {  	[sflag:s8] =	ssyncset.s32 @!p0 $0xFFFFF086;
	s6 =	sadd.s32 @!p0 s3, s7;
	s7 =	simm.s32 @!p0 $0x108  }
0x21: {  	s3 =	sadd.s32 s3, s9;
	s6 =	sadd.s32 @!p0 $0x88, s6;
	s7 =	simm.s32 @p2 $0x1082  }
0x22: {  	[simem:s7], [sflag:s8] =	dma.local @!p0 [hbm:s6], $0xF7A  }
0x23: {  	s9 =	sor.u32 $0xD0000000, s2;
	s6 =	simm.s32 $0x108;
	_ =	swait.ge @!p0 [sflag:s8], $0x0  }
0x24: {  	s3 =	sadd.s32 $0x88, s3;
	s6 =	simm.s32 @!p1 $0x1082;
	[sflag:s4] =	ssyncset.s32 $0xFFFFF086  }
0x25: {  	[simem:s6], [sflag:s4] =	dma.local [hbm:s3], $0xF7A  }
0x26: {  	[smem:$0x3F91] =	sst s1;
	(tag) =	ssettag s2;
	_ =	strace s9  }
0x27: {  	s1 =	sld [smem:$0x3FA1]  }
0x28: {  	s2 =	sld [smem:$0x3FA2]  }
0x29: {  	s4 =	sld [smem:$0x3FA4]  }
0x2a: {  	p0 =	seq.s32 s5, $0x0;
	s5 =	sld [smem:$0x3FA5]  }
0x2b: {  	s6 =	sld [smem:$0x3FA6]  }
0x2c: {  	s7 =	sld [smem:$0x3FA7]  }
0x2d: {  	s3 =	simm.s32 $0x108;
	s8 =	sld [smem:$0x3FA8]  }
0x2e: {  	s3 =	simm.s32 @!p0 $0x1082;
	s9 =	sld [smem:$0x3FA9]  }
0x2f: {  	lr =	sadd.s32 s0, s3;
	s0 =	sld [smem:$0x3FA0]  }
0x30: {  	s3 =	sld [smem:$0x3FA3]  }
0x31: {  	[smem:$0x3FAC] =	sst s10  }
0x32: {  	s10 =	sld [smem:$0x3FAA];
	_ =	sdelay $0x3  }
0x33: {  	p0 =	seq.s32 s10, $0x1;
	s10 =	sld [smem:$0x3FAC];
	_ =	sdelay $0x3  }
0x34: {  	[smem:$0x3FAC] =	sst s10  }
0x35: {  	s10 =	sld [smem:$0x3FAB];
	_ =	sdelay $0x3  }
0x36: {  	p1 =	seq.s32 s10, $0x1;
	s10 =	sld [smem:$0x3FAC];
	_ =	sdelay $0x3  }
0x37: {  	[smem:$0x3FAC] =	sst s10  }
0x38: {  	s10 =	sld [smem:$0x3FAD]  }
0x39: {  	_ = 	snop;
	(pc) =	sbr.ind lr, $3  }
0x3a: {  	_ = 	snop  }
0x3b: {  	_ = 	snop  }
0x3c: {  	p2 =	seq.s32 s10, $0x1;
	s10 =	sld [smem:$0x3FAC]  }
0x3d: {  	_ =	shalt  }
0x3e: {  	_ =	shalt  }
0x3f: {  	_ =	shalt  }
0x40: {  	_ =	shalt  }
0x41: {  	_ =	shalt  }
0x42: {  	_ =	shalt  }
0x43: {  	_ =	shalt  }
0x44: {  	_ =	shalt  }
0x45: {  	_ =	shalt  }
0x46: {  	_ =	shalt  }
0x47: {  	_ =	shalt  }
0x48: {  	_ =	shalt  }
0x49: {  	_ =	shalt  }
0x4a: {  	_ =	shalt  }
0x4b: {  	_ =	shalt  }
0x4c: {  	_ =	shalt  }
0x4d: {  	_ =	shalt  }
0x4e: {  	_ =	shalt  }
0x4f: {  	_ =	shalt  }
0x50: {  	_ =	shalt  }
0x51: {  	_ =	shalt  }
0x52: {  	_ =	shalt  }
0x53: {  	_ =	shalt  }
0x54: {  	_ =	shalt  }
0x55: {  	_ =	shalt  }
0x56: {  	_ =	shalt  }
0x57: {  	_ =	shalt  }
0x58: {  	_ =	shalt  }
0x59: {  	_ =	shalt  }
0x5a: {  	_ =	shalt  }
0x5b: {  	_ =	shalt  }
0x5c: {  	_ =	shalt  }
0x5d: {  	_ =	shalt  }
0x5e: {  	_ =	shalt  }
0x5f: {  	_ =	shalt  }
0x60: {  	_ =	shalt  }
0x61: {  	_ =	shalt  }
0x62: {  	_ =	shalt  }
0x63: {  	_ =	shalt  }
0x64: {  	_ =	shalt  }
0x65: {  	_ =	shalt  }
0x66: {  	_ =	shalt  }
0x67: {  	_ =	shalt  }
0x68: {  	_ =	shalt  }
0x69: {  	_ =	shalt  }
0x6a: {  	_ =	shalt  }
0x6b: {  	_ =	shalt  }
0x6c: {  	_ =	shalt  }
0x6d: {  	_ =	shalt  }
0x6e: {  	_ =	shalt  }
0x6f: {  	_ =	shalt  }
0x70: {  	_ =	shalt  }
0x71: {  	_ =	shalt  }
0x72: {  	_ =	shalt  }
0x73: {  	_ =	shalt  }
0x74: {  	_ =	shalt  }
0x75: {  	_ =	shalt  }
0x76: {  	_ =	shalt  }
0x77: {  	_ =	shalt  }
0x78: {  	_ =	shalt  }
0x79: {  	_ =	shalt  }
0x7a: {  	_ =	shalt  }
0x7b: {  	_ =	shalt  }
0x7c: {  	_ =	shalt  }
0x7d: {  	_ =	shalt  }
0x7e: {  	_ =	shalt  }
0x7f: {  	_ =	shalt  }
0x80: {  	_ =	shalt  }
0x81: {  	_ =	shalt  }
0x82: {  	_ =	shalt  }
0x83: {  	_ =	shalt  }
0x84: {  	_ =	shalt  }
0x85: {  	_ =	shalt  }
0x86: {  	_ =	shalt  }
0x87: {  	_ =	shalt  }
.Lfunc_end0:
.L_simem_size_0:
called_computation_lowered:
.L_overlay_start_0:
0x88: {  	s2 =	sld [smem:$0x3FD9]  }
0x89: {  	s3 =	sld [smem:$0x3FFE];
	_ =	sdelay $0x1  }
0x8a: {  	s1 =	srdreg.scid  }
0x8b: {  	s0 =	sand.u32 $0x1, s1  }
0x8c: {  	s17 =	sshll.u32 s0, $0xA;
	s2 =	sadd.s32 s3, s2  }
0x8d: {  	s2 =	sadd.s32 s2, s17  }
0x8e: {  	[smem:$0x3FB8] =	sst s2  }
0x8f: {  	_ = 	snop  }
0x90: {  	s2 =	sld [smem:$0x3FD0];
	(tm) =	ssettm $0x1  }
0x91: {  	s18 =	sld [smem:$0x3FFB];
	_ =	sdelay $0x3  }
0x92: {  	_ =	strace s18  }
0x93: {  	s3 =	sld [smem:$0x3FFC];
	_ =	sdelay $0x3  }
0x94: {  	_ =	strace s3  }
0x95: {  	s3 =	sld [smem:$0x3FFD];
	_ =	sdelay $0x3  }
0x96: {  	_ =	strace s3  }
0x97: {  	_ =	strace $0x8FFFFFFF  }
0x98: {  	s19 =	sld [smem:$0x3FDB];
	_ =	sdelay $0x1  }
0x99: {  	s4 =	simm.s32 $_scs_section_size  }
0x9a: {  	s5 =	simm.s32 $_size__tile_overlayer_lowered;
	s6 =	simm.s32 $_tile_overlayer_lowered  }
0x9b: {  	s22 =	simm.s32 $0x1BFF;
	s21 =	sshll.u32 s6, $0x1;
	s3 =	sadd.s32 s4, s19  }
0x9c: {  	s7 =	simm.s32 $0x0;
	s20 =	sshll.u32 s5, $0x1;
	s5 =	sadd.s32 s21, s3  }
0x9d: {  	[timem:s7], [sflag:s22] =	dma.local [hbm:s5], s20  }
0x9e: {  	_ =	swait.ge [sflag:s22], s20  }
0x9f: {  	s4 =	ssub.s32 $0x0, s20;
	[sflag:s22] =	ssyncset.done $0x0  }
0xa0: {  	[sflag:s22] =	ssyncadd.s32 s4;
	_ =	sdelay $0x1  }
0xa1: {  	s23 =	simm.s32 $0x1B8B  }
0xa2: {  	_ =	swait.ge [sflag:s23], $0x1  }
0xa3: {  	[sflag:s23] =	ssyncset.done $0x0  }
0xa4: {  	s25 =	simm.s32 $0x1B8E;
	s24 =	sld [smem:$0x3FFE];
	[sflag:s23] =	ssyncadd.s32 $0xFFFFFFFF  }
0xa5: {  	s26 =	simm.s32 $execute0_lowered;
	[smem:$0x3FD2] =	sst s25  }
0xa6: {  	s5 =	sshll.u32 s26, $0x1;
	_ =	strace $0x80000046;
	[dreg:$0x1] =	wrdreg $0xFFFFFFFF  }
0xa7: {  	s28 =	simm.s32 $_size_execute0_lowered;
	s3 =	sadd.s32 s3, s5;
	[dreg:$0x0] =	wrdreg $0x0  }
0xa8: {  	s5 =	sshll.u32 s28, $0x1;
	[dreg:$0x2] =	wrdreg s3  }
0xa9: {  	[dreg:$0x3] =	wrdreg s5  }
0xaa: {  	[dreg:$0x4] =	wrdreg $0xC0  }
0xab: {  	_ =	task [dreg:s7], $0x5FFFF  }
0xac: {  	[dreg:$0x1] =	wrdreg $0xFFFFFFFF  }
0xad: {  	[dreg:$0x0] =	wrdreg $0x60  }
0xae: {  	[dreg:$0x2] =	wrdreg s2  }
0xaf: {  	[dreg:$0x3] =	wrdreg s24  }
0xb0: {  	[dreg:$0x4] =	wrdreg $0x54000  }
0xb1: {  	[dreg:$0x5] =	wrdreg $0x9  }
0xb2: {  	_ =	task.clear_ibuf [dreg:s7], $0x6FFFF;
	_ =	strace $0x90000046  }
0xb3: {  	s29 =	simm.s32 $0x9;
	_ =	strace $0x80000048  }
0xb4: {  	_ =	swait.ge [sflag:s29], $0x1  }
0xb5: {  	[sflag:s29] =	ssyncadd.s32 $0xFFFFFFFF  }
0xb6: {  	_ =	strace $0x90000048  }
0xb7: {  	_ =	sfence  }
0xb8: {  	s30 =	sld [smem:$0x0];
	_ =	sdelay $0x2  }
0xb9: {  	s31 =	sshll.u32 s1, $0xD;
	s1 =	sshrl.u32 s1, $0x2  }
0xba: {  	s3 =	sand.u32 $0x4000, s31;
	s1 =	sadd.s32 s1, s30  }
0xbb: {  	s0 =	sor.u32 s3, s0;
	s1 =	sshll.u32 s1, $0x11  }
0xbc: {  	s0 =	sor.u32 s1, s0  }
0xbd: {  	s0 =	sadd.s32 $0x8F2B, s0  }
0xbe: {  	[sflag:s0] =	ssyncadd.remote.s32 $0x1  }
0xbf: {  	_ =	sfence.sel $0xFFFF  }
0xc0: {  	[dreg:$0x0] =	wrdreg $0xFFFFFFFF;
	(pc) =	sbr.abs _section_cstart, $3  }
0xc1: {  	[dreg:$0x1] =	wrdreg $0xFFFFFFFF  }
0xc2: {  	_ =	task.clear_ibuf [dreg:s7], $0x2FFFF;
	_ =	strace $0x9FFFFFFF  }
0xc3: {  	(tm) =	ssettm $0x7FFFFFFF  }
tec
execute0_lowered:
.L_overlay_start_1:
0x0: {  	(tag) =	ssettag $0x1  }
0x1: {  	s6 =	rddreg [dreg:$0x0]  }
0x2: {  	s7 =	rddreg [dreg:$0x1]  }
0x3: {  	s1 =	rddreg [dreg:$0x2]  }
0x4: {  	s2 =	srdreg.scid;
	s0 =	rddreg [dreg:$0x3];
	s3 =	simm.s32 $0x0  }
0x5: {  	s12 =	simm.s32 $0x7D;
	s8 =	sand.u32 $0x1, s2;
	s2 =	stileid.u32  }
0x6: {  	[smem:$0x7FF] =	sst s3;
	s4 =	sshll.u32 s8, $0x4;
	s9 =	smul.u32 $0x28000, s8  }
0x7: {  	_ =	strace $0x80000047;
	s8 =	ssub.s32 $0x2, s8;
	s11 =	smul.u32 $0x50000, s2  }
0x8: {  	s14 =	smul.u32 $0x2800, s2;
	s31 =	sshll.u32 s2, $0x6;
	s5 =	sor.u32 s2, s4  }
0x9: {  	s4 =	sadd.s32 $0x5A00, s7;
	s29 =	sshrl.u32 s8, $0x1;
	s10 =	smul.u32 $0x280, s5  }
0xa: {  	s5 =	sadd.s32 $0x3200, s7;
	s7 =	sadd.s32 s9, s7;
	s30 =	sshrl.u32 s11, $0x2  }
0xb: {  	s8 =	ssub.s32 s8, s29;
	s9 =	simm.s32 $0x1400;
	s11 =	sadd.s32 s30, s1  }
0xc: {  	s13 =	sadd.s32 $0x6200, s7;
	s7 =	smax.u32 s8, $0x1;
	s8 =	simm.s32 $0x1  }
0xd: {  	s6 =	sadd.s32 s10, s6;
	s10 =	sor.u32 $0x1C01, s31;
	s11 =	sshrl.u32 s11, $0x3  }
0xe: {  	s13 =	sadd.s32 s14, s13;
	s14 =	simm.s32 $0x0;
	s6 =	sadd.s32 $0x5000, s6  }
.LBB2_1:
0xf: {  	[tilespmem:s3], [sflag:$0x1] =	stream.linear.gather [hbm4b:s6+s3], $0x1400, $0x38;
	[tilespmem:$0x19400] =	vst v63  }
0x10: {  	_ =	swait.ge [sflag:s8], $0x1400  }
0x11: {  	[sflag:s8] =	ssyncset.done $0x0  }
0x12: {  	[sflag:s8] =	ssyncadd.s32 $0xFFFFEC00  }
0x13: {  	[tilespmem:s9], [sflag:$0x1] =	stream.linear.gather [hbm4b:s4+s3], $0x3E80, $0x38;
	[tilespmem:$0x19400] =	vst v63  }
0x14: {  	_ =	swait.ge [sflag:s8], $0x3E80  }
0x15: {  	[sflag:s8] =	ssyncset.done $0x0  }
0x16: {  	[sflag:s8] =	ssyncadd.s32 $0xFFFFC180  }
0x17: {  	[spmem:s11], [sflag:s10] =	dma.local [hbm:s5], $0x2800  }
0x18: {  	_ =	swait.ge [sflag:s8], $0x2800  }
0x19: {  	[sflag:s8] =	ssyncset.done $0x0  }
0x1a: {  	[sflag:s8] =	ssyncadd.s32 $0xFFFFD800  }
0x1b: {  	s15 =	simm.s32 $0x0;
	[bflag:$0x0] =	sbarrier.arrive $0xFFFF  }
0x1c: {  	[spmem:s1] =	stream.indirect.scatter.add.f32 [tilespmem:s9], [sflag:$0x1], $0x80, s15, s12, $0xb8;
	[tilespmem:$0x19400] =	vst v63  }
0x1d: {  	_ =	swait.ge [sflag:s8], $0x3E80  }
0x1e: {  	s15 =	simm.s32 $0x200;
	[sflag:s8] =	ssyncset.done $0x0  }
.LBB2_2:
0x1f: {  	s16 =	sshra.s32 s15, $0x2;
	[sflag:s8] =	ssyncadd.s32 $0xFFFFC180;
	p0 =	sne.s32 s15, $0x4E00  }
0x20: {  	[spmem:s1] =	stream.indirect.scatter.add.f32 [tilespmem:s9], [sflag:$0x1], $0x80, s16, s12, $0xb8;
	[tilespmem:$0x19400] =	vst v63  }
.Ltmp0:
0x21: {  	_ = 	snop;
	(pc) =	sbr.rel @p0 .LBB2_2-.Ltmp0, $4  }
0x22: {  	_ = 	snop  }
0x23: {  	s15 =	sadd.s32 $0x200, s15  }
0x24: {  	_ =	swait.ge [sflag:s8], $0x3E80  }
0x25: {  	[sflag:s8] =	ssyncset.done $0x0  }
0x26: {  	s14 =	sadd.s32 $0x1, s14  }
0x27: {  	[sflag:s8] =	ssyncadd.s32 $0xFFFFC180;
	p0 =	sne.s32 s14, s7  }
.Ltmp1:
0x28: {  	[bflag:$0x0] =	sbarrier.arrive $0xFFFF;
	(pc) =	sbr.rel @p0 .LBB2_1-.Ltmp1, $4  }
0x29: {  	[hbm:s13], [sflag:s10] =	dma.local [spmem:s11], $0x2800  }
0x2a: {  	_ =	swait.ge [sflag:s8], $0x2800  }
0x2b: {  	[sflag:s8] =	ssyncset.done $0x0  }
0x2c: {  	[sflag:s8] =	ssyncadd.s32 $0xFFFFD800  }
0x2d: {  	_ =	sfence.sel $0x180000  }
0x2e: {  	[bflag:$0x0] =	sbarrier.arrive $0xFFFF  }
0x2f: {  	p0 =	sne.s32 s2, $0x0;
	_ =	strace $0x90000047  }
0x30: {  	s0 =	sadd.s32 @!p0 $0x100000, s0;
	[bflag:$0x2] =	sbarrier.arrive $0xFFFF  }
0x31: {  	[sflag:s0] =	ssyncadd.tile.s32 @!p0 $0x1;
	_ =	shalt  }
.Lfunc_end2:
_tile_overlayer_lowered:
.L_overlay_start_2:
0x32: {  	(tag) =	ssettag $0x2  }
0x33: {  	s0 =	rddreg [dreg:$0x0];
	s2 =	stileid.u32  }
0x34: {  	s1 =	rddreg [dreg:$0x1];
	p0 =	sne.s32 s2, $0x0  }
0x35: {  	s3 =	rddreg [dreg:$0x2];
	[bflag:$0x3] =	sbarrier.arrive $0xFFFF;
	s2 =	simm.s32 @!p0 $0x1C01  }
0x36: {  	[timem:s3], [sflag:s2] =	dma.local @!p0 [hbm:s0], s1  }
0x37: {  	s0 =	simm.s32 @!p0 $0x1  }
0x38: {  	_ =	swait.ge @!p0 [sflag:s0], s1  }
0x39: {  	s1 =	ssub.s32 @!p0 $0x0, s1;
	[sflag:s0] =	ssyncset.done @!p0 $0x0  }
0x3a: {  	[sflag:s0] =	ssyncadd.s32 @!p0 s1  }
0x3b: {  	[bflag:$0x3] =	sbarrier.arrive $0xFFFF  }
0x3c: {  	_ =	shalt  }

// kernel: kernel.13.cloned.1.call-start
scs
__scs_entry_jumppad:
0x0: {  	(pc) =	sbr.rel $0x88, $3  }
0x1: {  	(tag) =	ssettag $0x0;
	lr =	simm.s32 $0x1  }
0x2: {  	[smem:$0x3F91] =	sst lr;
	_ =	strace $0xD0000000  }
0x3: {  	_ = 	snop  }
0x4: {  	_ = 	snop  }
0x5: {  	_ = 	snop  }
0x6: {  	_ = 	snop  }
0x7: {  	_ = 	snop  }
__scs_overlays_trampoline_lowered:
0x8: {  	[smem:$0x3FA0] =	sst s0  }
0x9: {  	[smem:$0x3FA1] =	sst s1  }
0xa: {  	[smem:$0x3FA2] =	sst s2  }
0xb: {  	[smem:$0x3FA3] =	sst s3  }
0xc: {  	[smem:$0x3FA4] =	sst s4  }
0xd: {  	[smem:$0x3FA5] =	sst s5  }
0xe: {  	[smem:$0x3FA6] =	sst s6  }
0xf: {  	[smem:$0x3FA7] =	sst s7  }
0x10: {  	[smem:$0x3FA8] =	sst s8  }
0x11: {  	[smem:$0x3FA9] =	sst s9;
	s0 =	simm.s32 @!p0 $0x0  }
0x12: {  	s1 =	sld [smem:$0x3F8F];
	s0 =	simm.s32 @p0 $0x1  }
0x13: {  	[smem:$0x3FAA] =	sst s0;
	s0 =	simm.s32 @!p1 $0x0  }
0x14: {  	s2 =	sld [smem:$0x3F8E];
	s0 =	simm.s32 @p1 $0x1  }
0x15: {  	[smem:$0x3FAB] =	sst s0;
	s0 =	simm.s32 @!p2 $0x0  }
0x16: {  	s3 =	sld [smem:$0x3FDB];
	s0 =	simm.s32 @p2 $0x1  }
0x17: {  	s4 =	simm.s32 $0x1BF5;
	[smem:$0x3FAD] =	sst s0  }
0x18: {  	s0 =	sld [smem:$0x3F90];
	_ =	swait.ge [sflag:s4], $0x0  }
0x19: {  	s7 =	sld [smem:$0x3F91]  }
0x1a: {  	s8 =	sadd.s32 $0xFFFFE003, lr  }
0x1b: {  	s9 =	sadd.s32 $0xFFFFFEF7, lr;
	s5 =	simm.s32 $0xFFFFFFFF;
	p2 =	slt.u32 s8, $0xFFFFF086  }
0x1c: {  	p1 =	slt.u32 s9, $0xF7A;
	s5 =	simm.s32 @!p2 $0x0  }
0x1d: {  	s5 =	simm.s32 @p1 $0x1;
	p0 =	seq.s32 s7, s2  }
0x1e: {  	s7 =	smul.u32 @!p0 $0xF7A, s2;
	p2 =	seq.s32 @!p0 s5, $0x0  }
0x1f: {  	s9 =	smul.u32 $0xF7A, s1;
	s8 =	simm.s32 @!p0 $0x1BF5;
	p2 =	por !p2, p0  }
0x20: {  	[sflag:s8] =	ssyncset.s32 @!p0 $0xFFFFF086;
	s6 =	sadd.s32 @!p0 s3, s7;
	s7 =	simm.s32 @!p0 $0x108  }
0x21: {  	s3 =	sadd.s32 s3, s9;
	s6 =	sadd.s32 @!p0 $0x88, s6;
	s7 =	simm.s32 @p2 $0x1082  }
0x22: {  	[simem:s7], [sflag:s8] =	dma.local @!p0 [hbm:s6], $0xF7A  }
0x23: {  	s9 =	sor.u32 $0xD0000000, s2;
	s6 =	simm.s32 $0x108;
	_ =	swait.ge @!p0 [sflag:s8], $0x0  }
0x24: {  	s3 =	sadd.s32 $0x88, s3;
	s6 =	simm.s32 @!p1 $0x1082;
	[sflag:s4] =	ssyncset.s32 $0xFFFFF086  }
0x25: {  	[simem:s6], [sflag:s4] =	dma.local [hbm:s3], $0xF7A  }
0x26: {  	[smem:$0x3F91] =	sst s1;
	(tag) =	ssettag s2;
	_ =	strace s9  }
0x27: {  	s1 =	sld [smem:$0x3FA1]  }
0x28: {  	s2 =	sld [smem:$0x3FA2]  }
0x29: {  	s4 =	sld [smem:$0x3FA4]  }
0x2a: {  	p0 =	seq.s32 s5, $0x0;
	s5 =	sld [smem:$0x3FA5]  }
0x2b: {  	s6 =	sld [smem:$0x3FA6]  }
0x2c: {  	s7 =	sld [smem:$0x3FA7]  }
0x2d: {  	s3 =	simm.s32 $0x108;
	s8 =	sld [smem:$0x3FA8]  }
0x2e: {  	s3 =	simm.s32 @!p0 $0x1082;
	s9 =	sld [smem:$0x3FA9]  }
0x2f: {  	lr =	sadd.s32 s0, s3;
	s0 =	sld [smem:$0x3FA0]  }
0x30: {  	s3 =	sld [smem:$0x3FA3]  }
0x31: {  	[smem:$0x3FAC] =	sst s10  }
0x32: {  	s10 =	sld [smem:$0x3FAA];
	_ =	sdelay $0x3  }
0x33: {  	p0 =	seq.s32 s10, $0x1;
	s10 =	sld [smem:$0x3FAC];
	_ =	sdelay $0x3  }
0x34: {  	[smem:$0x3FAC] =	sst s10  }
0x35: {  	s10 =	sld [smem:$0x3FAB];
	_ =	sdelay $0x3  }
0x36: {  	p1 =	seq.s32 s10, $0x1;
	s10 =	sld [smem:$0x3FAC];
	_ =	sdelay $0x3  }
0x37: {  	[smem:$0x3FAC] =	sst s10  }
0x38: {  	s10 =	sld [smem:$0x3FAD]  }
0x39: {  	_ = 	snop;
	(pc) =	sbr.ind lr, $3  }
0x3a: {  	_ = 	snop  }
0x3b: {  	_ = 	snop  }
0x3c: {  	p2 =	seq.s32 s10, $0x1;
	s10 =	sld [smem:$0x3FAC]  }
0x3d: {  	_ =	shalt  }
0x3e: {  	_ =	shalt  }
0x3f: {  	_ =	shalt  }
0x40: {  	_ =	shalt  }
0x41: {  	_ =	shalt  }
0x42: {  	_ =	shalt  }
0x43: {  	_ =	shalt  }
0x44: {  	_ =	shalt  }
0x45: {  	_ =	shalt  }
0x46: {  	_ =	shalt  }
0x47: {  	_ =	shalt  }
0x48: {  	_ =	shalt  }
0x49: {  	_ =	shalt  }
0x4a: {  	_ =	shalt  }
0x4b: {  	_ =	shalt  }
0x4c: {  	_ =	shalt  }
0x4d: {  	_ =	shalt  }
0x4e: {  	_ =	shalt  }
0x4f: {  	_ =	shalt  }
0x50: {  	_ =	shalt  }
0x51: {  	_ =	shalt  }
0x52: {  	_ =	shalt  }
0x53: {  	_ =	shalt  }
0x54: {  	_ =	shalt  }
0x55: {  	_ =	shalt  }
0x56: {  	_ =	shalt  }
0x57: {  	_ =	shalt  }
0x58: {  	_ =	shalt  }
0x59: {  	_ =	shalt  }
0x5a: {  	_ =	shalt  }
0x5b: {  	_ =	shalt  }
0x5c: {  	_ =	shalt  }
0x5d: {  	_ =	shalt  }
0x5e: {  	_ =	shalt  }
0x5f: {  	_ =	shalt  }
0x60: {  	_ =	shalt  }
0x61: {  	_ =	shalt  }
0x62: {  	_ =	shalt  }
0x63: {  	_ =	shalt  }
0x64: {  	_ =	shalt  }
0x65: {  	_ =	shalt  }
0x66: {  	_ =	shalt  }
0x67: {  	_ =	shalt  }
0x68: {  	_ =	shalt  }
0x69: {  	_ =	shalt  }
0x6a: {  	_ =	shalt  }
0x6b: {  	_ =	shalt  }
0x6c: {  	_ =	shalt  }
0x6d: {  	_ =	shalt  }
0x6e: {  	_ =	shalt  }
0x6f: {  	_ =	shalt  }
0x70: {  	_ =	shalt  }
0x71: {  	_ =	shalt  }
0x72: {  	_ =	shalt  }
0x73: {  	_ =	shalt  }
0x74: {  	_ =	shalt  }
0x75: {  	_ =	shalt  }
0x76: {  	_ =	shalt  }
0x77: {  	_ =	shalt  }
0x78: {  	_ =	shalt  }
0x79: {  	_ =	shalt  }
0x7a: {  	_ =	shalt  }
0x7b: {  	_ =	shalt  }
0x7c: {  	_ =	shalt  }
0x7d: {  	_ =	shalt  }
0x7e: {  	_ =	shalt  }
0x7f: {  	_ =	shalt  }
0x80: {  	_ =	shalt  }
0x81: {  	_ =	shalt  }
0x82: {  	_ =	shalt  }
0x83: {  	_ =	shalt  }
0x84: {  	_ =	shalt  }
0x85: {  	_ =	shalt  }
0x86: {  	_ =	shalt  }
0x87: {  	_ =	shalt  }
.Lfunc_end0:
.L_simem_size_0:
called_computation.1_lowered:
.L_overlay_start_0:
0x88: {  	s2 =	sld [smem:$0x3FD9]  }
0x89: {  	s3 =	sld [smem:$0x3FFE];
	_ =	sdelay $0x1  }
0x8a: {  	s1 =	srdreg.scid  }
0x8b: {  	s0 =	sand.u32 $0x1, s1  }
0x8c: {  	s17 =	sshll.u32 s0, $0xA;
	s2 =	sadd.s32 s3, s2  }
0x8d: {  	s2 =	sadd.s32 s2, s17  }
0x8e: {  	[smem:$0x3FB8] =	sst s2  }
0x8f: {  	_ = 	snop  }
0x90: {  	s2 =	sld [smem:$0x3FD0];
	(tm) =	ssettm $0x1  }
0x91: {  	s18 =	sld [smem:$0x3FFB];
	_ =	sdelay $0x3  }
0x92: {  	_ =	strace s18  }
0x93: {  	s3 =	sld [smem:$0x3FFC];
	_ =	sdelay $0x3  }
0x94: {  	_ =	strace s3  }
0x95: {  	s3 =	sld [smem:$0x3FFD];
	_ =	sdelay $0x3  }
0x96: {  	_ =	strace s3  }
0x97: {  	_ =	strace $0x8FFFFFFF  }
0x98: {  	s19 =	sld [smem:$0x3FDB];
	_ =	sdelay $0x1  }
0x99: {  	s4 =	simm.s32 $_scs_section_size  }
0x9a: {  	s5 =	simm.s32 $_size__tile_overlayer_lowered;
	s6 =	simm.s32 $_tile_overlayer_lowered  }
0x9b: {  	s22 =	simm.s32 $0x1BFF;
	s21 =	sshll.u32 s6, $0x1;
	s3 =	sadd.s32 s4, s19  }
0x9c: {  	s7 =	simm.s32 $0x0;
	s20 =	sshll.u32 s5, $0x1;
	s5 =	sadd.s32 s21, s3  }
0x9d: {  	[timem:s7], [sflag:s22] =	dma.local [hbm:s5], s20  }
0x9e: {  	_ =	swait.ge [sflag:s22], s20  }
0x9f: {  	s4 =	ssub.s32 $0x0, s20;
	[sflag:s22] =	ssyncset.done $0x0  }
0xa0: {  	[sflag:s22] =	ssyncadd.s32 s4;
	_ =	sdelay $0x1  }
0xa1: {  	s23 =	simm.s32 $0x1B8B  }
0xa2: {  	_ =	swait.ge [sflag:s23], $0x1  }
0xa3: {  	[sflag:s23] =	ssyncset.done $0x0  }
0xa4: {  	s25 =	simm.s32 $0x1B8E;
	s24 =	sld [smem:$0x3FFE];
	[sflag:s23] =	ssyncadd.s32 $0xFFFFFFFF  }
0xa5: {  	s26 =	simm.s32 $execute0_lowered;
	[smem:$0x3FD2] =	sst s25  }
0xa6: {  	s5 =	sshll.u32 s26, $0x1;
	_ =	strace $0x80000049;
	[dreg:$0x1] =	wrdreg $0xFFFFFFFF  }
0xa7: {  	s28 =	simm.s32 $_size_execute0_lowered;
	s3 =	sadd.s32 s3, s5;
	[dreg:$0x0] =	wrdreg $0x0  }
0xa8: {  	s5 =	sshll.u32 s28, $0x1;
	[dreg:$0x2] =	wrdreg s3  }
0xa9: {  	[dreg:$0x3] =	wrdreg s5  }
0xaa: {  	[dreg:$0x4] =	wrdreg $0xC0  }
0xab: {  	_ =	task [dreg:s7], $0x5FFFF  }
0xac: {  	[dreg:$0x1] =	wrdreg $0xFFFFFFFF  }
0xad: {  	[dreg:$0x0] =	wrdreg $0x60  }
0xae: {  	[dreg:$0x2] =	wrdreg s24  }
0xaf: {  	[dreg:$0x3] =	wrdreg s2  }
0xb0: {  	[dreg:$0x4] =	wrdreg $0xA8000  }
0xb1: {  	[dreg:$0x5] =	wrdreg $0x9  }
0xb2: {  	_ =	task.clear_ibuf [dreg:s7], $0x6FFFF;
	_ =	strace $0x90000049  }
0xb3: {  	s29 =	simm.s32 $0x9;
	_ =	strace $0x8000004B  }
0xb4: {  	_ =	swait.ge [sflag:s29], $0x1  }
0xb5: {  	[sflag:s29] =	ssyncadd.s32 $0xFFFFFFFF  }
0xb6: {  	_ =	strace $0x9000004B  }
0xb7: {  	_ =	sfence  }
0xb8: {  	s30 =	sld [smem:$0x0];
	_ =	sdelay $0x2  }
0xb9: {  	s31 =	sshll.u32 s1, $0xD;
	s1 =	sshrl.u32 s1, $0x2  }
0xba: {  	s3 =	sand.u32 $0x4000, s31;
	s1 =	sadd.s32 s1, s30  }
0xbb: {  	s0 =	sor.u32 s3, s0;
	s1 =	sshll.u32 s1, $0x11  }
0xbc: {  	s0 =	sor.u32 s1, s0  }
0xbd: {  	s0 =	sadd.s32 $0x8F2B, s0  }
0xbe: {  	[sflag:s0] =	ssyncadd.remote.s32 $0x1  }
0xbf: {  	_ =	sfence.sel $0xFFFF  }
0xc0: {  	[dreg:$0x0] =	wrdreg $0xFFFFFFFF;
	(pc) =	sbr.abs _section_cstart, $3  }
0xc1: {  	[dreg:$0x1] =	wrdreg $0xFFFFFFFF  }
0xc2: {  	_ =	task.clear_ibuf [dreg:s7], $0x2FFFF;
	_ =	strace $0x9FFFFFFF  }
0xc3: {  	(tm) =	ssettm $0x7FFFFFFF  }
tec
execute0_lowered:
.L_overlay_start_1:
0x0: {  	(tag) =	ssettag $0x1  }
0x1: {  	s5 =	rddreg [dreg:$0x0]  }
0x2: {  	s10 =	rddreg [dreg:$0x1]  }
0x3: {  	s1 =	rddreg [dreg:$0x2]  }
0x4: {  	s0 =	rddreg [dreg:$0x3];
	s2 =	simm.s32 $0x0;
	s3 =	srdreg.scid  }
0x5: {  	s15 =	simm.s32 $0x1400;
	s16 =	simm.s32 $0x7D;
	s17 =	simm.s32 $0x2800  }
0x6: {  	s18 =	simm.s32 $0x80;
	s19 =	simm.s32 $0x6800;
	s20 =	simm.s32 $0x1  }
0x7: {  	s21 =	simm.s32 $0x2;
	[smem:$0x7FF] =	sst s2;
	s4 =	sand.u32 $0x1, s3  }
0x8: {  	s22 =	simm.s32 $0x2700;
	s3 =	stileid.u32;
	s6 =	smul.u32 $0x28000, s4  }
0x9: {  	s23 =	simm.s32 $0x2780;
	_ =	strace $0x8000004A;
	s9 =	smul.u32 $0x50000, s3  }
0xa: {  	s7 =	ssub.s32 $0x2, s4;
	s4 =	sadd.s32 $0x3200, s5;
	s24 =	smul.u32 $0x2800, s3  }
0xb: {  	s30 =	sshll.u32 s3, $0x6;
	s14 =	smul.u32 $0x500, s3;
	s8 =	sshrl.u32 s7, $0x1  }
0xc: {  	s11 =	sadd.s32 s6, s5;
	s12 =	ssub.s32 s7, s8;
	s29 =	sshrl.u32 s9, $0x2  }
0xd: {  	s5 =	sor.u32 $0x1C03, s30;
	s31 =	sshrl.u32 s24, $0x3;
	s6 =	sadd.s32 s10, s14  }
0xe: {  	s7 =	sadd.s32 $0x5000, s10;
	s13 =	sadd.s32 s29, s1;
	s8 =	sadd.s32 $0x280, s31  }
0xf: {  	s9 =	sadd.s32 $0x5A00, s11;
	s25 =	sadd.s32 $0xA3C00, s11;
	s11 =	smax.u32 s12, $0x1  }
0x10: {  	s14 =	sadd.s32 s14, s7;
	s10 =	sadd.s32 s10, s8;
	s12 =	sshrl.u32 s13, $0x3  }
0x11: {  	s13 =	simm.s32 $0x3;
	s24 =	sadd.s32 s24, s25;
	s25 =	simm.s32 $0x0  }
.LBB2_1:
0x12: {  	[spmem:s12], [sflag:s5] =	dma.local [hbm:s4], $0x2800  }
0x13: {  	_ =	swait.ge [sflag:s13], $0x2800  }
0x14: {  	[sflag:s13] =	ssyncset.done $0x0  }
0x15: {  	[sflag:s13] =	ssyncadd.s32 $0xFFFFD800  }
0x16: {  	[bflag:$0x0] =	sbarrier.arrive $0xFFFF  }
0x17: {  	[tilespmem:s2], [sflag:$0x3] =	stream.linear.gather [hbm4b:s6+s2], $0x1400, $0x38;
	[tilespmem:$0x1E800] =	vst v63  }
0x18: {  	_ =	swait.ge [sflag:s13], $0x1400  }
0x19: {  	[sflag:s13] =	ssyncset.done $0x0  }
0x1a: {  	[sflag:s13] =	ssyncadd.s32 $0xFFFFEC00  }
0x1b: {  	[tilespmem:s15], [sflag:$0x3] =	stream.linear.gather [hbm4b:s14+s2], $0x1400, $0x38;
	[tilespmem:$0x1E800] =	vst v63  }
0x1c: {  	_ =	swait.ge [sflag:s13], $0x1400  }
0x1d: {  	[sflag:s13] =	ssyncset.done $0x0  }
0x1e: {  	[sflag:s13] =	ssyncadd.s32 $0xFFFFEC00  }
0x1f: {  	[tilespmem:s17], [sflag:$0x1] =	stream.indirect.gather [hbm4b:s9+s16], $0x80, s2, s16, $0xb8;
	[tilespmem:$0x1E800] =	vst v63  }
0x20: {  	_ = 	snop  }
0x21: {  	[tilespmem:s19], [sflag:$0x2] =	stream.indirect.gather [hbm4b:s9+s16], $0x80, s18, s16, $0xb8;
	[tilespmem:$0x1E800] =	vst v63  }
0x22: {  	_ =	swait.ge [sflag:s20], $0x3E80  }
0x23: {  	[sflag:s20] =	ssyncset.done $0x0  }
0x24: {  	s26 =	simm.s32 $0x1400;
	[sflag:s20] =	ssyncadd.s32 $0xFFFFC180  }
0x25: {  	[spmem:s1] =	stream.indirect.scatter.add.f32 [tilespmem:s17], [sflag:$0x3], $0x80, s26, s16, $0xb8;
	[tilespmem:$0x1E800] =	vst v63  }
0x26: {  	_ =	swait.ge [sflag:s13], $0x3E80  }
0x27: {  	[sflag:s13] =	ssyncset.done $0x0  }
0x28: {  	s30 =	simm.s32 $0x100;
	[sflag:s13] =	ssyncadd.s32 $0xFFFFC180  }
0x29: {  	[tilespmem:s17], [sflag:$0x1] =	stream.indirect.gather [hbm4b:s9+s16], $0x80, s30, s16, $0xb8;
	[tilespmem:$0x1E800] =	vst v63  }
0x2a: {  	_ =	swait.ge [sflag:s21], $0x3E80  }
0x2b: {  	[sflag:s21] =	ssyncset.done $0x0  }
0x2c: {  	s31 =	simm.s32 $0x1480;
	[sflag:s21] =	ssyncadd.s32 $0xFFFFC180  }
0x2d: {  	[spmem:s1] =	stream.indirect.scatter.add.f32 [tilespmem:s19], [sflag:$0x3], $0x80, s31, s16, $0xb8;
	[tilespmem:$0x1E800] =	vst v63  }
0x2e: {  	_ =	swait.ge [sflag:s13], $0x3E80  }
0x2f: {  	[sflag:s13] =	ssyncset.done $0x0  }
0x30: {  	s28 =	simm.s32 $0x180;
	s26 =	simm.s32 $0x400;
	[sflag:s13] =	ssyncadd.s32 $0xFFFFC180  }
.LBB2_2:
0x31: {  	[tilespmem:s19], [sflag:$0x2] =	stream.indirect.gather [hbm4b:s9+s16], $0x80, s28, s16, $0xb8;
	[tilespmem:$0x1E800] =	vst v63  }
0x32: {  	s28 =	smov.u32 s26  }
0x33: {  	p0 =	sne.s32 s26, $0x4800;
	s26 =	sadd.s32 $0x400, s26;
	_ =	swait.ge [sflag:s20], $0x3E80  }
0x34: {  	s28 =	sshra.s32 s28, $0x2;
	[sflag:s20] =	ssyncset.done $0x0  }
0x35: {  	s29 =	sadd.s32 $0x1400, s28;
	[sflag:s20] =	ssyncadd.s32 $0xFFFFC180  }
0x36: {  	[spmem:s1] =	stream.indirect.scatter.add.f32 [tilespmem:s17], [sflag:$0x3], $0x80, s29, s16, $0xb8;
	[tilespmem:$0x1E800] =	vst v63  }
0x37: {  	_ =	swait.ge [sflag:s13], $0x3E80  }
0x38: {  	[sflag:s13] =	ssyncset.done $0x0  }
0x39: {  	s29 =	sadd.s32 $0x100, s28;
	[sflag:s13] =	ssyncadd.s32 $0xFFFFC180  }
0x3a: {  	[tilespmem:s17], [sflag:$0x1] =	stream.indirect.gather [hbm4b:s9+s16], $0x80, s29, s16, $0xb8;
	[tilespmem:$0x1E800] =	vst v63  }
0x3b: {  	_ =	swait.ge [sflag:s21], $0x3E80  }
0x3c: {  	[sflag:s21] =	ssyncset.done $0x0  }
.Ltmp0:
0x3d: {  	s29 =	sadd.s32 $0x1480, s28;
	[sflag:s21] =	ssyncadd.s32 $0xFFFFC180;
	(pc) =	sbr.rel @p0 .LBB2_2-.Ltmp0, $4  }
0x3e: {  	[spmem:s1] =	stream.indirect.scatter.add.f32 [tilespmem:s19], [sflag:$0x3], $0x80, s29, s16, $0xb8;
	[tilespmem:$0x1E800] =	vst v63  }
0x3f: {  	_ =	swait.ge [sflag:s13], $0x3E80  }
0x40: {  	[sflag:s13] =	ssyncset.done $0x0  }
0x41: {  	s28 =	sadd.s32 $0x180, s28;
	[sflag:s13] =	ssyncadd.s32 $0xFFFFC180  }
0x42: {  	[tilespmem:s19], [sflag:$0x2] =	stream.indirect.gather [hbm4b:s9+s16], $0x80, s28, s16, $0xb8;
	[tilespmem:$0x1E800] =	vst v63  }
0x43: {  	_ =	swait.ge [sflag:s20], $0x3E80  }
0x44: {  	[sflag:s20] =	ssyncset.done $0x0  }
0x45: {  	[sflag:s20] =	ssyncadd.s32 $0xFFFFC180  }
0x46: {  	[spmem:s1] =	stream.indirect.scatter.add.f32 [tilespmem:s17], [sflag:$0x3], $0x80, s22, s16, $0xb8;
	[tilespmem:$0x1E800] =	vst v63  }
0x47: {  	_ =	swait.ge [sflag:s13], $0x3E80  }
0x48: {  	[sflag:s13] =	ssyncset.done $0x0  }
0x49: {  	[sflag:s13] =	ssyncadd.s32 $0xFFFFC180  }
0x4a: {  	_ =	swait.ge [sflag:s21], $0x3E80  }
0x4b: {  	[sflag:s21] =	ssyncset.done $0x0  }
0x4c: {  	[sflag:s21] =	ssyncadd.s32 $0xFFFFC180  }
0x4d: {  	[spmem:s1] =	stream.indirect.scatter.add.f32 [tilespmem:s19], [sflag:$0x3], $0x80, s23, s16, $0xb8;
	[tilespmem:$0x1E800] =	vst v63  }
0x4e: {  	_ =	swait.ge [sflag:s13], $0x3E80  }
0x4f: {  	[sflag:s13] =	ssyncset.done $0x0  }
0x50: {  	s26 =	simm.s32 $0x0;
	[sflag:s13] =	ssyncadd.s32 $0xFFFFC180  }
0x51: {  	[tilespmem:s26], [sflag:$0x3] =	stream.linear.gather [hbm4b:s10+s26], $0x1400, $0x38;
	[tilespmem:$0x1E800] =	vst v63  }
0x52: {  	_ =	swait.ge [sflag:s13], $0x1400  }
0x53: {  	[sflag:s13] =	ssyncset.done $0x0  }
0x54: {  	s28 =	sadd.s32 s8, s7;
	[sflag:s13] =	ssyncadd.s32 $0xFFFFEC00  }
0x55: {  	[tilespmem:s15], [sflag:$0x3] =	stream.linear.gather [hbm4b:s28+s26], $0x1400, $0x38;
	[tilespmem:$0x1E800] =	vst v63  }
0x56: {  	_ =	swait.ge [sflag:s13], $0x1400  }
0x57: {  	[sflag:s13] =	ssyncset.done $0x0  }
0x58: {  	[sflag:s13] =	ssyncadd.s32 $0xFFFFEC00  }
0x59: {  	[tilespmem:s17], [sflag:$0x1] =	stream.indirect.gather [hbm4b:s9+s16], $0x80, s26, s16, $0xb8;
	[tilespmem:$0x1E800] =	vst v63  }
0x5a: {  	_ = 	snop  }
0x5b: {  	[tilespmem:s19], [sflag:$0x2] =	stream.indirect.gather [hbm4b:s9+s16], $0x80, s18, s16, $0xb8;
	[tilespmem:$0x1E800] =	vst v63  }
0x5c: {  	_ =	swait.ge [sflag:s20], $0x3E80  }
0x5d: {  	[sflag:s20] =	ssyncset.done $0x0  }
0x5e: {  	s29 =	simm.s32 $0x1400;
	[sflag:s20] =	ssyncadd.s32 $0xFFFFC180  }
0x5f: {  	[spmem:s1] =	stream.indirect.scatter.add.f32 [tilespmem:s17], [sflag:$0x3], $0x80, s29, s16, $0xb8;
	[tilespmem:$0x1E800] =	vst v63  }
0x60: {  	_ =	swait.ge [sflag:s13], $0x3E80  }
0x61: {  	[sflag:s13] =	ssyncset.done $0x0  }
0x62: {  	s30 =	simm.s32 $0x100;
	[sflag:s13] =	ssyncadd.s32 $0xFFFFC180  }
0x63: {  	[tilespmem:s17], [sflag:$0x1] =	stream.indirect.gather [hbm4b:s9+s16], $0x80, s30, s16, $0xb8;
	[tilespmem:$0x1E800] =	vst v63  }
0x64: {  	_ =	swait.ge [sflag:s21], $0x3E80  }
0x65: {  	[sflag:s21] =	ssyncset.done $0x0  }
0x66: {  	s31 =	simm.s32 $0x1480;
	[sflag:s21] =	ssyncadd.s32 $0xFFFFC180  }
0x67: {  	[spmem:s1] =	stream.indirect.scatter.add.f32 [tilespmem:s19], [sflag:$0x3], $0x80, s31, s16, $0xb8;
	[tilespmem:$0x1E800] =	vst v63  }
0x68: {  	_ =	swait.ge [sflag:s13], $0x3E80  }
0x69: {  	[sflag:s13] =	ssyncset.done $0x0  }
0x6a: {  	s28 =	simm.s32 $0x180;
	s26 =	simm.s32 $0x400;
	[sflag:s13] =	ssyncadd.s32 $0xFFFFC180  }
.LBB2_4:
0x6b: {  	[tilespmem:s19], [sflag:$0x2] =	stream.indirect.gather [hbm4b:s9+s16], $0x80, s28, s16, $0xb8;
	[tilespmem:$0x1E800] =	vst v63  }
0x6c: {  	s28 =	smov.u32 s26  }
0x6d: {  	p0 =	sne.s32 s26, $0x4800;
	s26 =	sadd.s32 $0x400, s26;
	_ =	swait.ge [sflag:s20], $0x3E80  }
0x6e: {  	s28 =	sshra.s32 s28, $0x2;
	[sflag:s20] =	ssyncset.done $0x0  }
0x6f: {  	s29 =	sadd.s32 $0x1400, s28;
	[sflag:s20] =	ssyncadd.s32 $0xFFFFC180  }
0x70: {  	[spmem:s1] =	stream.indirect.scatter.add.f32 [tilespmem:s17], [sflag:$0x3], $0x80, s29, s16, $0xb8;
	[tilespmem:$0x1E800] =	vst v63  }
0x71: {  	_ =	swait.ge [sflag:s13], $0x3E80  }
0x72: {  	[sflag:s13] =	ssyncset.done $0x0  }
0x73: {  	s29 =	sadd.s32 $0x100, s28;
	[sflag:s13] =	ssyncadd.s32 $0xFFFFC180  }
0x74: {  	[tilespmem:s17], [sflag:$0x1] =	stream.indirect.gather [hbm4b:s9+s16], $0x80, s29, s16, $0xb8;
	[tilespmem:$0x1E800] =	vst v63  }
0x75: {  	_ =	swait.ge [sflag:s21], $0x3E80  }
0x76: {  	[sflag:s21] =	ssyncset.done $0x0  }
.Ltmp1:
0x77: {  	s29 =	sadd.s32 $0x1480, s28;
	[sflag:s21] =	ssyncadd.s32 $0xFFFFC180;
	(pc) =	sbr.rel @p0 .LBB2_4-.Ltmp1, $4  }
0x78: {  	[spmem:s1] =	stream.indirect.scatter.add.f32 [tilespmem:s19], [sflag:$0x3], $0x80, s29, s16, $0xb8;
	[tilespmem:$0x1E800] =	vst v63  }
0x79: {  	_ =	swait.ge [sflag:s13], $0x3E80  }
0x7a: {  	[sflag:s13] =	ssyncset.done $0x0  }
0x7b: {  	s28 =	sadd.s32 $0x180, s28;
	[sflag:s13] =	ssyncadd.s32 $0xFFFFC180  }
0x7c: {  	[tilespmem:s19], [sflag:$0x2] =	stream.indirect.gather [hbm4b:s9+s16], $0x80, s28, s16, $0xb8;
	[tilespmem:$0x1E800] =	vst v63  }
0x7d: {  	_ =	swait.ge [sflag:s20], $0x3E80  }
0x7e: {  	[sflag:s20] =	ssyncset.done $0x0  }
0x7f: {  	[sflag:s20] =	ssyncadd.s32 $0xFFFFC180  }
0x80: {  	[spmem:s1] =	stream.indirect.scatter.add.f32 [tilespmem:s17], [sflag:$0x3], $0x80, s22, s16, $0xb8;
	[tilespmem:$0x1E800] =	vst v63  }
0x81: {  	_ =	swait.ge [sflag:s13], $0x3E80  }
0x82: {  	[sflag:s13] =	ssyncset.done $0x0  }
0x83: {  	[sflag:s13] =	ssyncadd.s32 $0xFFFFC180  }
0x84: {  	_ =	swait.ge [sflag:s21], $0x3E80  }
0x85: {  	[sflag:s21] =	ssyncset.done $0x0  }
0x86: {  	[sflag:s21] =	ssyncadd.s32 $0xFFFFC180  }
0x87: {  	[spmem:s1] =	stream.indirect.scatter.add.f32 [tilespmem:s19], [sflag:$0x3], $0x80, s23, s16, $0xb8;
	[tilespmem:$0x1E800] =	vst v63  }
0x88: {  	_ =	swait.ge [sflag:s13], $0x3E80  }
0x89: {  	s25 =	sadd.s32 $0x1, s25;
	[sflag:s13] =	ssyncset.done $0x0  }
0x8a: {  	p0 =	sne.s32 s25, s11;
	[sflag:s13] =	ssyncadd.s32 $0xFFFFC180  }
.Ltmp2:
0x8b: {  	[bflag:$0x0] =	sbarrier.arrive $0xFFFF;
	(pc) =	sbr.rel @p0 .LBB2_1-.Ltmp2, $4  }
0x8c: {  	[hbm:s24], [sflag:s5] =	dma.local [spmem:s12], $0x2800  }
0x8d: {  	_ =	swait.ge [sflag:s13], $0x2800  }
0x8e: {  	[sflag:s13] =	ssyncset.done $0x0  }
0x8f: {  	[sflag:s13] =	ssyncadd.s32 $0xFFFFD800  }
0x90: {  	_ =	sfence.sel $0x180000  }
0x91: {  	[bflag:$0x0] =	sbarrier.arrive $0xFFFF  }
0x92: {  	p0 =	sne.s32 s3, $0x0;
	_ =	strace $0x9000004A  }
0x93: {  	s0 =	sadd.s32 @!p0 $0x100000, s0;
	[bflag:$0x2] =	sbarrier.arrive $0xFFFF  }
0x94: {  	[sflag:s0] =	ssyncadd.tile.s32 @!p0 $0x1;
	_ =	shalt  }
.Lfunc_end2:
_tile_overlayer_lowered:
.L_overlay_start_2:
0x95: {  	(tag) =	ssettag $0x2  }
0x96: {  	s0 =	rddreg [dreg:$0x0];
	s2 =	stileid.u32  }
0x97: {  	s1 =	rddreg [dreg:$0x1];
	p0 =	sne.s32 s2, $0x0  }
0x98: {  	s3 =	rddreg [dreg:$0x2];
	[bflag:$0x3] =	sbarrier.arrive $0xFFFF;
	s2 =	simm.s32 @!p0 $0x1C03  }
0x99: {  	[timem:s3], [sflag:s2] =	dma.local @!p0 [hbm:s0], s1  }
0x9a: {  	s0 =	simm.s32 @!p0 $0x3  }
0x9b: {  	_ =	swait.ge @!p0 [sflag:s0], s1  }
0x9c: {  	s1 =	ssub.s32 @!p0 $0x0, s1;
	[sflag:s0] =	ssyncset.done @!p0 $0x0  }
0x9d: {  	[sflag:s0] =	ssyncadd.s32 @!p0 s1  }
0x9e: {  	[bflag:$0x3] =	sbarrier.arrive $0xFFFF  }
0x9f: {  	_ =	shalt  }

// kernel: kernel.16.cloned.1.call-start
scs
__scs_entry_jumppad:
0x0: {  	(pc) =	sbr.rel $0x88, $3  }
0x1: {  	(tag) =	ssettag $0x0;
	lr =	simm.s32 $0x1  }
0x2: {  	[smem:$0x3F91] =	sst lr;
	_ =	strace $0xD0000000  }
0x3: {  	_ = 	snop  }
0x4: {  	_ = 	snop  }
0x5: {  	_ = 	snop  }
0x6: {  	_ = 	snop  }
0x7: {  	_ = 	snop  }
__scs_overlays_trampoline_lowered:
0x8: {  	[smem:$0x3FA0] =	sst s0  }
0x9: {  	[smem:$0x3FA1] =	sst s1  }
0xa: {  	[smem:$0x3FA2] =	sst s2  }
0xb: {  	[smem:$0x3FA3] =	sst s3  }
0xc: {  	[smem:$0x3FA4] =	sst s4  }
0xd: {  	[smem:$0x3FA5] =	sst s5  }
0xe: {  	[smem:$0x3FA6] =	sst s6  }
0xf: {  	[smem:$0x3FA7] =	sst s7  }
0x10: {  	[smem:$0x3FA8] =	sst s8  }
0x11: {  	[smem:$0x3FA9] =	sst s9;
	s0 =	simm.s32 @!p0 $0x0  }
0x12: {  	s1 =	sld [smem:$0x3F8F];
	s0 =	simm.s32 @p0 $0x1  }
0x13: {  	[smem:$0x3FAA] =	sst s0;
	s0 =	simm.s32 @!p1 $0x0  }
0x14: {  	s2 =	sld [smem:$0x3F8E];
	s0 =	simm.s32 @p1 $0x1  }
0x15: {  	[smem:$0x3FAB] =	sst s0;
	s0 =	simm.s32 @!p2 $0x0  }
0x16: {  	s3 =	sld [smem:$0x3FDB];
	s0 =	simm.s32 @p2 $0x1  }
0x17: {  	s4 =	simm.s32 $0x1BF5;
	[smem:$0x3FAD] =	sst s0  }
0x18: {  	s0 =	sld [smem:$0x3F90];
	_ =	swait.ge [sflag:s4], $0x0  }
0x19: {  	s7 =	sld [smem:$0x3F91]  }
0x1a: {  	s8 =	sadd.s32 $0xFFFFE003, lr  }
0x1b: {  	s9 =	sadd.s32 $0xFFFFFEF7, lr;
	s5 =	simm.s32 $0xFFFFFFFF;
	p2 =	slt.u32 s8, $0xFFFFF086  }
0x1c: {  	p1 =	slt.u32 s9, $0xF7A;
	s5 =	simm.s32 @!p2 $0x0  }
0x1d: {  	s5 =	simm.s32 @p1 $0x1;
	p0 =	seq.s32 s7, s2  }
0x1e: {  	s7 =	smul.u32 @!p0 $0xF7A, s2;
	p2 =	seq.s32 @!p0 s5, $0x0  }
0x1f: {  	s9 =	smul.u32 $0xF7A, s1;
	s8 =	simm.s32 @!p0 $0x1BF5;
	p2 =	por !p2, p0  }
0x20: {  	[sflag:s8] =	ssyncset.s32 @!p0 $0xFFFFF086;
	s6 =	sadd.s32 @!p0 s3, s7;
	s7 =	simm.s32 @!p0 $0x108  }
0x21: {  	s3 =	sadd.s32 s3, s9;
	s6 =	sadd.s32 @!p0 $0x88, s6;
	s7 =	simm.s32 @p2 $0x1082  }
0x22: {  	[simem:s7], [sflag:s8] =	dma.local @!p0 [hbm:s6], $0xF7A  }
0x23: {  	s9 =	sor.u32 $0xD0000000, s2;
	s6 =	simm.s32 $0x108;
	_ =	swait.ge @!p0 [sflag:s8], $0x0  }
0x24: {  	s3 =	sadd.s32 $0x88, s3;
	s6 =	simm.s32 @!p1 $0x1082;
	[sflag:s4] =	ssyncset.s32 $0xFFFFF086  }
0x25: {  	[simem:s6], [sflag:s4] =	dma.local [hbm:s3], $0xF7A  }
0x26: {  	[smem:$0x3F91] =	sst s1;
	(tag) =	ssettag s2;
	_ =	strace s9  }
0x27: {  	s1 =	sld [smem:$0x3FA1]  }
0x28: {  	s2 =	sld [smem:$0x3FA2]  }
0x29: {  	s4 =	sld [smem:$0x3FA4]  }
0x2a: {  	p0 =	seq.s32 s5, $0x0;
	s5 =	sld [smem:$0x3FA5]  }
0x2b: {  	s6 =	sld [smem:$0x3FA6]  }
0x2c: {  	s7 =	sld [smem:$0x3FA7]  }
0x2d: {  	s3 =	simm.s32 $0x108;
	s8 =	sld [smem:$0x3FA8]  }
0x2e: {  	s3 =	simm.s32 @!p0 $0x1082;
	s9 =	sld [smem:$0x3FA9]  }
0x2f: {  	lr =	sadd.s32 s0, s3;
	s0 =	sld [smem:$0x3FA0]  }
0x30: {  	s3 =	sld [smem:$0x3FA3]  }
0x31: {  	[smem:$0x3FAC] =	sst s10  }
0x32: {  	s10 =	sld [smem:$0x3FAA];
	_ =	sdelay $0x3  }
0x33: {  	p0 =	seq.s32 s10, $0x1;
	s10 =	sld [smem:$0x3FAC];
	_ =	sdelay $0x3  }
0x34: {  	[smem:$0x3FAC] =	sst s10  }
0x35: {  	s10 =	sld [smem:$0x3FAB];
	_ =	sdelay $0x3  }
0x36: {  	p1 =	seq.s32 s10, $0x1;
	s10 =	sld [smem:$0x3FAC];
	_ =	sdelay $0x3  }
0x37: {  	[smem:$0x3FAC] =	sst s10  }
0x38: {  	s10 =	sld [smem:$0x3FAD]  }
0x39: {  	_ = 	snop;
	(pc) =	sbr.ind lr, $3  }
0x3a: {  	_ = 	snop  }
0x3b: {  	_ = 	snop  }
0x3c: {  	p2 =	seq.s32 s10, $0x1;
	s10 =	sld [smem:$0x3FAC]  }
0x3d: {  	_ =	shalt  }
0x3e: {  	_ =	shalt  }
0x3f: {  	_ =	shalt  }
0x40: {  	_ =	shalt  }
0x41: {  	_ =	shalt  }
0x42: {  	_ =	shalt  }
0x43: {  	_ =	shalt  }
0x44: {  	_ =	shalt  }
0x45: {  	_ =	shalt  }
0x46: {  	_ =	shalt  }
0x47: {  	_ =	shalt  }
0x48: {  	_ =	shalt  }
0x49: {  	_ =	shalt  }
0x4a: {  	_ =	shalt  }
0x4b: {  	_ =	shalt  }
0x4c: {  	_ =	shalt  }
0x4d: {  	_ =	shalt  }
0x4e: {  	_ =	shalt  }
0x4f: {  	_ =	shalt  }
0x50: {  	_ =	shalt  }
0x51: {  	_ =	shalt  }
0x52: {  	_ =	shalt  }
0x53: {  	_ =	shalt  }
0x54: {  	_ =	shalt  }
0x55: {  	_ =	shalt  }
0x56: {  	_ =	shalt  }
0x57: {  	_ =	shalt  }
0x58: {  	_ =	shalt  }
0x59: {  	_ =	shalt  }
0x5a: {  	_ =	shalt  }
0x5b: {  	_ =	shalt  }
0x5c: {  	_ =	shalt  }
0x5d: {  	_ =	shalt  }
0x5e: {  	_ =	shalt  }
0x5f: {  	_ =	shalt  }
0x60: {  	_ =	shalt  }
0x61: {  	_ =	shalt  }
0x62: {  	_ =	shalt  }
0x63: {  	_ =	shalt  }
0x64: {  	_ =	shalt  }
0x65: {  	_ =	shalt  }
0x66: {  	_ =	shalt  }
0x67: {  	_ =	shalt  }
0x68: {  	_ =	shalt  }
0x69: {  	_ =	shalt  }
0x6a: {  	_ =	shalt  }
0x6b: {  	_ =	shalt  }
0x6c: {  	_ =	shalt  }
0x6d: {  	_ =	shalt  }
0x6e: {  	_ =	shalt  }
0x6f: {  	_ =	shalt  }
0x70: {  	_ =	shalt  }
0x71: {  	_ =	shalt  }
0x72: {  	_ =	shalt  }
0x73: {  	_ =	shalt  }
0x74: {  	_ =	shalt  }
0x75: {  	_ =	shalt  }
0x76: {  	_ =	shalt  }
0x77: {  	_ =	shalt  }
0x78: {  	_ =	shalt  }
0x79: {  	_ =	shalt  }
0x7a: {  	_ =	shalt  }
0x7b: {  	_ =	shalt  }
0x7c: {  	_ =	shalt  }
0x7d: {  	_ =	shalt  }
0x7e: {  	_ =	shalt  }
0x7f: {  	_ =	shalt  }
0x80: {  	_ =	shalt  }
0x81: {  	_ =	shalt  }
0x82: {  	_ =	shalt  }
0x83: {  	_ =	shalt  }
0x84: {  	_ =	shalt  }
0x85: {  	_ =	shalt  }
0x86: {  	_ =	shalt  }
0x87: {  	_ =	shalt  }
.Lfunc_end0:
.L_simem_size_0:
called_computation.2_lowered:
.L_overlay_start_0:
0x88: {  	s2 =	sld [smem:$0x3FD9]  }
0x89: {  	s3 =	sld [smem:$0x3FFE];
	_ =	sdelay $0x1  }
0x8a: {  	s1 =	srdreg.scid  }
0x8b: {  	s0 =	sand.u32 $0x1, s1  }
0x8c: {  	s17 =	sshll.u32 s0, $0xA;
	s2 =	sadd.s32 s3, s2  }
0x8d: {  	s2 =	sadd.s32 s2, s17  }
0x8e: {  	[smem:$0x3FB8] =	sst s2  }
0x8f: {  	_ = 	snop  }
0x90: {  	s2 =	sld [smem:$0x3FD0];
	(tm) =	ssettm $0x1  }
0x91: {  	s18 =	sld [smem:$0x3FFB];
	_ =	sdelay $0x3  }
0x92: {  	_ =	strace s18  }
0x93: {  	s3 =	sld [smem:$0x3FFC];
	_ =	sdelay $0x3  }
0x94: {  	_ =	strace s3  }
0x95: {  	s3 =	sld [smem:$0x3FFD];
	_ =	sdelay $0x3  }
0x96: {  	_ =	strace s3  }
0x97: {  	_ =	strace $0x8FFFFFFF  }
0x98: {  	s19 =	sld [smem:$0x3FDB];
	_ =	sdelay $0x1  }
0x99: {  	s4 =	simm.s32 $_scs_section_size  }
0x9a: {  	s5 =	simm.s32 $_size__tile_overlayer_lowered;
	s6 =	simm.s32 $_tile_overlayer_lowered  }
0x9b: {  	s22 =	simm.s32 $0x1BFF;
	s21 =	sshll.u32 s6, $0x1;
	s3 =	sadd.s32 s4, s19  }
0x9c: {  	s7 =	simm.s32 $0x0;
	s20 =	sshll.u32 s5, $0x1;
	s5 =	sadd.s32 s21, s3  }
0x9d: {  	[timem:s7], [sflag:s22] =	dma.local [hbm:s5], s20  }
0x9e: {  	_ =	swait.ge [sflag:s22], s20  }
0x9f: {  	s4 =	ssub.s32 $0x0, s20;
	[sflag:s22] =	ssyncset.done $0x0  }
0xa0: {  	[sflag:s22] =	ssyncadd.s32 s4;
	_ =	sdelay $0x1  }
0xa1: {  	s23 =	simm.s32 $0x1B8B  }
0xa2: {  	_ =	swait.ge [sflag:s23], $0x1  }
0xa3: {  	[sflag:s23] =	ssyncset.done $0x0  }
0xa4: {  	s25 =	simm.s32 $0x1B8E;
	s24 =	sld [smem:$0x3FFE];
	[sflag:s23] =	ssyncadd.s32 $0xFFFFFFFF  }
0xa5: {  	s26 =	simm.s32 $execute0_lowered;
	[smem:$0x3FD2] =	sst s25  }
0xa6: {  	s5 =	sshll.u32 s26, $0x1;
	_ =	strace $0x8000004C;
	[dreg:$0x1] =	wrdreg $0xFFFFFFFF  }
0xa7: {  	s28 =	simm.s32 $_size_execute0_lowered;
	s3 =	sadd.s32 s3, s5;
	[dreg:$0x0] =	wrdreg $0x0  }
0xa8: {  	s5 =	sshll.u32 s28, $0x1;
	[dreg:$0x2] =	wrdreg s3  }
0xa9: {  	[dreg:$0x3] =	wrdreg s5  }
0xaa: {  	[dreg:$0x4] =	wrdreg $0xC0  }
0xab: {  	_ =	task [dreg:s7], $0x5FFFF  }
0xac: {  	[dreg:$0x1] =	wrdreg $0xFFFFFFFF  }
0xad: {  	[dreg:$0x0] =	wrdreg $0x60  }
0xae: {  	[dreg:$0x2] =	wrdreg s24  }
0xaf: {  	[dreg:$0x3] =	wrdreg s2  }
0xb0: {  	[dreg:$0x4] =	wrdreg $0xA8000  }
0xb1: {  	[dreg:$0x5] =	wrdreg $0x9  }
0xb2: {  	_ =	task.clear_ibuf [dreg:s7], $0x6FFFF;
	_ =	strace $0x9000004C  }
0xb3: {  	s29 =	simm.s32 $0x9;
	_ =	strace $0x8000004E  }
0xb4: {  	_ =	swait.ge [sflag:s29], $0x1  }
0xb5: {  	[sflag:s29] =	ssyncadd.s32 $0xFFFFFFFF  }
0xb6: {  	_ =	strace $0x9000004E  }
0xb7: {  	_ =	sfence  }
0xb8: {  	s30 =	sld [smem:$0x0];
	_ =	sdelay $0x2  }
0xb9: {  	s31 =	sshll.u32 s1, $0xD;
	s1 =	sshrl.u32 s1, $0x2  }
0xba: {  	s3 =	sand.u32 $0x4000, s31;
	s1 =	sadd.s32 s1, s30  }
0xbb: {  	s0 =	sor.u32 s3, s0;
	s1 =	sshll.u32 s1, $0x11  }
0xbc: {  	s0 =	sor.u32 s1, s0  }
0xbd: {  	s0 =	sadd.s32 $0x8F2B, s0  }
0xbe: {  	[sflag:s0] =	ssyncadd.remote.s32 $0x1  }
0xbf: {  	_ =	sfence.sel $0xFFFF  }
0xc0: {  	[dreg:$0x0] =	wrdreg $0xFFFFFFFF;
	(pc) =	sbr.abs _section_cstart, $3  }
0xc1: {  	[dreg:$0x1] =	wrdreg $0xFFFFFFFF  }
0xc2: {  	_ =	task.clear_ibuf [dreg:s7], $0x2FFFF;
	_ =	strace $0x9FFFFFFF  }
0xc3: {  	(tm) =	ssettm $0x7FFFFFFF  }
tec
execute0_lowered:
.L_overlay_start_1:
0x0: {  	(tag) =	ssettag $0x1  }
0x1: {  	s5 =	rddreg [dreg:$0x0]  }
0x2: {  	s10 =	rddreg [dreg:$0x1]  }
0x3: {  	s1 =	rddreg [dreg:$0x2]  }
0x4: {  	s0 =	rddreg [dreg:$0x3];
	s2 =	simm.s32 $0x0;
	s3 =	srdreg.scid  }
0x5: {  	s15 =	simm.s32 $0x1400;
	s16 =	simm.s32 $0x7D;
	s17 =	simm.s32 $0x2800  }
0x6: {  	s18 =	simm.s32 $0x80;
	s19 =	simm.s32 $0x6800;
	s20 =	simm.s32 $0x1  }
0x7: {  	s21 =	simm.s32 $0x2;
	[smem:$0x7FF] =	sst s2;
	s4 =	sand.u32 $0x1, s3  }
0x8: {  	s22 =	simm.s32 $0x2700;
	s3 =	stileid.u32;
	s6 =	smul.u32 $0x28000, s4  }
0x9: {  	s23 =	simm.s32 $0x2780;
	_ =	strace $0x8000004D;
	s9 =	smul.u32 $0x50000, s3  }
0xa: {  	s7 =	ssub.s32 $0x2, s4;
	s4 =	sadd.s32 $0x3200, s5;
	s24 =	smul.u32 $0x2800, s3  }
0xb: {  	s30 =	sshll.u32 s3, $0x6;
	s14 =	smul.u32 $0x500, s3;
	s8 =	sshrl.u32 s7, $0x1  }
0xc: {  	s11 =	sadd.s32 s6, s5;
	s12 =	ssub.s32 s7, s8;
	s29 =	sshrl.u32 s9, $0x2  }
0xd: {  	s5 =	sor.u32 $0x1C03, s30;
	s31 =	sshrl.u32 s24, $0x3;
	s6 =	sadd.s32 s10, s14  }
0xe: {  	s7 =	sadd.s32 $0x5000, s10;
	s13 =	sadd.s32 s29, s1;
	s8 =	sadd.s32 $0x280, s31  }
0xf: {  	s9 =	sadd.s32 $0x5A00, s11;
	s25 =	sadd.s32 $0xA3C00, s11;
	s11 =	smax.u32 s12, $0x1  }
0x10: {  	s14 =	sadd.s32 s14, s7;
	s10 =	sadd.s32 s10, s8;
	s12 =	sshrl.u32 s13, $0x3  }
0x11: {  	s13 =	simm.s32 $0x3;
	s24 =	sadd.s32 s24, s25;
	s25 =	simm.s32 $0x0  }
.LBB2_1:
0x12: {  	[spmem:s12], [sflag:s5] =	dma.local [hbm:s4], $0x2800  }
0x13: {  	_ =	swait.ge [sflag:s13], $0x2800  }
0x14: {  	[sflag:s13] =	ssyncset.done $0x0  }
0x15: {  	[sflag:s13] =	ssyncadd.s32 $0xFFFFD800  }
0x16: {  	[bflag:$0x0] =	sbarrier.arrive $0xFFFF  }
0x17: {  	[tilespmem:s2], [sflag:$0x3] =	stream.linear.gather [hbm4b:s6+s2], $0x1400, $0x38;
	[tilespmem:$0x1E800] =	vst v63  }
0x18: {  	_ =	swait.ge [sflag:s13], $0x1400  }
0x19: {  	[sflag:s13] =	ssyncset.done $0x0  }
0x1a: {  	[sflag:s13] =	ssyncadd.s32 $0xFFFFEC00  }
0x1b: {  	[tilespmem:s15], [sflag:$0x3] =	stream.linear.gather [hbm4b:s14+s2], $0x1400, $0x38;
	[tilespmem:$0x1E800] =	vst v63  }
0x1c: {  	_ =	swait.ge [sflag:s13], $0x1400  }
0x1d: {  	[sflag:s13] =	ssyncset.done $0x0  }
0x1e: {  	[sflag:s13] =	ssyncadd.s32 $0xFFFFEC00  }
0x1f: {  	[tilespmem:s17], [sflag:$0x1] =	stream.indirect.gather [hbm4b:s9+s16], $0x80, s2, s16, $0xb8;
	[tilespmem:$0x1E800] =	vst v63  }
0x20: {  	_ = 	snop  }
0x21: {  	[tilespmem:s19], [sflag:$0x2] =	stream.indirect.gather [hbm4b:s9+s16], $0x80, s18, s16, $0xb8;
	[tilespmem:$0x1E800] =	vst v63  }
0x22: {  	_ =	swait.ge [sflag:s20], $0x3E80  }
0x23: {  	[sflag:s20] =	ssyncset.done $0x0  }
0x24: {  	s26 =	simm.s32 $0x1400;
	[sflag:s20] =	ssyncadd.s32 $0xFFFFC180  }
0x25: {  	[spmem:s1] =	stream.indirect.scatter.add.f32 [tilespmem:s17], [sflag:$0x3], $0x80, s26, s16, $0xb8;
	[tilespmem:$0x1E800] =	vst v63  }
0x26: {  	_ =	swait.ge [sflag:s13], $0x3E80  }
0x27: {  	[sflag:s13] =	ssyncset.done $0x0  }
0x28: {  	s30 =	simm.s32 $0x100;
	[sflag:s13] =	ssyncadd.s32 $0xFFFFC180  }
0x29: {  	[tilespmem:s17], [sflag:$0x1] =	stream.indirect.gather [hbm4b:s9+s16], $0x80, s30, s16, $0xb8;
	[tilespmem:$0x1E800] =	vst v63  }
0x2a: {  	_ =	swait.ge [sflag:s21], $0x3E80  }
0x2b: {  	[sflag:s21] =	ssyncset.done $0x0  }
0x2c: {  	s31 =	simm.s32 $0x1480;
	[sflag:s21] =	ssyncadd.s32 $0xFFFFC180  }
0x2d: {  	[spmem:s1] =	stream.indirect.scatter.add.f32 [tilespmem:s19], [sflag:$0x3], $0x80, s31, s16, $0xb8;
	[tilespmem:$0x1E800] =	vst v63  }
0x2e: {  	_ =	swait.ge [sflag:s13], $0x3E80  }
0x2f: {  	[sflag:s13] =	ssyncset.done $0x0  }
0x30: {  	s28 =	simm.s32 $0x180;
	s26 =	simm.s32 $0x400;
	[sflag:s13] =	ssyncadd.s32 $0xFFFFC180  }
.LBB2_2:
0x31: {  	[tilespmem:s19], [sflag:$0x2] =	stream.indirect.gather [hbm4b:s9+s16], $0x80, s28, s16, $0xb8;
	[tilespmem:$0x1E800] =	vst v63  }
0x32: {  	s28 =	smov.u32 s26  }
0x33: {  	p0 =	sne.s32 s26, $0x4800;
	s26 =	sadd.s32 $0x400, s26;
	_ =	swait.ge [sflag:s20], $0x3E80  }
0x34: {  	s28 =	sshra.s32 s28, $0x2;
	[sflag:s20] =	ssyncset.done $0x0  }
0x35: {  	s29 =	sadd.s32 $0x1400, s28;
	[sflag:s20] =	ssyncadd.s32 $0xFFFFC180  }
0x36: {  	[spmem:s1] =	stream.indirect.scatter.add.f32 [tilespmem:s17], [sflag:$0x3], $0x80, s29, s16, $0xb8;
	[tilespmem:$0x1E800] =	vst v63  }
0x37: {  	_ =	swait.ge [sflag:s13], $0x3E80  }
0x38: {  	[sflag:s13] =	ssyncset.done $0x0  }
0x39: {  	s29 =	sadd.s32 $0x100, s28;
	[sflag:s13] =	ssyncadd.s32 $0xFFFFC180  }
0x3a: {  	[tilespmem:s17], [sflag:$0x1] =	stream.indirect.gather [hbm4b:s9+s16], $0x80, s29, s16, $0xb8;
	[tilespmem:$0x1E800] =	vst v63  }
0x3b: {  	_ =	swait.ge [sflag:s21], $0x3E80  }
0x3c: {  	[sflag:s21] =	ssyncset.done $0x0  }
.Ltmp0:
0x3d: {  	s29 =	sadd.s32 $0x1480, s28;
	[sflag:s21] =	ssyncadd.s32 $0xFFFFC180;
	(pc) =	sbr.rel @p0 .LBB2_2-.Ltmp0, $4  }
0x3e: {  	[spmem:s1] =	stream.indirect.scatter.add.f32 [tilespmem:s19], [sflag:$0x3], $0x80, s29, s16, $0xb8;
	[tilespmem:$0x1E800] =	vst v63  }
0x3f: {  	_ =	swait.ge [sflag:s13], $0x3E80  }
0x40: {  	[sflag:s13] =	ssyncset.done $0x0  }
0x41: {  	s28 =	sadd.s32 $0x180, s28;
	[sflag:s13] =	ssyncadd.s32 $0xFFFFC180  }
0x42: {  	[tilespmem:s19], [sflag:$0x2] =	stream.indirect.gather [hbm4b:s9+s16], $0x80, s28, s16, $0xb8;
	[tilespmem:$0x1E800] =	vst v63  }
0x43: {  	_ =	swait.ge [sflag:s20], $0x3E80  }
0x44: {  	[sflag:s20] =	ssyncset.done $0x0  }
0x45: {  	[sflag:s20] =	ssyncadd.s32 $0xFFFFC180  }
0x46: {  	[spmem:s1] =	stream.indirect.scatter.add.f32 [tilespmem:s17], [sflag:$0x3], $0x80, s22, s16, $0xb8;
	[tilespmem:$0x1E800] =	vst v63  }
0x47: {  	_ =	swait.ge [sflag:s13], $0x3E80  }
0x48: {  	[sflag:s13] =	ssyncset.done $0x0  }
0x49: {  	[sflag:s13] =	ssyncadd.s32 $0xFFFFC180  }
0x4a: {  	_ =	swait.ge [sflag:s21], $0x3E80  }
0x4b: {  	[sflag:s21] =	ssyncset.done $0x0  }
0x4c: {  	[sflag:s21] =	ssyncadd.s32 $0xFFFFC180  }
0x4d: {  	[spmem:s1] =	stream.indirect.scatter.add.f32 [tilespmem:s19], [sflag:$0x3], $0x80, s23, s16, $0xb8;
	[tilespmem:$0x1E800] =	vst v63  }
0x4e: {  	_ =	swait.ge [sflag:s13], $0x3E80  }
0x4f: {  	[sflag:s13] =	ssyncset.done $0x0  }
0x50: {  	s26 =	simm.s32 $0x0;
	[sflag:s13] =	ssyncadd.s32 $0xFFFFC180  }
0x51: {  	[tilespmem:s26], [sflag:$0x3] =	stream.linear.gather [hbm4b:s10+s26], $0x1400, $0x38;
	[tilespmem:$0x1E800] =	vst v63  }
0x52: {  	_ =	swait.ge [sflag:s13], $0x1400  }
0x53: {  	[sflag:s13] =	ssyncset.done $0x0  }
0x54: {  	s28 =	sadd.s32 s8, s7;
	[sflag:s13] =	ssyncadd.s32 $0xFFFFEC00  }
0x55: {  	[tilespmem:s15], [sflag:$0x3] =	stream.linear.gather [hbm4b:s28+s26], $0x1400, $0x38;
	[tilespmem:$0x1E800] =	vst v63  }
0x56: {  	_ =	swait.ge [sflag:s13], $0x1400  }
0x57: {  	[sflag:s13] =	ssyncset.done $0x0  }
0x58: {  	[sflag:s13] =	ssyncadd.s32 $0xFFFFEC00  }
0x59: {  	[tilespmem:s17], [sflag:$0x1] =	stream.indirect.gather [hbm4b:s9+s16], $0x80, s26, s16, $0xb8;
	[tilespmem:$0x1E800] =	vst v63  }
0x5a: {  	_ = 	snop  }
0x5b: {  	[tilespmem:s19], [sflag:$0x2] =	stream.indirect.gather [hbm4b:s9+s16], $0x80, s18, s16, $0xb8;
	[tilespmem:$0x1E800] =	vst v63  }
0x5c: {  	_ =	swait.ge [sflag:s20], $0x3E80  }
0x5d: {  	[sflag:s20] =	ssyncset.done $0x0  }
0x5e: {  	s29 =	simm.s32 $0x1400;
	[sflag:s20] =	ssyncadd.s32 $0xFFFFC180  }
0x5f: {  	[spmem:s1] =	stream.indirect.scatter.add.f32 [tilespmem:s17], [sflag:$0x3], $0x80, s29, s16, $0xb8;
	[tilespmem:$0x1E800] =	vst v63  }
0x60: {  	_ =	swait.ge [sflag:s13], $0x3E80  }
0x61: {  	[sflag:s13] =	ssyncset.done $0x0  }
0x62: {  	s30 =	simm.s32 $0x100;
	[sflag:s13] =	ssyncadd.s32 $0xFFFFC180  }
0x63: {  	[tilespmem:s17], [sflag:$0x1] =	stream.indirect.gather [hbm4b:s9+s16], $0x80, s30, s16, $0xb8;
	[tilespmem:$0x1E800] =	vst v63  }
0x64: {  	_ =	swait.ge [sflag:s21], $0x3E80  }
0x65: {  	[sflag:s21] =	ssyncset.done $0x0  }
0x66: {  	s31 =	simm.s32 $0x1480;
	[sflag:s21] =	ssyncadd.s32 $0xFFFFC180  }
0x67: {  	[spmem:s1] =	stream.indirect.scatter.add.f32 [tilespmem:s19], [sflag:$0x3], $0x80, s31, s16, $0xb8;
	[tilespmem:$0x1E800] =	vst v63  }
0x68: {  	_ =	swait.ge [sflag:s13], $0x3E80  }
0x69: {  	[sflag:s13] =	ssyncset.done $0x0  }
0x6a: {  	s28 =	simm.s32 $0x180;
	s26 =	simm.s32 $0x400;
	[sflag:s13] =	ssyncadd.s32 $0xFFFFC180  }
.LBB2_4:
0x6b: {  	[tilespmem:s19], [sflag:$0x2] =	stream.indirect.gather [hbm4b:s9+s16], $0x80, s28, s16, $0xb8;
	[tilespmem:$0x1E800] =	vst v63  }
0x6c: {  	s28 =	smov.u32 s26  }
0x6d: {  	p0 =	sne.s32 s26, $0x4800;
	s26 =	sadd.s32 $0x400, s26;
	_ =	swait.ge [sflag:s20], $0x3E80  }
0x6e: {  	s28 =	sshra.s32 s28, $0x2;
	[sflag:s20] =	ssyncset.done $0x0  }
0x6f: {  	s29 =	sadd.s32 $0x1400, s28;
	[sflag:s20] =	ssyncadd.s32 $0xFFFFC180  }
0x70: {  	[spmem:s1] =	stream.indirect.scatter.add.f32 [tilespmem:s17], [sflag:$0x3], $0x80, s29, s16, $0xb8;
	[tilespmem:$0x1E800] =	vst v63  }
0x71: {  	_ =	swait.ge [sflag:s13], $0x3E80  }
0x72: {  	[sflag:s13] =	ssyncset.done $0x0  }
0x73: {  	s29 =	sadd.s32 $0x100, s28;
	[sflag:s13] =	ssyncadd.s32 $0xFFFFC180  }
0x74: {  	[tilespmem:s17], [sflag:$0x1] =	stream.indirect.gather [hbm4b:s9+s16], $0x80, s29, s16, $0xb8;
	[tilespmem:$0x1E800] =	vst v63  }
0x75: {  	_ =	swait.ge [sflag:s21], $0x3E80  }
0x76: {  	[sflag:s21] =	ssyncset.done $0x0  }
.Ltmp1:
0x77: {  	s29 =	sadd.s32 $0x1480, s28;
	[sflag:s21] =	ssyncadd.s32 $0xFFFFC180;
	(pc) =	sbr.rel @p0 .LBB2_4-.Ltmp1, $4  }
0x78: {  	[spmem:s1] =	stream.indirect.scatter.add.f32 [tilespmem:s19], [sflag:$0x3], $0x80, s29, s16, $0xb8;
	[tilespmem:$0x1E800] =	vst v63  }
0x79: {  	_ =	swait.ge [sflag:s13], $0x3E80  }
0x7a: {  	[sflag:s13] =	ssyncset.done $0x0  }
0x7b: {  	s28 =	sadd.s32 $0x180, s28;
	[sflag:s13] =	ssyncadd.s32 $0xFFFFC180  }
0x7c: {  	[tilespmem:s19], [sflag:$0x2] =	stream.indirect.gather [hbm4b:s9+s16], $0x80, s28, s16, $0xb8;
	[tilespmem:$0x1E800] =	vst v63  }
0x7d: {  	_ =	swait.ge [sflag:s20], $0x3E80  }
0x7e: {  	[sflag:s20] =	ssyncset.done $0x0  }
0x7f: {  	[sflag:s20] =	ssyncadd.s32 $0xFFFFC180  }
0x80: {  	[spmem:s1] =	stream.indirect.scatter.add.f32 [tilespmem:s17], [sflag:$0x3], $0x80, s22, s16, $0xb8;
	[tilespmem:$0x1E800] =	vst v63  }
0x81: {  	_ =	swait.ge [sflag:s13], $0x3E80  }
0x82: {  	[sflag:s13] =	ssyncset.done $0x0  }
0x83: {  	[sflag:s13] =	ssyncadd.s32 $0xFFFFC180  }
0x84: {  	_ =	swait.ge [sflag:s21], $0x3E80  }
0x85: {  	[sflag:s21] =	ssyncset.done $0x0  }
0x86: {  	[sflag:s21] =	ssyncadd.s32 $0xFFFFC180  }
0x87: {  	[spmem:s1] =	stream.indirect.scatter.add.f32 [tilespmem:s19], [sflag:$0x3], $0x80, s23, s16, $0xb8;
	[tilespmem:$0x1E800] =	vst v63  }
0x88: {  	_ =	swait.ge [sflag:s13], $0x3E80  }
0x89: {  	s25 =	sadd.s32 $0x1, s25;
	[sflag:s13] =	ssyncset.done $0x0  }
0x8a: {  	p0 =	sne.s32 s25, s11;
	[sflag:s13] =	ssyncadd.s32 $0xFFFFC180  }
.Ltmp2:
0x8b: {  	[bflag:$0x0] =	sbarrier.arrive $0xFFFF;
	(pc) =	sbr.rel @p0 .LBB2_1-.Ltmp2, $4  }
0x8c: {  	[hbm:s24], [sflag:s5] =	dma.local [spmem:s12], $0x2800  }
0x8d: {  	_ =	swait.ge [sflag:s13], $0x2800  }
0x8e: {  	[sflag:s13] =	ssyncset.done $0x0  }
0x8f: {  	[sflag:s13] =	ssyncadd.s32 $0xFFFFD800  }
0x90: {  	_ =	sfence.sel $0x180000  }
0x91: {  	[bflag:$0x0] =	sbarrier.arrive $0xFFFF  }
0x92: {  	p0 =	sne.s32 s3, $0x0;
	_ =	strace $0x9000004D  }
0x93: {  	s0 =	sadd.s32 @!p0 $0x100000, s0;
	[bflag:$0x2] =	sbarrier.arrive $0xFFFF  }
0x94: {  	[sflag:s0] =	ssyncadd.tile.s32 @!p0 $0x1;
	_ =	shalt  }
.Lfunc_end2:
_tile_overlayer_lowered:
.L_overlay_start_2:
0x95: {  	(tag) =	ssettag $0x2  }
0x96: {  	s0 =	rddreg [dreg:$0x0];
	s2 =	stileid.u32  }
0x97: {  	s1 =	rddreg [dreg:$0x1];
	p0 =	sne.s32 s2, $0x0  }
0x98: {  	s3 =	rddreg [dreg:$0x2];
	[bflag:$0x3] =	sbarrier.arrive $0xFFFF;
	s2 =	simm.s32 @!p0 $0x1C03  }
0x99: {  	[timem:s3], [sflag:s2] =	dma.local @!p0 [hbm:s0], s1  }
0x9a: {  	s0 =	simm.s32 @!p0 $0x3  }
0x9b: {  	_ =	swait.ge @!p0 [sflag:s0], s1  }
0x9c: {  	s1 =	ssub.s32 @!p0 $0x0, s1;
	[sflag:s0] =	ssyncset.done @!p0 $0x0  }
0x9d: {  	[sflag:s0] =	ssyncadd.s32 @!p0 s1  }
0x9e: {  	[bflag:$0x3] =	sbarrier.arrive $0xFFFF  }
0x9f: {  	_ =	shalt  }

</sc_bundles>
